<compile_context>
chip_gen: v7x
topology: tpu7x:2x2x1
jax: 0.10.2.dev20260603
libtpu: 0.0.44.dev20260713+nightly
codegen_flags: <defaults>
</compile_context>

<pallas_src>
import functools

import jax
import jax.numpy as jnp
from jax import lax
from jax.experimental import pallas as pl
from jax.experimental.pallas import tpu as pltpu
from jax.experimental.pallas import tpu_sc as plsc

N = 10000
E = 320000
D = 128
H = 128
C = 64

NC = 2
NS = 16
NW = NC * NS
NP = 10112

K = 80
EPT = E // NW
NITER = EPT // K
assert E % NW == 0 and EPT % K == 0 and K % 8 == 0 and NITER % 2 == 1


def _make_segsum(n_in, n_out, w, tc_tiling=False):
    rows = n_out // NS
    assert n_out % NS == 0 and rows % 8 == 0

    mesh = plsc.VectorSubcoreMesh(core_axis_name="c", subcore_axis_name="s",
                                  num_cores=NC)

    nslot = 4

    @functools.partial(
        pl.kernel,
        out_type=jax.ShapeDtypeStruct((NC, n_out, w), jnp.float32),
        mesh=mesh,
        compiler_params=pltpu.CompilerParams(use_tc_tiling_on_sc=tc_tiling),
        scratch_types=[
            [pltpu.VMEM((K,), jnp.int32)] * nslot,
            [pltpu.VMEM((K,), jnp.int32)] * nslot,
            [pltpu.VMEM((K, w), jnp.float32)] * nslot,
            pltpu.VMEM_SHARED((n_out, w), jnp.float32),
            [pltpu.SemaphoreType.DMA] * nslot,
            [pltpu.SemaphoreType.DMA] * nslot,
        ],
    )
    def segsum(h_hbm, ei_hbm, zeros_hbm, out_hbm,
               src_v, dst_v, rows_v, acc, gsem, isem):
        c = lax.axis_index("c")
        s = lax.axis_index("s")
        wid = c * NS + s
        row0 = s * rows
        pltpu.sync_copy(zeros_hbm.at[pl.ds(row0, rows)],
                        acc.at[pl.ds(row0, rows)])
        plsc.subcore_barrier()

        ebase = wid * EPT

        for j in range(nslot - 1):
            b = ebase + j * K
            pltpu.sync_copy(ei_hbm.at[0, pl.ds(b, K)], src_v[j])
            pltpu.sync_copy(ei_hbm.at[1, pl.ds(b, K)], dst_v[j])
            pltpu.async_copy(h_hbm.at[src_v[j]], rows_v[j], gsem[j])

        def quad_body(g, carry):
            for i in range(nslot):
                j = nslot * g + i
                p = i
                p3 = (i + nslot - 1) % nslot
                jn = j + nslot - 1

                @pl.when(jn < NITER)
                def _():
                    b = ebase + jn * K
                    pltpu.async_copy(ei_hbm.at[0, pl.ds(b, K)], src_v[p3],
                                     isem[p3])
                    pltpu.async_copy(ei_hbm.at[1, pl.ds(b, K)], dst_v[p3],
                                     isem[p3])

                @pl.when(j < NITER)
                def _():
                    pltpu.make_async_copy(h_hbm.at[src_v[p]], rows_v[p],
                                          gsem[p]).wait()
                    pltpu.sync_copy(rows_v[p], acc.at[dst_v[p]], add=True)

                @pl.when(jn < NITER)
                def _():
                    b = ebase + jn * K
                    pltpu.make_async_copy(ei_hbm.at[0, pl.ds(b, K)], src_v[p3],
                                          isem[p3]).wait()
                    pltpu.make_async_copy(ei_hbm.at[1, pl.ds(b, K)], dst_v[p3],
                                          isem[p3]).wait()
                    pltpu.async_copy(h_hbm.at[src_v[p3]], rows_v[p3],
                                     gsem[p3])
            return carry

        lax.fori_loop(0, (NITER + nslot - 1) // nslot, quad_body, 0)

        plsc.subcore_barrier()
        pltpu.sync_copy(acc.at[pl.ds(row0, rows)],
                        out_hbm.at[c, pl.ds(row0, rows)])

    return segsum


_segsum_feat = _make_segsum(N, NP, H)
_segsum_hid = _make_segsum(NP, NP, H)
_segsum_y2 = _make_segsum(NP, NP, C, tc_tiling=False)


def _make_linear(n, din, dout, bn, relu):
    def body(p_ref, wt_ref, b_ref, o_ref):
        x = p_ref[0] + p_ref[1]
        y = jnp.dot(x, wt_ref[...], preferred_element_type=jnp.float32)
        y = y + b_ref[...]
        o_ref[...] = jnp.maximum(y, 0.0) if relu else y

    return pl.pallas_call(
        body,
        grid=(n // bn,),
        in_specs=[
            pl.BlockSpec((NC, bn, din), lambda i: (0, i, 0)),
            pl.BlockSpec((din, dout), lambda i: (0, 0)),
            pl.BlockSpec((1, dout), lambda i: (0, 0)),
        ],
        out_specs=pl.BlockSpec((bn, dout), lambda i: (i, 0)),
        out_shape=jax.ShapeDtypeStruct((n, dout), jnp.float32),
    )


def _make_linear_fused2(n, din, dh, dc, bn):
    def body(p_ref, w1t_ref, b1_ref, w2t_ref, h_ref, y_ref):
        x = p_ref[0] + p_ref[1]
        h = jnp.dot(x, w1t_ref[...], preferred_element_type=jnp.float32)
        h = jnp.maximum(h + b1_ref[...], 0.0)
        h_ref[...] = h
        y_ref[...] = jnp.dot(h, w2t_ref[...],
                             preferred_element_type=jnp.float32)

    return pl.pallas_call(
        body,
        grid=(n // bn,),
        in_specs=[
            pl.BlockSpec((NC, bn, din), lambda i: (0, i, 0)),
            pl.BlockSpec((din, dh), lambda i: (0, 0)),
            pl.BlockSpec((1, dh), lambda i: (0, 0)),
            pl.BlockSpec((dh, dc), lambda i: (0, 0)),
        ],
        out_specs=[
            pl.BlockSpec((bn, dh), lambda i: (i, 0)),
            pl.BlockSpec((bn, dc), lambda i: (i, 0)),
        ],
        out_shape=[
            jax.ShapeDtypeStruct((n, dh), jnp.float32),
            jax.ShapeDtypeStruct((n, dc), jnp.float32),
        ],
    )


def _make_final(n, dc, bn):
    def body(p_ref, b_ref, o_ref):
        z = p_ref[0] + p_ref[1] + b_ref[...]
        m = jnp.max(z, axis=1, keepdims=True)
        ez = z - m
        lse = jnp.log(jnp.sum(jnp.exp(ez), axis=1, keepdims=True))
        o_ref[...] = ez - lse

    return pl.pallas_call(
        body,
        grid=(n // bn,),
        in_specs=[
            pl.BlockSpec((NC, bn, dc), lambda i: (0, i, 0)),
            pl.BlockSpec((1, dc), lambda i: (0, 0)),
        ],
        out_specs=pl.BlockSpec((bn, dc), lambda i: (i, 0)),
        out_shape=jax.ShapeDtypeStruct((n, dc), jnp.float32),
    )


_BN = 632
_linear0 = _make_linear(NP, D, H, _BN, True)
_linear1f = _make_linear_fused2(NP, H, H, C, _BN)
_final = _make_final(N, C, 400)


def kernel(features, labels, mask, edge_index, W0, b0, W1, b1, W2, b2):
    zeros128 = jnp.zeros((NP, H), jnp.float32)
    zeros64 = jnp.zeros((NP, C), jnp.float32)
    w0t = W0.T
    w1t = W1.T
    w2t = W2.T
    b0r = b0.reshape(1, H)
    b1r = b1.reshape(1, H)
    b2r = b2.reshape(1, C)

    p0 = _segsum_feat(features, edge_index, zeros128)
    h0 = _linear0(p0, w0t, b0r)
    p1 = _segsum_hid(h0, edge_index, zeros128)
    h1, y2 = _linear1f(p1, w1t, b1r, w2t)
    p2 = _segsum_y2(y2, edge_index, zeros64)
    out = _final(p2, b2r)
    return out

# --- scband reference (transcript-rebuilt; emitter-appended) ---
"""Pipeline reference for scband-gcn-82008105549834 (READ-ONLY COPY).

The authoritative reference and input builder live on the scoring server;
editing this copy changes nothing except your own understanding.
"""

import jax, jax.numpy as jnp
import numpy as np

N = 10000
E = 320000
D = 128
H = 128
C = 64


def setup_inputs(seed: int = 0) -> dict:
    key = jax.random.key(seed)
    ks = jax.random.split(key, 10)
    features = jax.random.normal(ks[0], (N, D), dtype=jnp.float32)
    labels = jax.random.randint(ks[1], (N,), 0, C, dtype=jnp.int64 if jax.config.jax_enable_x64 else jnp.int32)
    mask = jnp.ones((N,), dtype=bool)
    edge_index = jax.random.randint(ks[2], (2, E), 0, N, dtype=jnp.int32)
    # Learned parameters for the 3 NodeApplyModule linear layers
    W0 = jax.random.normal(ks[3], (H, D), dtype=jnp.float32) * (1.0 / np.sqrt(D))
    b0 = jnp.zeros((H,), dtype=jnp.float32)
    W1 = jax.random.normal(ks[4], (H, H), dtype=jnp.float32) * (1.0 / np.sqrt(H))
    b1 = jnp.zeros((H,), dtype=jnp.float32)
    W2 = jax.random.normal(ks[5], (C, H), dtype=jnp.float32) * (1.0 / np.sqrt(H))
    b2 = jnp.zeros((C,), dtype=jnp.float32)
    return {"features": features, "labels": labels, "mask": mask, "edge_index": edge_index,
            "W0": W0, "b0": b0, "W1": W1, "b1": b1, "W2": W2, "b2": b2}


def reference(features, labels, mask, edge_index, W0, b0, W1, b1, W2, b2):
    # GCN: each layer does update_all(gcn_msg, gcn_reduce, NodeApplyModule):
    #   messages = src features; reduce = sum over incoming edges; apply = Linear(+activation)
    src = edge_index[0]
    dst = edge_index[1]

    h = features
    # layer 0: in_feats -> n_hidden, relu
    agg = jax.ops.segment_sum(h[src], dst, num_segments=N)
    h = agg @ W0.T + b0
    h = jax.nn.relu(h)
    # layer 1: n_hidden -> n_hidden, relu
    agg = jax.ops.segment_sum(h[src], dst, num_segments=N)
    h = agg @ W1.T + b1
    h = jax.nn.relu(h)
    # layer 2: n_hidden -> n_classes, no activation
    agg = jax.ops.segment_sum(h[src], dst, num_segments=N)
    h = agg @ W2.T + b2
    # fn_reduce = log_softmax over dim 1
    out = jax.nn.log_softmax(h, axis=1)
    return out

if __name__ == "__main__":
    import jax
    _d = setup_inputs()
    print(jax.jit(kernel)(*tuple(_d.values())))

</pallas_src>

<mosaic_0001>
#map = affine_map<(d0, d1) -> (0, 0)>
#map1 = affine_map<(d0, d1) -> (0, 0, 0)>
module attributes {stable_mosaic.version = 14 : i64} {
  func.func @segsum(%arg0: i32, %arg1: i32, %arg2: memref<10000x128xf32, #tpu.memory_space<hbm>>, %arg3: memref<2x320000xi32, #tpu.memory_space<hbm>>, %arg4: memref<10112x128xf32, #tpu.memory_space<hbm>>, %arg5: memref<2x10112x128xf32, #tpu.memory_space<hbm>>, %arg6: memref<80xi32, #tpu.memory_space<vmem>>, %arg7: memref<80xi32, #tpu.memory_space<vmem>>, %arg8: memref<80xi32, #tpu.memory_space<vmem>>, %arg9: memref<80xi32, #tpu.memory_space<vmem>>, %arg10: memref<80xi32, #tpu.memory_space<vmem>>, %arg11: memref<80xi32, #tpu.memory_space<vmem>>, %arg12: memref<80xi32, #tpu.memory_space<vmem>>, %arg13: memref<80xi32, #tpu.memory_space<vmem>>, %arg14: memref<80x128xf32, #tpu.memory_space<vmem>>, %arg15: memref<80x128xf32, #tpu.memory_space<vmem>>, %arg16: memref<80x128xf32, #tpu.memory_space<vmem>>, %arg17: memref<80x128xf32, #tpu.memory_space<vmem>>, %arg18: memref<10112x128xf32, #tpu.memory_space<vmem_shared>>, %arg19: memref<!tpu.dma_semaphore, #tpu.memory_space<semaphore_mem>>, %arg20: memref<!tpu.dma_semaphore, #tpu.memory_space<semaphore_mem>>, %arg21: memref<!tpu.dma_semaphore, #tpu.memory_space<semaphore_mem>>, %arg22: memref<!tpu.dma_semaphore, #tpu.memory_space<semaphore_mem>>, %arg23: memref<!tpu.dma_semaphore, #tpu.memory_space<semaphore_mem>>, %arg24: memref<!tpu.dma_semaphore, #tpu.memory_space<semaphore_mem>>, %arg25: memref<!tpu.dma_semaphore, #tpu.memory_space<semaphore_mem>>, %arg26: memref<!tpu.dma_semaphore, #tpu.memory_space<semaphore_mem>>) attributes {dimension_semantics = [#tpu.dimension_semantics<core_parallel>, #tpu.dimension_semantics<subcore_parallel>], iteration_bounds = array<i64: 2, 16>, scalar_prefetch = 0 : i64, scratch_operands = 21 : i64, tpu.core_type = #tpu.core_type<sc_vector_subcore>, window_params = [{transform_indices = #map}, {transform_indices = #map}, {transform_indices = #map}, {transform_indices = #map1}]} {
    %mul3A = arith.constant 16 : i32
    %mul3A_0 = arith.muli %arg0, %mul3A : i32
    %add3A = arith.addi %mul3A_0, %arg1 : i32
    %mul3A_1 = arith.constant 632 : i32
    %mul3A_2 = arith.muli %arg1, %mul3A_1 : i32
    "tpu.region"() ({
      %run_scoped3A_30 = tpu.sem_alloc : memref<!tpu.dma_semaphore, #tpu.memory_space<semaphore_mem>>
      %dma_start3A_31 = arith.constant 0 : i32
      %dma_start3A_32 = tpu.memref_slice %arg18[%mul3A_2, %dma_start3A_31] : memref<10112x128xf32, #tpu.memory_space<vmem_shared>> -> memref<632x128xf32, #tpu.memory_space<vmem_shared>>
      %dma_start3A_33 = arith.constant 0 : i32
      %dma_start3A_34 = tpu.memref_slice %arg4[%mul3A_2, %dma_start3A_33] : memref<10112x128xf32, #tpu.memory_space<hbm>> -> memref<632x128xf32, #tpu.memory_space<hbm>>
      tpu.enqueue_dma source(%dma_start3A_34 : memref<632x128xf32, #tpu.memory_space<hbm>>) target(%dma_start3A_32 : memref<632x128xf32, #tpu.memory_space<vmem_shared>>) target_semaphore(%run_scoped3A_30 : memref<!tpu.dma_semaphore, #tpu.memory_space<semaphore_mem>>)
      %dma_wait3A = arith.constant 0 : i32
      %dma_wait3A_35 = tpu.memref_slice %arg18[%mul3A_2, %dma_wait3A] : memref<10112x128xf32, #tpu.memory_space<vmem_shared>> -> memref<632x128xf32, #tpu.memory_space<vmem_shared>>
      %dma_wait3A_36 = arith.constant 0 : i32
      %dma_wait3A_37 = tpu.memref_slice %arg4[%mul3A_2, %dma_wait3A_36] : memref<10112x128xf32, #tpu.memory_space<hbm>> -> memref<632x128xf32, #tpu.memory_space<hbm>>
      tpu.wait_dma2 semaphore(%run_scoped3A_30 : memref<!tpu.dma_semaphore, #tpu.memory_space<semaphore_mem>>) src(%dma_wait3A_37 : memref<632x128xf32, #tpu.memory_space<hbm>>) dst(%dma_wait3A_35 : memref<632x128xf32, #tpu.memory_space<vmem_shared>>)
      tpu.yield
    }) : () -> ()
    %barrier3A = arith.constant 0 : index
    tpu.barrier barrier_id(%barrier3A)
    %mul3A_3 = arith.constant 10000 : i32
    %mul3A_4 = arith.muli %add3A, %mul3A_3 : i32
    %add3A_5 = arith.constant 0 : i32
    %add3A_6 = arith.addi %mul3A_4, %add3A_5 : i32
    %run_scoped3A = arith.constant 0 : i32
    "tpu.region"() ({
      %run_scoped3A_30 = tpu.sem_alloc : memref<!tpu.dma_semaphore, #tpu.memory_space<semaphore_mem>>
      %dma_start3A_31 = tpu.memref_slice %arg3[%run_scoped3A, %add3A_6] : memref<2x320000xi32, #tpu.memory_space<hbm>> -> memref<1x80xi32, #tpu.memory_space<hbm>>
      %dma_start3A_32 = tpu.memref_squeeze %dma_start3A_31 : memref<1x80xi32, #tpu.memory_space<hbm>> -> memref<80xi32, #tpu.memory_space<hbm>>
      %dma_start3A_33 = tpu.memref_slice %arg3[%run_scoped3A, %add3A_6] : memref<2x320000xi32, #tpu.memory_space<hbm>> -> memref<1x80xi32, #tpu.memory_space<hbm>>
      %dma_start3A_34 = tpu.memref_squeeze %dma_start3A_33 : memref<1x80xi32, #tpu.memory_space<hbm>> -> memref<80xi32, #tpu.memory_space<hbm>>
      tpu.enqueue_dma source(%dma_start3A_34 : memref<80xi32, #tpu.memory_space<hbm>>) target(%arg6 : memref<80xi32, #tpu.memory_space<vmem>>) target_semaphore(%run_scoped3A_30 : memref<!tpu.dma_semaphore, #tpu.memory_space<semaphore_mem>>)
      %dma_wait3A = tpu.memref_slice %arg3[%run_scoped3A, %add3A_6] : memref<2x320000xi32, #tpu.memory_space<hbm>> -> memref<1x80xi32, #tpu.memory_space<hbm>>
      %dma_wait3A_35 = tpu.memref_squeeze %dma_wait3A : memref<1x80xi32, #tpu.memory_space<hbm>> -> memref<80xi32, #tpu.memory_space<hbm>>
      %dma_wait3A_36 = tpu.memref_slice %arg3[%run_scoped3A, %add3A_6] : memref<2x320000xi32, #tpu.memory_space<hbm>> -> memref<1x80xi32, #tpu.memory_space<hbm>>
      %dma_wait3A_37 = tpu.memref_squeeze %dma_wait3A_36 : memref<1x80xi32, #tpu.memory_space<hbm>> -> memref<80xi32, #tpu.memory_space<hbm>>
      tpu.wait_dma2 semaphore(%run_scoped3A_30 : memref<!tpu.dma_semaphore, #tpu.memory_space<semaphore_mem>>) src(%dma_wait3A_37 : memref<80xi32, #tpu.memory_space<hbm>>) dst(%arg6 : memref<80xi32, #tpu.memory_space<vmem>>)
      tpu.yield
    }) : () -> ()
    %run_scoped3A_7 = arith.constant 1 : i32
    "tpu.region"() ({
      %run_scoped3A_30 = tpu.sem_alloc : memref<!tpu.dma_semaphore, #tpu.memory_space<semaphore_mem>>
      %dma_start3A_31 = tpu.memref_slice %arg3[%run_scoped3A_7, %add3A_6] : memref<2x320000xi32, #tpu.memory_space<hbm>> -> memref<1x80xi32, #tpu.memory_space<hbm>>
      %dma_start3A_32 = tpu.memref_squeeze %dma_start3A_31 : memref<1x80xi32, #tpu.memory_space<hbm>> -> memref<80xi32, #tpu.memory_space<hbm>>
      %dma_start3A_33 = tpu.memref_slice %arg3[%run_scoped3A_7, %add3A_6] : memref<2x320000xi32, #tpu.memory_space<hbm>> -> memref<1x80xi32, #tpu.memory_space<hbm>>
      %dma_start3A_34 = tpu.memref_squeeze %dma_start3A_33 : memref<1x80xi32, #tpu.memory_space<hbm>> -> memref<80xi32, #tpu.memory_space<hbm>>
      tpu.enqueue_dma source(%dma_start3A_34 : memref<80xi32, #tpu.memory_space<hbm>>) target(%arg10 : memref<80xi32, #tpu.memory_space<vmem>>) target_semaphore(%run_scoped3A_30 : memref<!tpu.dma_semaphore, #tpu.memory_space<semaphore_mem>>)
      %dma_wait3A = tpu.memref_slice %arg3[%run_scoped3A_7, %add3A_6] : memref<2x320000xi32, #tpu.memory_space<hbm>> -> memref<1x80xi32, #tpu.memory_space<hbm>>
      %dma_wait3A_35 = tpu.memref_squeeze %dma_wait3A : memref<1x80xi32, #tpu.memory_space<hbm>> -> memref<80xi32, #tpu.memory_space<hbm>>
      %dma_wait3A_36 = tpu.memref_slice %arg3[%run_scoped3A_7, %add3A_6] : memref<2x320000xi32, #tpu.memory_space<hbm>> -> memref<1x80xi32, #tpu.memory_space<hbm>>
      %dma_wait3A_37 = tpu.memref_squeeze %dma_wait3A_36 : memref<1x80xi32, #tpu.memory_space<hbm>> -> memref<80xi32, #tpu.memory_space<hbm>>
      tpu.wait_dma2 semaphore(%run_scoped3A_30 : memref<!tpu.dma_semaphore, #tpu.memory_space<semaphore_mem>>) src(%dma_wait3A_37 : memref<80xi32, #tpu.memory_space<hbm>>) dst(%arg10 : memref<80xi32, #tpu.memory_space<vmem>>)
      tpu.yield
    }) : () -> ()
    %dma_start3A = arith.constant 0 : i32
    %dma_start3A_8 = arith.constant 0 : i32
    %dma_start3A_9 = tpu.memref_slice %arg2[%dma_start3A, %dma_start3A_8] : memref<10000x128xf32, #tpu.memory_space<hbm>> -> memref<10000x128xf32, #tpu.memory_space<hbm>>
    tpu.enqueue_indirect_dma source(%dma_start3A_9 : memref<10000x128xf32, #tpu.memory_space<hbm>>) target(%arg14 : memref<80x128xf32, #tpu.memory_space<vmem>>) offsets(%arg6 : memref<80xi32, #tpu.memory_space<vmem>>) semaphore(%arg19 : memref<!tpu.dma_semaphore, #tpu.memory_space<semaphore_mem>>)
    %add3A_10 = arith.constant 80 : i32
    %add3A_11 = arith.addi %mul3A_4, %add3A_10 : i32
    %run_scoped3A_12 = arith.constant 0 : i32
    "tpu.region"() ({
      %run_scoped3A_30 = tpu.sem_alloc : memref<!tpu.dma_semaphore, #tpu.memory_space<semaphore_mem>>
      %dma_start3A_31 = tpu.memref_slice %arg3[%run_scoped3A_12, %add3A_11] : memref<2x320000xi32, #tpu.memory_space<hbm>> -> memref<1x80xi32, #tpu.memory_space<hbm>>
      %dma_start3A_32 = tpu.memref_squeeze %dma_start3A_31 : memref<1x80xi32, #tpu.memory_space<hbm>> -> memref<80xi32, #tpu.memory_space<hbm>>
      %dma_start3A_33 = tpu.memref_slice %arg3[%run_scoped3A_12, %add3A_11] : memref<2x320000xi32, #tpu.memory_space<hbm>> -> memref<1x80xi32, #tpu.memory_space<hbm>>
      %dma_start3A_34 = tpu.memref_squeeze %dma_start3A_33 : memref<1x80xi32, #tpu.memory_space<hbm>> -> memref<80xi32, #tpu.memory_space<hbm>>
      tpu.enqueue_dma source(%dma_start3A_34 : memref<80xi32, #tpu.memory_space<hbm>>) target(%arg7 : memref<80xi32, #tpu.memory_space<vmem>>) target_semaphore(%run_scoped3A_30 : memref<!tpu.dma_semaphore, #tpu.memory_space<semaphore_mem>>)
      %dma_wait3A = tpu.memref_slice %arg3[%run_scoped3A_12, %add3A_11] : memref<2x320000xi32, #tpu.memory_space<hbm>> -> memref<1x80xi32, #tpu.memory_space<hbm>>
      %dma_wait3A_35 = tpu.memref_squeeze %dma_wait3A : memref<1x80xi32, #tpu.memory_space<hbm>> -> memref<80xi32, #tpu.memory_space<hbm>>
      %dma_wait3A_36 = tpu.memref_slice %arg3[%run_scoped3A_12, %add3A_11] : memref<2x320000xi32, #tpu.memory_space<hbm>> -> memref<1x80xi32, #tpu.memory_space<hbm>>
      %dma_wait3A_37 = tpu.memref_squeeze %dma_wait3A_36 : memref<1x80xi32, #tpu.memory_space<hbm>> -> memref<80xi32, #tpu.memory_space<hbm>>
      tpu.wait_dma2 semaphore(%run_scoped3A_30 : memref<!tpu.dma_semaphore, #tpu.memory_space<semaphore_mem>>) src(%dma_wait3A_37 : memref<80xi32, #tpu.memory_space<hbm>>) dst(%arg7 : memref<80xi32, #tpu.memory_space<vmem>>)
      tpu.yield
    }) : () -> ()
    %run_scoped3A_13 = arith.constant 1 : i32
    "tpu.region"() ({
      %run_scoped3A_30 = tpu.sem_alloc : memref<!tpu.dma_semaphore, #tpu.memory_space<semaphore_mem>>
      %dma_start3A_31 = tpu.memref_slice %arg3[%run_scoped3A_13, %add3A_11] : memref<2x320000xi32, #tpu.memory_space<hbm>> -> memref<1x80xi32, #tpu.memory_space<hbm>>
      %dma_start3A_32 = tpu.memref_squeeze %dma_start3A_31 : memref<1x80xi32, #tpu.memory_space<hbm>> -> memref<80xi32, #tpu.memory_space<hbm>>
      %dma_start3A_33 = tpu.memref_slice %arg3[%run_scoped3A_13, %add3A_11] : memref<2x320000xi32, #tpu.memory_space<hbm>> -> memref<1x80xi32, #tpu.memory_space<hbm>>
      %dma_start3A_34 = tpu.memref_squeeze %dma_start3A_33 : memref<1x80xi32, #tpu.memory_space<hbm>> -> memref<80xi32, #tpu.memory_space<hbm>>
      tpu.enqueue_dma source(%dma_start3A_34 : memref<80xi32, #tpu.memory_space<hbm>>) target(%arg11 : memref<80xi32, #tpu.memory_space<vmem>>) target_semaphore(%run_scoped3A_30 : memref<!tpu.dma_semaphore, #tpu.memory_space<semaphore_mem>>)
      %dma_wait3A = tpu.memref_slice %arg3[%run_scoped3A_13, %add3A_11] : memref<2x320000xi32, #tpu.memory_space<hbm>> -> memref<1x80xi32, #tpu.memory_space<hbm>>
      %dma_wait3A_35 = tpu.memref_squeeze %dma_wait3A : memref<1x80xi32, #tpu.memory_space<hbm>> -> memref<80xi32, #tpu.memory_space<hbm>>
      %dma_wait3A_36 = tpu.memref_slice %arg3[%run_scoped3A_13, %add3A_11] : memref<2x320000xi32, #tpu.memory_space<hbm>> -> memref<1x80xi32, #tpu.memory_space<hbm>>
      %dma_wait3A_37 = tpu.memref_squeeze %dma_wait3A_36 : memref<1x80xi32, #tpu.memory_space<hbm>> -> memref<80xi32, #tpu.memory_space<hbm>>
      tpu.wait_dma2 semaphore(%run_scoped3A_30 : memref<!tpu.dma_semaphore, #tpu.memory_space<semaphore_mem>>) src(%dma_wait3A_37 : memref<80xi32, #tpu.memory_space<hbm>>) dst(%arg11 : memref<80xi32, #tpu.memory_space<vmem>>)
      tpu.yield
    }) : () -> ()
    %dma_start3A_14 = arith.constant 0 : i32
    %dma_start3A_15 = arith.constant 0 : i32
    %dma_start3A_16 = tpu.memref_slice %arg2[%dma_start3A_14, %dma_start3A_15] : memref<10000x128xf32, #tpu.memory_space<hbm>> -> memref<10000x128xf32, #tpu.memory_space<hbm>>
    tpu.enqueue_indirect_dma source(%dma_start3A_16 : memref<10000x128xf32, #tpu.memory_space<hbm>>) target(%arg15 : memref<80x128xf32, #tpu.memory_space<vmem>>) offsets(%arg7 : memref<80xi32, #tpu.memory_space<vmem>>) semaphore(%arg20 : memref<!tpu.dma_semaphore, #tpu.memory_space<semaphore_mem>>)
    %add3A_17 = arith.constant 160 : i32
    %add3A_18 = arith.addi %mul3A_4, %add3A_17 : i32
    %run_scoped3A_19 = arith.constant 0 : i32
    "tpu.region"() ({
      %run_scoped3A_30 = tpu.sem_alloc : memref<!tpu.dma_semaphore, #tpu.memory_space<semaphore_mem>>
      %dma_start3A_31 = tpu.memref_slice %arg3[%run_scoped3A_19, %add3A_18] : memref<2x320000xi32, #tpu.memory_space<hbm>> -> memref<1x80xi32, #tpu.memory_space<hbm>>
      %dma_start3A_32 = tpu.memref_squeeze %dma_start3A_31 : memref<1x80xi32, #tpu.memory_space<hbm>> -> memref<80xi32, #tpu.memory_space<hbm>>
      %dma_start3A_33 = tpu.memref_slice %arg3[%run_scoped3A_19, %add3A_18] : memref<2x320000xi32, #tpu.memory_space<hbm>> -> memref<1x80xi32, #tpu.memory_space<hbm>>
      %dma_start3A_34 = tpu.memref_squeeze %dma_start3A_33 : memref<1x80xi32, #tpu.memory_space<hbm>> -> memref<80xi32, #tpu.memory_space<hbm>>
      tpu.enqueue_dma source(%dma_start3A_34 : memref<80xi32, #tpu.memory_space<hbm>>) target(%arg8 : memref<80xi32, #tpu.memory_space<vmem>>) target_semaphore(%run_scoped3A_30 : memref<!tpu.dma_semaphore, #tpu.memory_space<semaphore_mem>>)
      %dma_wait3A = tpu.memref_slice %arg3[%run_scoped3A_19, %add3A_18] : memref<2x320000xi32, #tpu.memory_space<hbm>> -> memref<1x80xi32, #tpu.memory_space<hbm>>
      %dma_wait3A_35 = tpu.memref_squeeze %dma_wait3A : memref<1x80xi32, #tpu.memory_space<hbm>> -> memref<80xi32, #tpu.memory_space<hbm>>
      %dma_wait3A_36 = tpu.memref_slice %arg3[%run_scoped3A_19, %add3A_18] : memref<2x320000xi32, #tpu.memory_space<hbm>> -> memref<1x80xi32, #tpu.memory_space<hbm>>
      %dma_wait3A_37 = tpu.memref_squeeze %dma_wait3A_36 : memref<1x80xi32, #tpu.memory_space<hbm>> -> memref<80xi32, #tpu.memory_space<hbm>>
      tpu.wait_dma2 semaphore(%run_scoped3A_30 : memref<!tpu.dma_semaphore, #tpu.memory_space<semaphore_mem>>) src(%dma_wait3A_37 : memref<80xi32, #tpu.memory_space<hbm>>) dst(%arg8 : memref<80xi32, #tpu.memory_space<vmem>>)
      tpu.yield
    }) : () -> ()
    %run_scoped3A_20 = arith.constant 1 : i32
    "tpu.region"() ({
      %run_scoped3A_30 = tpu.sem_alloc : memref<!tpu.dma_semaphore, #tpu.memory_space<semaphore_mem>>
      %dma_start3A_31 = tpu.memref_slice %arg3[%run_scoped3A_20, %add3A_18] : memref<2x320000xi32, #tpu.memory_space<hbm>> -> memref<1x80xi32, #tpu.memory_space<hbm>>
      %dma_start3A_32 = tpu.memref_squeeze %dma_start3A_31 : memref<1x80xi32, #tpu.memory_space<hbm>> -> memref<80xi32, #tpu.memory_space<hbm>>
      %dma_start3A_33 = tpu.memref_slice %arg3[%run_scoped3A_20, %add3A_18] : memref<2x320000xi32, #tpu.memory_space<hbm>> -> memref<1x80xi32, #tpu.memory_space<hbm>>
      %dma_start3A_34 = tpu.memref_squeeze %dma_start3A_33 : memref<1x80xi32, #tpu.memory_space<hbm>> -> memref<80xi32, #tpu.memory_space<hbm>>
      tpu.enqueue_dma source(%dma_start3A_34 : memref<80xi32, #tpu.memory_space<hbm>>) target(%arg12 : memref<80xi32, #tpu.memory_space<vmem>>) target_semaphore(%run_scoped3A_30 : memref<!tpu.dma_semaphore, #tpu.memory_space<semaphore_mem>>)
      %dma_wait3A = tpu.memref_slice %arg3[%run_scoped3A_20, %add3A_18] : memref<2x320000xi32, #tpu.memory_space<hbm>> -> memref<1x80xi32, #tpu.memory_space<hbm>>
      %dma_wait3A_35 = tpu.memref_squeeze %dma_wait3A : memref<1x80xi32, #tpu.memory_space<hbm>> -> memref<80xi32, #tpu.memory_space<hbm>>
      %dma_wait3A_36 = tpu.memref_slice %arg3[%run_scoped3A_20, %add3A_18] : memref<2x320000xi32, #tpu.memory_space<hbm>> -> memref<1x80xi32, #tpu.memory_space<hbm>>
      %dma_wait3A_37 = tpu.memref_squeeze %dma_wait3A_36 : memref<1x80xi32, #tpu.memory_space<hbm>> -> memref<80xi32, #tpu.memory_space<hbm>>
      tpu.wait_dma2 semaphore(%run_scoped3A_30 : memref<!tpu.dma_semaphore, #tpu.memory_space<semaphore_mem>>) src(%dma_wait3A_37 : memref<80xi32, #tpu.memory_space<hbm>>) dst(%arg12 : memref<80xi32, #tpu.memory_space<vmem>>)
      tpu.yield
    }) : () -> ()
    %dma_start3A_21 = arith.constant 0 : i32
    %dma_start3A_22 = arith.constant 0 : i32
    %dma_start3A_23 = tpu.memref_slice %arg2[%dma_start3A_21, %dma_start3A_22] : memref<10000x128xf32, #tpu.memory_space<hbm>> -> memref<10000x128xf32, #tpu.memory_space<hbm>>
    tpu.enqueue_indirect_dma source(%dma_start3A_23 : memref<10000x128xf32, #tpu.memory_space<hbm>>) target(%arg16 : memref<80x128xf32, #tpu.memory_space<vmem>>) offsets(%arg8 : memref<80xi32, #tpu.memory_space<vmem>>) semaphore(%arg21 : memref<!tpu.dma_semaphore, #tpu.memory_space<semaphore_mem>>)
    %scan3A = arith.constant 0 : i32
    %scan3A_24 = arith.constant 0 : i32
    %scan3A_25 = arith.constant 32 : i32
    %scan3A_26 = arith.addi %scan3A_24, %scan3A_25 : i32
    %scan3A_27 = arith.constant 1 : i32
    scf.for %scan3A_30 = %scan3A_24 to %scan3A_26 step %scan3A_27  : i32 {
      %mul3A_31 = arith.constant 4 : i32
      %mul3A_32 = arith.muli %mul3A_31, %scan3A_30 : i32
      %add3A_33 = arith.constant 0 : i32
      %add3A_34 = arith.addi %mul3A_32, %add3A_33 : i32
      %add3A_35 = arith.constant 4 : i32
      %add3A_36 = arith.addi %add3A_34, %add3A_35 : i32
      %sub3A = arith.constant 1 : i32
      %sub3A_37 = arith.subi %add3A_36, %sub3A : i32
      %lt3A = arith.constant 125 : i32
      %lt3A_38 = arith.cmpi slt, %sub3A_37, %lt3A : i32
      %convert_element_type3A = arith.extui %lt3A_38 : i1 to i32
      %cond3A = arith.constant 0 : i32
      %cond3A_39 = arith.cmpi ne, %convert_element_type3A, %cond3A : i32
      scf.if %cond3A_39 {
        %mul3A_119 = arith.constant 80 : i32
        %mul3A_120 = arith.muli %sub3A_37, %mul3A_119 : i32
        %add3A_121 = arith.addi %mul3A_4, %mul3A_120 : i32
        %dma_start3A_122 = arith.constant 0 : i32
        %dma_start3A_123 = tpu.memref_slice %arg3[%dma_start3A_122, %add3A_121] : memref<2x320000xi32, #tpu.memory_space<hbm>> -> memref<1x80xi32, #tpu.memory_space<hbm>>
        %dma_start3A_124 = tpu.memref_squeeze %dma_start3A_123 : memref<1x80xi32, #tpu.memory_space<hbm>> -> memref<80xi32, #tpu.memory_space<hbm>>
        %dma_start3A_125 = tpu.memref_slice %arg3[%dma_start3A_122, %add3A_121] : memref<2x320000xi32, #tpu.memory_space<hbm>> -> memref<1x80xi32, #tpu.memory_space<hbm>>
        %dma_start3A_126 = tpu.memref_squeeze %dma_start3A_125 : memref<1x80xi32, #tpu.memory_space<hbm>> -> memref<80xi32, #tpu.memory_space<hbm>>
        tpu.enqueue_dma source(%dma_start3A_126 : memref<80xi32, #tpu.memory_space<hbm>>) target(%arg9 : memref<80xi32, #tpu.memory_space<vmem>>) target_semaphore(%arg26 : memref<!tpu.dma_semaphore, #tpu.memory_space<semaphore_mem>>)
        %dma_start3A_127 = arith.constant 1 : i32
        %dma_start3A_128 = tpu.memref_slice %arg3[%dma_start3A_127, %add3A_121] : memref<2x320000xi32, #tpu.memory_space<hbm>> -> memref<1x80xi32, #tpu.memory_space<hbm>>
        %dma_start3A_129 = tpu.memref_squeeze %dma_start3A_128 : memref<1x80xi32, #tpu.memory_space<hbm>> -> memref<80xi32, #tpu.memory_space<hbm>>
        %dma_start3A_130 = tpu.memref_slice %arg3[%dma_start3A_127, %add3A_121] : memref<2x320000xi32, #tpu.memory_space<hbm>> -> memref<1x80xi32, #tpu.memory_space<hbm>>
        %dma_start3A_131 = tpu.memref_squeeze %dma_start3A_130 : memref<1x80xi32, #tpu.memory_space<hbm>> -> memref<80xi32, #tpu.memory_space<hbm>>
        tpu.enqueue_dma source(%dma_start3A_131 : memref<80xi32, #tpu.memory_space<hbm>>) target(%arg13 : memref<80xi32, #tpu.memory_space<vmem>>) target_semaphore(%arg26 : memref<!tpu.dma_semaphore, #tpu.memory_space<semaphore_mem>>)
      } else {
      }
      %lt3A_40 = arith.constant 125 : i32
      %lt3A_41 = arith.cmpi slt, %add3A_34, %lt3A_40 : i32
      %convert_element_type3A_42 = arith.extui %lt3A_41 : i1 to i32
      %cond3A_43 = arith.constant 0 : i32
      %cond3A_44 = arith.cmpi ne, %convert_element_type3A_42, %cond3A_43 : i32
      scf.if %cond3A_44 {
        %dma_wait3A = arith.constant 0 : i32
        %dma_wait3A_119 = arith.constant 0 : i32
        %dma_wait3A_120 = tpu.memref_slice %arg2[%dma_wait3A, %dma_wait3A_119] : memref<10000x128xf32, #tpu.memory_space<hbm>> -> memref<10000x128xf32, #tpu.memory_space<hbm>>
        tpu.wait_indirect_dma semaphore(%arg19 : memref<!tpu.dma_semaphore, #tpu.memory_space<semaphore_mem>>) src(%dma_wait3A_120 : memref<10000x128xf32, #tpu.memory_space<hbm>>) dst(%arg14 : memref<80x128xf32, #tpu.memory_space<vmem>>)
        "tpu.region"() ({
          %run_scoped3A_121 = tpu.sem_alloc : memref<!tpu.dma_semaphore, #tpu.memory_space<semaphore_mem>>
          %dma_start3A_122 = arith.constant 0 : i32
          %dma_start3A_123 = arith.constant 0 : i32
          %dma_start3A_124 = tpu.memref_slice %arg18[%dma_start3A_122, %dma_start3A_123] : memref<10112x128xf32, #tpu.memory_space<vmem_shared>> -> memref<10112x128xf32, #tpu.memory_space<vmem_shared>>
          tpu.enqueue_indirect_dma source(%arg14 : memref<80x128xf32, #tpu.memory_space<vmem>>) target(%dma_start3A_124 : memref<10112x128xf32, #tpu.memory_space<vmem_shared>>) offsets(%arg10 : memref<80xi32, #tpu.memory_space<vmem>>) semaphore(%run_scoped3A_121 : memref<!tpu.dma_semaphore, #tpu.memory_space<semaphore_mem>>) {add = true}
          %dma_wait3A_125 = arith.constant 0 : i32
          %dma_wait3A_126 = arith.constant 0 : i32
          %dma_wait3A_127 = tpu.memref_slice %arg18[%dma_wait3A_125, %dma_wait3A_126] : memref<10112x128xf32, #tpu.memory_space<vmem_shared>> -> memref<10112x128xf32, #tpu.memory_space<vmem_shared>>
          tpu.wait_indirect_dma semaphore(%run_scoped3A_121 : memref<!tpu.dma_semaphore, #tpu.memory_space<semaphore_mem>>) src(%arg14 : memref<80x128xf32, #tpu.memory_space<vmem>>) dst(%dma_wait3A_127 : memref<10112x128xf32, #tpu.memory_space<vmem_shared>>)
          tpu.yield
        }) : () -> ()
      } else {
      }
      %lt3A_45 = arith.constant 125 : i32
      %lt3A_46 = arith.cmpi slt, %sub3A_37, %lt3A_45 : i32
      %convert_element_type3A_47 = arith.extui %lt3A_46 : i1 to i32
      %cond3A_48 = arith.constant 0 : i32
      %cond3A_49 = arith.cmpi ne, %convert_element_type3A_47, %cond3A_48 : i32
      scf.if %cond3A_49 {
        %mul3A_119 = arith.constant 80 : i32
        %mul3A_120 = arith.muli %sub3A_37, %mul3A_119 : i32
        %add3A_121 = arith.addi %mul3A_4, %mul3A_120 : i32
        %dma_wait3A = arith.constant 0 : i32
        %dma_wait3A_122 = tpu.memref_slice %arg3[%dma_wait3A, %add3A_121] : memref<2x320000xi32, #tpu.memory_space<hbm>> -> memref<1x80xi32, #tpu.memory_space<hbm>>
        %dma_wait3A_123 = tpu.memref_squeeze %dma_wait3A_122 : memref<1x80xi32, #tpu.memory_space<hbm>> -> memref<80xi32, #tpu.memory_space<hbm>>
        %dma_wait3A_124 = tpu.memref_slice %arg3[%dma_wait3A, %add3A_121] : memref<2x320000xi32, #tpu.memory_space<hbm>> -> memref<1x80xi32, #tpu.memory_space<hbm>>
        %dma_wait3A_125 = tpu.memref_squeeze %dma_wait3A_124 : memref<1x80xi32, #tpu.memory_space<hbm>> -> memref<80xi32, #tpu.memory_space<hbm>>
        tpu.wait_dma2 semaphore(%arg26 : memref<!tpu.dma_semaphore, #tpu.memory_space<semaphore_mem>>) src(%dma_wait3A_125 : memref<80xi32, #tpu.memory_space<hbm>>) dst(%arg9 : memref<80xi32, #tpu.memory_space<vmem>>)
        %dma_wait3A_126 = arith.constant 1 : i32
        %dma_wait3A_127 = tpu.memref_slice %arg3[%dma_wait3A_126, %add3A_121] : memref<2x320000xi32, #tpu.memory_space<hbm>> -> memref<1x80xi32, #tpu.memory_space<hbm>>
        %dma_wait3A_128 = tpu.memref_squeeze %dma_wait3A_127 : memref<1x80xi32, #tpu.memory_space<hbm>> -> memref<80xi32, #tpu.memory_space<hbm>>
        %dma_wait3A_129 = tpu.memref_slice %arg3[%dma_wait3A_126, %add3A_121] : memref<2x320000xi32, #tpu.memory_space<hbm>> -> memref<1x80xi32, #tpu.memory_space<hbm>>
        %dma_wait3A_130 = tpu.memref_squeeze %dma_wait3A_129 : memref<1x80xi32, #tpu.memory_space<hbm>> -> memref<80xi32, #tpu.memory_space<hbm>>
        tpu.wait_dma2 semaphore(%arg26 : memref<!tpu.dma_semaphore, #tpu.memory_space<semaphore_mem>>) src(%dma_wait3A_130 : memref<80xi32, #tpu.memory_space<hbm>>) dst(%arg13 : memref<80xi32, #tpu.memory_space<vmem>>)
        %dma_start3A_131 = arith.constant 0 : i32
        %dma_start3A_132 = arith.constant 0 : i32
        %dma_start3A_133 = tpu.memref_slice %arg2[%dma_start3A_131, %dma_start3A_132] : memref<10000x128xf32, #tpu.memory_space<hbm>> -> memref<10000x128xf32, #tpu.memory_space<hbm>>
        tpu.enqueue_indirect_dma source(%dma_start3A_133 : memref<10000x128xf32, #tpu.memory_space<hbm>>) target(%arg17 : memref<80x128xf32, #tpu.memory_space<vmem>>) offsets(%arg9 : memref<80xi32, #tpu.memory_space<vmem>>) semaphore(%arg22 : memref<!tpu.dma_semaphore, #tpu.memory_space<semaphore_mem>>)
      } else {
      }
      %mul3A_50 = arith.constant 4 : i32
      %mul3A_51 = arith.muli %mul3A_50, %scan3A_30 : i32
      %add3A_52 = arith.constant 1 : i32
      %add3A_53 = arith.addi %mul3A_51, %add3A_52 : i32
      %add3A_54 = arith.constant 4 : i32
      %add3A_55 = arith.addi %add3A_53, %add3A_54 : i32
      %sub3A_56 = arith.constant 1 : i32
      %sub3A_57 = arith.subi %add3A_55, %sub3A_56 : i32
      %lt3A_58 = arith.constant 125 : i32
      %lt3A_59 = arith.cmpi slt, %sub3A_57, %lt3A_58 : i32
      %convert_element_type3A_60 = arith.extui %lt3A_59 : i1 to i32
      %cond3A_61 = arith.constant 0 : i32
      %cond3A_62 = arith.cmpi ne, %convert_element_type3A_60, %cond3A_61 : i32
      scf.if %cond3A_62 {
        %mul3A_119 = arith.constant 80 : i32
        %mul3A_120 = arith.muli %sub3A_57, %mul3A_119 : i32
        %add3A_121 = arith.addi %mul3A_4, %mul3A_120 : i32
        %dma_start3A_122 = arith.constant 0 : i32
        %dma_start3A_123 = tpu.memref_slice %arg3[%dma_start3A_122, %add3A_121] : memref<2x320000xi32, #tpu.memory_space<hbm>> -> memref<1x80xi32, #tpu.memory_space<hbm>>
        %dma_start3A_124 = tpu.memref_squeeze %dma_start3A_123 : memref<1x80xi32, #tpu.memory_space<hbm>> -> memref<80xi32, #tpu.memory_space<hbm>>
        %dma_start3A_125 = tpu.memref_slice %arg3[%dma_start3A_122, %add3A_121] : memref<2x320000xi32, #tpu.memory_space<hbm>> -> memref<1x80xi32, #tpu.memory_space<hbm>>
        %dma_start3A_126 = tpu.memref_squeeze %dma_start3A_125 : memref<1x80xi32, #tpu.memory_space<hbm>> -> memref<80xi32, #tpu.memory_space<hbm>>
        tpu.enqueue_dma source(%dma_start3A_126 : memref<80xi32, #tpu.memory_space<hbm>>) target(%arg6 : memref<80xi32, #tpu.memory_space<vmem>>) target_semaphore(%arg23 : memref<!tpu.dma_semaphore, #tpu.memory_space<semaphore_mem>>)
        %dma_start3A_127 = arith.constant 1 : i32
        %dma_start3A_128 = tpu.memref_slice %arg3[%dma_start3A_127, %add3A_121] : memref<2x320000xi32, #tpu.memory_space<hbm>> -> memref<1x80xi32, #tpu.memory_space<hbm>>
        %dma_start3A_129 = tpu.memref_squeeze %dma_start3A_128 : memref<1x80xi32, #tpu.memory_space<hbm>> -> memref<80xi32, #tpu.memory_space<hbm>>
        %dma_start3A_130 = tpu.memref_slice %arg3[%dma_start3A_127, %add3A_121] : memref<2x320000xi32, #tpu.memory_space<hbm>> -> memref<1x80xi32, #tpu.memory_space<hbm>>
        %dma_start3A_131 = tpu.memref_squeeze %dma_start3A_130 : memref<1x80xi32, #tpu.memory_space<hbm>> -> memref<80xi32, #tpu.memory_space<hbm>>
        tpu.enqueue_dma source(%dma_start3A_131 : memref<80xi32, #tpu.memory_space<hbm>>) target(%arg10 : memref<80xi32, #tpu.memory_space<vmem>>) target_semaphore(%arg23 : memref<!tpu.dma_semaphore, #tpu.memory_space<semaphore_mem>>)
      } else {
      }
      %lt3A_63 = arith.constant 125 : i32
      %lt3A_64 = arith.cmpi slt, %add3A_53, %lt3A_63 : i32
      %convert_element_type3A_65 = arith.extui %lt3A_64 : i1 to i32
      %cond3A_66 = arith.constant 0 : i32
      %cond3A_67 = arith.cmpi ne, %convert_element_type3A_65, %cond3A_66 : i32
      scf.if %cond3A_67 {
        %dma_wait3A = arith.constant 0 : i32
        %dma_wait3A_119 = arith.constant 0 : i32
        %dma_wait3A_120 = tpu.memref_slice %arg2[%dma_wait3A, %dma_wait3A_119] : memref<10000x128xf32, #tpu.memory_space<hbm>> -> memref<10000x128xf32, #tpu.memory_space<hbm>>
        tpu.wait_indirect_dma semaphore(%arg20 : memref<!tpu.dma_semaphore, #tpu.memory_space<semaphore_mem>>) src(%dma_wait3A_120 : memref<10000x128xf32, #tpu.memory_space<hbm>>) dst(%arg15 : memref<80x128xf32, #tpu.memory_space<vmem>>)
        "tpu.region"() ({
          %run_scoped3A_121 = tpu.sem_alloc : memref<!tpu.dma_semaphore, #tpu.memory_space<semaphore_mem>>
          %dma_start3A_122 = arith.constant 0 : i32
          %dma_start3A_123 = arith.constant 0 : i32
          %dma_start3A_124 = tpu.memref_slice %arg18[%dma_start3A_122, %dma_start3A_123] : memref<10112x128xf32, #tpu.memory_space<vmem_shared>> -> memref<10112x128xf32, #tpu.memory_space<vmem_shared>>
          tpu.enqueue_indirect_dma source(%arg15 : memref<80x128xf32, #tpu.memory_space<vmem>>) target(%dma_start3A_124 : memref<10112x128xf32, #tpu.memory_space<vmem_shared>>) offsets(%arg11 : memref<80xi32, #tpu.memory_space<vmem>>) semaphore(%run_scoped3A_121 : memref<!tpu.dma_semaphore, #tpu.memory_space<semaphore_mem>>) {add = true}
          %dma_wait3A_125 = arith.constant 0 : i32
          %dma_wait3A_126 = arith.constant 0 : i32
          %dma_wait3A_127 = tpu.memref_slice %arg18[%dma_wait3A_125, %dma_wait3A_126] : memref<10112x128xf32, #tpu.memory_space<vmem_shared>> -> memref<10112x128xf32, #tpu.memory_space<vmem_shared>>
          tpu.wait_indirect_dma semaphore(%run_scoped3A_121 : memref<!tpu.dma_semaphore, #tpu.memory_space<semaphore_mem>>) src(%arg15 : memref<80x128xf32, #tpu.memory_space<vmem>>) dst(%dma_wait3A_127 : memref<10112x128xf32, #tpu.memory_space<vmem_shared>>)
          tpu.yield
        }) : () -> ()
      } else {
      }
      %lt3A_68 = arith.constant 125 : i32
      %lt3A_69 = arith.cmpi slt, %sub3A_57, %lt3A_68 : i32
      %convert_element_type3A_70 = arith.extui %lt3A_69 : i1 to i32
      %cond3A_71 = arith.constant 0 : i32
      %cond3A_72 = arith.cmpi ne, %convert_element_type3A_70, %cond3A_71 : i32
      scf.if %cond3A_72 {
        %mul3A_119 = arith.constant 80 : i32
        %mul3A_120 = arith.muli %sub3A_57, %mul3A_119 : i32
        %add3A_121 = arith.addi %mul3A_4, %mul3A_120 : i32
        %dma_wait3A = arith.constant 0 : i32
        %dma_wait3A_122 = tpu.memref_slice %arg3[%dma_wait3A, %add3A_121] : memref<2x320000xi32, #tpu.memory_space<hbm>> -> memref<1x80xi32, #tpu.memory_space<hbm>>
        %dma_wait3A_123 = tpu.memref_squeeze %dma_wait3A_122 : memref<1x80xi32, #tpu.memory_space<hbm>> -> memref<80xi32, #tpu.memory_space<hbm>>
        %dma_wait3A_124 = tpu.memref_slice %arg3[%dma_wait3A, %add3A_121] : memref<2x320000xi32, #tpu.memory_space<hbm>> -> memref<1x80xi32, #tpu.memory_space<hbm>>
        %dma_wait3A_125 = tpu.memref_squeeze %dma_wait3A_124 : memref<1x80xi32, #tpu.memory_space<hbm>> -> memref<80xi32, #tpu.memory_space<hbm>>
        tpu.wait_dma2 semaphore(%arg23 : memref<!tpu.dma_semaphore, #tpu.memory_space<semaphore_mem>>) src(%dma_wait3A_125 : memref<80xi32, #tpu.memory_space<hbm>>) dst(%arg6 : memref<80xi32, #tpu.memory_space<vmem>>)
        %dma_wait3A_126 = arith.constant 1 : i32
        %dma_wait3A_127 = tpu.memref_slice %arg3[%dma_wait3A_126, %add3A_121] : memref<2x320000xi32, #tpu.memory_space<hbm>> -> memref<1x80xi32, #tpu.memory_space<hbm>>
        %dma_wait3A_128 = tpu.memref_squeeze %dma_wait3A_127 : memref<1x80xi32, #tpu.memory_space<hbm>> -> memref<80xi32, #tpu.memory_space<hbm>>
        %dma_wait3A_129 = tpu.memref_slice %arg3[%dma_wait3A_126, %add3A_121] : memref<2x320000xi32, #tpu.memory_space<hbm>> -> memref<1x80xi32, #tpu.memory_space<hbm>>
        %dma_wait3A_130 = tpu.memref_squeeze %dma_wait3A_129 : memref<1x80xi32, #tpu.memory_space<hbm>> -> memref<80xi32, #tpu.memory_space<hbm>>
        tpu.wait_dma2 semaphore(%arg23 : memref<!tpu.dma_semaphore, #tpu.memory_space<semaphore_mem>>) src(%dma_wait3A_130 : memref<80xi32, #tpu.memory_space<hbm>>) dst(%arg10 : memref<80xi32, #tpu.memory_space<vmem>>)
        %dma_start3A_131 = arith.constant 0 : i32
        %dma_start3A_132 = arith.constant 0 : i32
        %dma_start3A_133 = tpu.memref_slice %arg2[%dma_start3A_131, %dma_start3A_132] : memref<10000x128xf32, #tpu.memory_space<hbm>> -> memref<10000x128xf32, #tpu.memory_space<hbm>>
        tpu.enqueue_indirect_dma source(%dma_start3A_133 : memref<10000x128xf32, #tpu.memory_space<hbm>>) target(%arg14 : memref<80x128xf32, #tpu.memory_space<vmem>>) offsets(%arg6 : memref<80xi32, #tpu.memory_space<vmem>>) semaphore(%arg19 : memref<!tpu.dma_semaphore, #tpu.memory_space<semaphore_mem>>)
      } else {
      }
      %mul3A_73 = arith.constant 4 : i32
      %mul3A_74 = arith.muli %mul3A_73, %scan3A_30 : i32
      %add3A_75 = arith.constant 2 : i32
      %add3A_76 = arith.addi %mul3A_74, %add3A_75 : i32
      %add3A_77 = arith.constant 4 : i32
      %add3A_78 = arith.addi %add3A_76, %add3A_77 : i32
      %sub3A_79 = arith.constant 1 : i32
      %sub3A_80 = arith.subi %add3A_78, %sub3A_79 : i32
      %lt3A_81 = arith.constant 125 : i32
      %lt3A_82 = arith.cmpi slt, %sub3A_80, %lt3A_81 : i32
      %convert_element_type3A_83 = arith.extui %lt3A_82 : i1 to i32
      %cond3A_84 = arith.constant 0 : i32
      %cond3A_85 = arith.cmpi ne, %convert_element_type3A_83, %cond3A_84 : i32
      scf.if %cond3A_85 {
        %mul3A_119 = arith.constant 80 : i32
        %mul3A_120 = arith.muli %sub3A_80, %mul3A_119 : i32
        %add3A_121 = arith.addi %mul3A_4, %mul3A_120 : i32
        %dma_start3A_122 = arith.constant 0 : i32
        %dma_start3A_123 = tpu.memref_slice %arg3[%dma_start3A_122, %add3A_121] : memref<2x320000xi32, #tpu.memory_space<hbm>> -> memref<1x80xi32, #tpu.memory_space<hbm>>
        %dma_start3A_124 = tpu.memref_squeeze %dma_start3A_123 : memref<1x80xi32, #tpu.memory_space<hbm>> -> memref<80xi32, #tpu.memory_space<hbm>>
        %dma_start3A_125 = tpu.memref_slice %arg3[%dma_start3A_122, %add3A_121] : memref<2x320000xi32, #tpu.memory_space<hbm>> -> memref<1x80xi32, #tpu.memory_space<hbm>>
        %dma_start3A_126 = tpu.memref_squeeze %dma_start3A_125 : memref<1x80xi32, #tpu.memory_space<hbm>> -> memref<80xi32, #tpu.memory_space<hbm>>
        tpu.enqueue_dma source(%dma_start3A_126 : memref<80xi32, #tpu.memory_space<hbm>>) target(%arg7 : memref<80xi32, #tpu.memory_space<vmem>>) target_semaphore(%arg24 : memref<!tpu.dma_semaphore, #tpu.memory_space<semaphore_mem>>)
        %dma_start3A_127 = arith.constant 1 : i32
        %dma_start3A_128 = tpu.memref_slice %arg3[%dma_start3A_127, %add3A_121] : memref<2x320000xi32, #tpu.memory_space<hbm>> -> memref<1x80xi32, #tpu.memory_space<hbm>>
        %dma_start3A_129 = tpu.memref_squeeze %dma_start3A_128 : memref<1x80xi32, #tpu.memory_space<hbm>> -> memref<80xi32, #tpu.memory_space<hbm>>
        %dma_start3A_130 = tpu.memref_slice %arg3[%dma_start3A_127, %add3A_121] : memref<2x320000xi32, #tpu.memory_space<hbm>> -> memref<1x80xi32, #tpu.memory_space<hbm>>
        %dma_start3A_131 = tpu.memref_squeeze %dma_start3A_130 : memref<1x80xi32, #tpu.memory_space<hbm>> -> memref<80xi32, #tpu.memory_space<hbm>>
        tpu.enqueue_dma source(%dma_start3A_131 : memref<80xi32, #tpu.memory_space<hbm>>) target(%arg11 : memref<80xi32, #tpu.memory_space<vmem>>) target_semaphore(%arg24 : memref<!tpu.dma_semaphore, #tpu.memory_space<semaphore_mem>>)
      } else {
      }
      %lt3A_86 = arith.constant 125 : i32
      %lt3A_87 = arith.cmpi slt, %add3A_76, %lt3A_86 : i32
      %convert_element_type3A_88 = arith.extui %lt3A_87 : i1 to i32
      %cond3A_89 = arith.constant 0 : i32
      %cond3A_90 = arith.cmpi ne, %convert_element_type3A_88, %cond3A_89 : i32
      scf.if %cond3A_90 {
        %dma_wait3A = arith.constant 0 : i32
        %dma_wait3A_119 = arith.constant 0 : i32
        %dma_wait3A_120 = tpu.memref_slice %arg2[%dma_wait3A, %dma_wait3A_119] : memref<10000x128xf32, #tpu.memory_space<hbm>> -> memref<10000x128xf32, #tpu.memory_space<hbm>>
        tpu.wait_indirect_dma semaphore(%arg21 : memref<!tpu.dma_semaphore, #tpu.memory_space<semaphore_mem>>) src(%dma_wait3A_120 : memref<10000x128xf32, #tpu.memory_space<hbm>>) dst(%arg16 : memref<80x128xf32, #tpu.memory_space<vmem>>)
        "tpu.region"() ({
          %run_scoped3A_121 = tpu.sem_alloc : memref<!tpu.dma_semaphore, #tpu.memory_space<semaphore_mem>>
          %dma_start3A_122 = arith.constant 0 : i32
          %dma_start3A_123 = arith.constant 0 : i32
          %dma_start3A_124 = tpu.memref_slice %arg18[%dma_start3A_122, %dma_start3A_123] : memref<10112x128xf32, #tpu.memory_space<vmem_shared>> -> memref<10112x128xf32, #tpu.memory_space<vmem_shared>>
          tpu.enqueue_indirect_dma source(%arg16 : memref<80x128xf32, #tpu.memory_space<vmem>>) target(%dma_start3A_124 : memref<10112x128xf32, #tpu.memory_space<vmem_shared>>) offsets(%arg12 : memref<80xi32, #tpu.memory_space<vmem>>) semaphore(%run_scoped3A_121 : memref<!tpu.dma_semaphore, #tpu.memory_space<semaphore_mem>>) {add = true}
          %dma_wait3A_125 = arith.constant 0 : i32
          %dma_wait3A_126 = arith.constant 0 : i32
          %dma_wait3A_127 = tpu.memref_slice %arg18[%dma_wait3A_125, %dma_wait3A_126] : memref<10112x128xf32, #tpu.memory_space<vmem_shared>> -> memref<10112x128xf32, #tpu.memory_space<vmem_shared>>
          tpu.wait_indirect_dma semaphore(%run_scoped3A_121 : memref<!tpu.dma_semaphore, #tpu.memory_space<semaphore_mem>>) src(%arg16 : memref<80x128xf32, #tpu.memory_space<vmem>>) dst(%dma_wait3A_127 : memref<10112x128xf32, #tpu.memory_space<vmem_shared>>)
          tpu.yield
        }) : () -> ()
      } else {
      }
      %lt3A_91 = arith.constant 125 : i32
      %lt3A_92 = arith.cmpi slt, %sub3A_80, %lt3A_91 : i32
      %convert_element_type3A_93 = arith.extui %lt3A_92 : i1 to i32
      %cond3A_94 = arith.constant 0 : i32
      %cond3A_95 = arith.cmpi ne, %convert_element_type3A_93, %cond3A_94 : i32
      scf.if %cond3A_95 {
        %mul3A_119 = arith.constant 80 : i32
        %mul3A_120 = arith.muli %sub3A_80, %mul3A_119 : i32
        %add3A_121 = arith.addi %mul3A_4, %mul3A_120 : i32
        %dma_wait3A = arith.constant 0 : i32
        %dma_wait3A_122 = tpu.memref_slice %arg3[%dma_wait3A, %add3A_121] : memref<2x320000xi32, #tpu.memory_space<hbm>> -> memref<1x80xi32, #tpu.memory_space<hbm>>
        %dma_wait3A_123 = tpu.memref_squeeze %dma_wait3A_122 : memref<1x80xi32, #tpu.memory_space<hbm>> -> memref<80xi32, #tpu.memory_space<hbm>>
        %dma_wait3A_124 = tpu.memref_slice %arg3[%dma_wait3A, %add3A_121] : memref<2x320000xi32, #tpu.memory_space<hbm>> -> memref<1x80xi32, #tpu.memory_space<hbm>>
        %dma_wait3A_125 = tpu.memref_squeeze %dma_wait3A_124 : memref<1x80xi32, #tpu.memory_space<hbm>> -> memref<80xi32, #tpu.memory_space<hbm>>
        tpu.wait_dma2 semaphore(%arg24 : memref<!tpu.dma_semaphore, #tpu.memory_space<semaphore_mem>>) src(%dma_wait3A_125 : memref<80xi32, #tpu.memory_space<hbm>>) dst(%arg7 : memref<80xi32, #tpu.memory_space<vmem>>)
        %dma_wait3A_126 = arith.constant 1 : i32
        %dma_wait3A_127 = tpu.memref_slice %arg3[%dma_wait3A_126, %add3A_121] : memref<2x320000xi32, #tpu.memory_space<hbm>> -> memref<1x80xi32, #tpu.memory_space<hbm>>
        %dma_wait3A_128 = tpu.memref_squeeze %dma_wait3A_127 : memref<1x80xi32, #tpu.memory_space<hbm>> -> memref<80xi32, #tpu.memory_space<hbm>>
        %dma_wait3A_129 = tpu.memref_slice %arg3[%dma_wait3A_126, %add3A_121] : memref<2x320000xi32, #tpu.memory_space<hbm>> -> memref<1x80xi32, #tpu.memory_space<hbm>>
        %dma_wait3A_130 = tpu.memref_squeeze %dma_wait3A_129 : memref<1x80xi32, #tpu.memory_space<hbm>> -> memref<80xi32, #tpu.memory_space<hbm>>
        tpu.wait_dma2 semaphore(%arg24 : memref<!tpu.dma_semaphore, #tpu.memory_space<semaphore_mem>>) src(%dma_wait3A_130 : memref<80xi32, #tpu.memory_space<hbm>>) dst(%arg11 : memref<80xi32, #tpu.memory_space<vmem>>)
        %dma_start3A_131 = arith.constant 0 : i32
        %dma_start3A_132 = arith.constant 0 : i32
        %dma_start3A_133 = tpu.memref_slice %arg2[%dma_start3A_131, %dma_start3A_132] : memref<10000x128xf32, #tpu.memory_space<hbm>> -> memref<10000x128xf32, #tpu.memory_space<hbm>>
        tpu.enqueue_indirect_dma source(%dma_start3A_133 : memref<10000x128xf32, #tpu.memory_space<hbm>>) target(%arg15 : memref<80x128xf32, #tpu.memory_space<vmem>>) offsets(%arg7 : memref<80xi32, #tpu.memory_space<vmem>>) semaphore(%arg20 : memref<!tpu.dma_semaphore, #tpu.memory_space<semaphore_mem>>)
      } else {
      }
      %mul3A_96 = arith.constant 4 : i32
      %mul3A_97 = arith.muli %mul3A_96, %scan3A_30 : i32
      %add3A_98 = arith.constant 3 : i32
      %add3A_99 = arith.addi %mul3A_97, %add3A_98 : i32
      %add3A_100 = arith.constant 4 : i32
      %add3A_101 = arith.addi %add3A_99, %add3A_100 : i32
      %sub3A_102 = arith.constant 1 : i32
      %sub3A_103 = arith.subi %add3A_101, %sub3A_102 : i32
      %lt3A_104 = arith.constant 125 : i32
      %lt3A_105 = arith.cmpi slt, %sub3A_103, %lt3A_104 : i32
      %convert_element_type3A_106 = arith.extui %lt3A_105 : i1 to i32
      %cond3A_107 = arith.constant 0 : i32
      %cond3A_108 = arith.cmpi ne, %convert_element_type3A_106, %cond3A_107 : i32
      scf.if %cond3A_108 {
        %mul3A_119 = arith.constant 80 : i32
        %mul3A_120 = arith.muli %sub3A_103, %mul3A_119 : i32
        %add3A_121 = arith.addi %mul3A_4, %mul3A_120 : i32
        %dma_start3A_122 = arith.constant 0 : i32
        %dma_start3A_123 = tpu.memref_slice %arg3[%dma_start3A_122, %add3A_121] : memref<2x320000xi32, #tpu.memory_space<hbm>> -> memref<1x80xi32, #tpu.memory_space<hbm>>
        %dma_start3A_124 = tpu.memref_squeeze %dma_start3A_123 : memref<1x80xi32, #tpu.memory_space<hbm>> -> memref<80xi32, #tpu.memory_space<hbm>>
        %dma_start3A_125 = tpu.memref_slice %arg3[%dma_start3A_122, %add3A_121] : memref<2x320000xi32, #tpu.memory_space<hbm>> -> memref<1x80xi32, #tpu.memory_space<hbm>>
        %dma_start3A_126 = tpu.memref_squeeze %dma_start3A_125 : memref<1x80xi32, #tpu.memory_space<hbm>> -> memref<80xi32, #tpu.memory_space<hbm>>
        tpu.enqueue_dma source(%dma_start3A_126 : memref<80xi32, #tpu.memory_space<hbm>>) target(%arg8 : memref<80xi32, #tpu.memory_space<vmem>>) target_semaphore(%arg25 : memref<!tpu.dma_semaphore, #tpu.memory_space<semaphore_mem>>)
        %dma_start3A_127 = arith.constant 1 : i32
        %dma_start3A_128 = tpu.memref_slice %arg3[%dma_start3A_127, %add3A_121] : memref<2x320000xi32, #tpu.memory_space<hbm>> -> memref<1x80xi32, #tpu.memory_space<hbm>>
        %dma_start3A_129 = tpu.memref_squeeze %dma_start3A_128 : memref<1x80xi32, #tpu.memory_space<hbm>> -> memref<80xi32, #tpu.memory_space<hbm>>
        %dma_start3A_130 = tpu.memref_slice %arg3[%dma_start3A_127, %add3A_121] : memref<2x320000xi32, #tpu.memory_space<hbm>> -> memref<1x80xi32, #tpu.memory_space<hbm>>
        %dma_start3A_131 = tpu.memref_squeeze %dma_start3A_130 : memref<1x80xi32, #tpu.memory_space<hbm>> -> memref<80xi32, #tpu.memory_space<hbm>>
        tpu.enqueue_dma source(%dma_start3A_131 : memref<80xi32, #tpu.memory_space<hbm>>) target(%arg12 : memref<80xi32, #tpu.memory_space<vmem>>) target_semaphore(%arg25 : memref<!tpu.dma_semaphore, #tpu.memory_space<semaphore_mem>>)
      } else {
      }
      %lt3A_109 = arith.constant 125 : i32
      %lt3A_110 = arith.cmpi slt, %add3A_99, %lt3A_109 : i32
      %convert_element_type3A_111 = arith.extui %lt3A_110 : i1 to i32
      %cond3A_112 = arith.constant 0 : i32
      %cond3A_113 = arith.cmpi ne, %convert_element_type3A_111, %cond3A_112 : i32
      scf.if %cond3A_113 {
        %dma_wait3A = arith.constant 0 : i32
        %dma_wait3A_119 = arith.constant 0 : i32
        %dma_wait3A_120 = tpu.memref_slice %arg2[%dma_wait3A, %dma_wait3A_119] : memref<10000x128xf32, #tpu.memory_space<hbm>> -> memref<10000x128xf32, #tpu.memory_space<hbm>>
        tpu.wait_indirect_dma semaphore(%arg22 : memref<!tpu.dma_semaphore, #tpu.memory_space<semaphore_mem>>) src(%dma_wait3A_120 : memref<10000x128xf32, #tpu.memory_space<hbm>>) dst(%arg17 : memref<80x128xf32, #tpu.memory_space<vmem>>)
        "tpu.region"() ({
          %run_scoped3A_121 = tpu.sem_alloc : memref<!tpu.dma_semaphore, #tpu.memory_space<semaphore_mem>>
          %dma_start3A_122 = arith.constant 0 : i32
          %dma_start3A_123 = arith.constant 0 : i32
          %dma_start3A_124 = tpu.memref_slice %arg18[%dma_start3A_122, %dma_start3A_123] : memref<10112x128xf32, #tpu.memory_space<vmem_shared>> -> memref<10112x128xf32, #tpu.memory_space<vmem_shared>>
          tpu.enqueue_indirect_dma source(%arg17 : memref<80x128xf32, #tpu.memory_space<vmem>>) target(%dma_start3A_124 : memref<10112x128xf32, #tpu.memory_space<vmem_shared>>) offsets(%arg13 : memref<80xi32, #tpu.memory_space<vmem>>) semaphore(%run_scoped3A_121 : memref<!tpu.dma_semaphore, #tpu.memory_space<semaphore_mem>>) {add = true}
          %dma_wait3A_125 = arith.constant 0 : i32
          %dma_wait3A_126 = arith.constant 0 : i32
          %dma_wait3A_127 = tpu.memref_slice %arg18[%dma_wait3A_125, %dma_wait3A_126] : memref<10112x128xf32, #tpu.memory_space<vmem_shared>> -> memref<10112x128xf32, #tpu.memory_space<vmem_shared>>
          tpu.wait_indirect_dma semaphore(%run_scoped3A_121 : memref<!tpu.dma_semaphore, #tpu.memory_space<semaphore_mem>>) src(%arg17 : memref<80x128xf32, #tpu.memory_space<vmem>>) dst(%dma_wait3A_127 : memref<10112x128xf32, #tpu.memory_space<vmem_shared>>)
          tpu.yield
        }) : () -> ()
      } else {
      }
      %lt3A_114 = arith.constant 125 : i32
      %lt3A_115 = arith.cmpi slt, %sub3A_103, %lt3A_114 : i32
      %convert_element_type3A_116 = arith.extui %lt3A_115 : i1 to i32
      %cond3A_117 = arith.constant 0 : i32
      %cond3A_118 = arith.cmpi ne, %convert_element_type3A_116, %cond3A_117 : i32
      scf.if %cond3A_118 {
        %mul3A_119 = arith.constant 80 : i32
        %mul3A_120 = arith.muli %sub3A_103, %mul3A_119 : i32
        %add3A_121 = arith.addi %mul3A_4, %mul3A_120 : i32
        %dma_wait3A = arith.constant 0 : i32
        %dma_wait3A_122 = tpu.memref_slice %arg3[%dma_wait3A, %add3A_121] : memref<2x320000xi32, #tpu.memory_space<hbm>> -> memref<1x80xi32, #tpu.memory_space<hbm>>
        %dma_wait3A_123 = tpu.memref_squeeze %dma_wait3A_122 : memref<1x80xi32, #tpu.memory_space<hbm>> -> memref<80xi32, #tpu.memory_space<hbm>>
        %dma_wait3A_124 = tpu.memref_slice %arg3[%dma_wait3A, %add3A_121] : memref<2x320000xi32, #tpu.memory_space<hbm>> -> memref<1x80xi32, #tpu.memory_space<hbm>>
        %dma_wait3A_125 = tpu.memref_squeeze %dma_wait3A_124 : memref<1x80xi32, #tpu.memory_space<hbm>> -> memref<80xi32, #tpu.memory_space<hbm>>
        tpu.wait_dma2 semaphore(%arg25 : memref<!tpu.dma_semaphore, #tpu.memory_space<semaphore_mem>>) src(%dma_wait3A_125 : memref<80xi32, #tpu.memory_space<hbm>>) dst(%arg8 : memref<80xi32, #tpu.memory_space<vmem>>)
        %dma_wait3A_126 = arith.constant 1 : i32
        %dma_wait3A_127 = tpu.memref_slice %arg3[%dma_wait3A_126, %add3A_121] : memref<2x320000xi32, #tpu.memory_space<hbm>> -> memref<1x80xi32, #tpu.memory_space<hbm>>
        %dma_wait3A_128 = tpu.memref_squeeze %dma_wait3A_127 : memref<1x80xi32, #tpu.memory_space<hbm>> -> memref<80xi32, #tpu.memory_space<hbm>>
        %dma_wait3A_129 = tpu.memref_slice %arg3[%dma_wait3A_126, %add3A_121] : memref<2x320000xi32, #tpu.memory_space<hbm>> -> memref<1x80xi32, #tpu.memory_space<hbm>>
        %dma_wait3A_130 = tpu.memref_squeeze %dma_wait3A_129 : memref<1x80xi32, #tpu.memory_space<hbm>> -> memref<80xi32, #tpu.memory_space<hbm>>
        tpu.wait_dma2 semaphore(%arg25 : memref<!tpu.dma_semaphore, #tpu.memory_space<semaphore_mem>>) src(%dma_wait3A_130 : memref<80xi32, #tpu.memory_space<hbm>>) dst(%arg12 : memref<80xi32, #tpu.memory_space<vmem>>)
        %dma_start3A_131 = arith.constant 0 : i32
        %dma_start3A_132 = arith.constant 0 : i32
        %dma_start3A_133 = tpu.memref_slice %arg2[%dma_start3A_131, %dma_start3A_132] : memref<10000x128xf32, #tpu.memory_space<hbm>> -> memref<10000x128xf32, #tpu.memory_space<hbm>>
        tpu.enqueue_indirect_dma source(%dma_start3A_133 : memref<10000x128xf32, #tpu.memory_space<hbm>>) target(%arg16 : memref<80x128xf32, #tpu.memory_space<vmem>>) offsets(%arg8 : memref<80xi32, #tpu.memory_space<vmem>>) semaphore(%arg21 : memref<!tpu.dma_semaphore, #tpu.memory_space<semaphore_mem>>)
      } else {
      }
    }
    %scan3A_28 = arith.constant 32 : i32
    %barrier3A_29 = arith.constant 0 : index
    tpu.barrier barrier_id(%barrier3A_29)
    "tpu.region"() ({
      %run_scoped3A_30 = tpu.sem_alloc : memref<!tpu.dma_semaphore, #tpu.memory_space<semaphore_mem>>
      %dma_start3A_31 = arith.constant 0 : i32
      %dma_start3A_32 = tpu.memref_slice %arg5[%arg0, %mul3A_2, %dma_start3A_31] : memref<2x10112x128xf32, #tpu.memory_space<hbm>> -> memref<1x632x128xf32, #tpu.memory_space<hbm>>
      %dma_start3A_33 = tpu.memref_squeeze %dma_start3A_32 : memref<1x632x128xf32, #tpu.memory_space<hbm>> -> memref<632x128xf32, #tpu.memory_space<hbm>>
      %dma_start3A_34 = arith.constant 0 : i32
      %dma_start3A_35 = tpu.memref_slice %arg18[%mul3A_2, %dma_start3A_34] : memref<10112x128xf32, #tpu.memory_space<vmem_shared>> -> memref<632x128xf32, #tpu.memory_space<vmem_shared>>
      tpu.enqueue_dma source(%dma_start3A_35 : memref<632x128xf32, #tpu.memory_space<vmem_shared>>) target(%dma_start3A_33 : memref<632x128xf32, #tpu.memory_space<hbm>>) target_semaphore(%run_scoped3A_30 : memref<!tpu.dma_semaphore, #tpu.memory_space<semaphore_mem>>)
      %dma_wait3A = arith.constant 0 : i32
      %dma_wait3A_36 = tpu.memref_slice %arg5[%arg0, %mul3A_2, %dma_wait3A] : memref<2x10112x128xf32, #tpu.memory_space<hbm>> -> memref<1x632x128xf32, #tpu.memory_space<hbm>>
      %dma_wait3A_37 = tpu.memref_squeeze %dma_wait3A_36 : memref<1x632x128xf32, #tpu.memory_space<hbm>> -> memref<632x128xf32, #tpu.memory_space<hbm>>
      %dma_wait3A_38 = arith.constant 0 : i32
      %dma_wait3A_39 = tpu.memref_slice %arg18[%mul3A_2, %dma_wait3A_38] : memref<10112x128xf32, #tpu.memory_space<vmem_shared>> -> memref<632x128xf32, #tpu.memory_space<vmem_shared>>
      tpu.wait_dma2 semaphore(%run_scoped3A_30 : memref<!tpu.dma_semaphore, #tpu.memory_space<semaphore_mem>>) src(%dma_wait3A_39 : memref<632x128xf32, #tpu.memory_space<vmem_shared>>) dst(%dma_wait3A_37 : memref<632x128xf32, #tpu.memory_space<hbm>>)
      tpu.yield
    }) : () -> ()
    return
  }
}

#map = affine_map<(d0, d1) -> (0, 0)>
#map1 = affine_map<(d0, d1) -> (0, 0, 0)>
module attributes {stable_mosaic.version = 14 : i64} {
  func.func @segsum(%arg0: i32, %arg1: i32, %arg2: memref<10112x64xf32, #tpu.memory_space<hbm>>, %arg3: memref<2x320000xi32, #tpu.memory_space<hbm>>, %arg4: memref<10112x64xf32, #tpu.memory_space<hbm>>, %arg5: memref<2x10112x64xf32, #tpu.memory_space<hbm>>, %arg6: memref<80xi32, #tpu.memory_space<vmem>>, %arg7: memref<80xi32, #tpu.memory_space<vmem>>, %arg8: memref<80xi32, #tpu.memory_space<vmem>>, %arg9: memref<80xi32, #tpu.memory_space<vmem>>, %arg10: memref<80xi32, #tpu.memory_space<vmem>>, %arg11: memref<80xi32, #tpu.memory_space<vmem>>, %arg12: memref<80xi32, #tpu.memory_space<vmem>>, %arg13: memref<80xi32, #tpu.memory_space<vmem>>, %arg14: memref<80x64xf32, #tpu.memory_space<vmem>>, %arg15: memref<80x64xf32, #tpu.memory_space<vmem>>, %arg16: memref<80x64xf32, #tpu.memory_space<vmem>>, %arg17: memref<80x64xf32, #tpu.memory_space<vmem>>, %arg18: memref<10112x64xf32, #tpu.memory_space<vmem_shared>>, %arg19: memref<!tpu.dma_semaphore, #tpu.memory_space<semaphore_mem>>, %arg20: memref<!tpu.dma_semaphore, #tpu.memory_space<semaphore_mem>>, %arg21: memref<!tpu.dma_semaphore, #tpu.memory_space<semaphore_mem>>, %arg22: memref<!tpu.dma_semaphore, #tpu.memory_space<semaphore_mem>>, %arg23: memref<!tpu.dma_semaphore, #tpu.memory_space<semaphore_mem>>, %arg24: memref<!tpu.dma_semaphore, #tpu.memory_space<semaphore_mem>>, %arg25: memref<!tpu.dma_semaphore, #tpu.memory_space<semaphore_mem>>, %arg26: memref<!tpu.dma_semaphore, #tpu.memory_space<semaphore_mem>>) attributes {dimension_semantics = [#tpu.dimension_semantics<core_parallel>, #tpu.dimension_semantics<subcore_parallel>], iteration_bounds = array<i64: 2, 16>, scalar_prefetch = 0 : i64, scratch_operands = 21 : i64, tpu.core_type = #tpu.core_type<sc_vector_subcore>, window_params = [{transform_indices = #map}, {transform_indices = #map}, {transform_indices = #map}, {transform_indices = #map1}]} {
    %mul3A = arith.constant 16 : i32
    %mul3A_0 = arith.muli %arg0, %mul3A : i32
    %add3A = arith.addi %mul3A_0, %arg1 : i32
    %mul3A_1 = arith.constant 632 : i32
    %mul3A_2 = arith.muli %arg1, %mul3A_1 : i32
    "tpu.region"() ({
      %run_scoped3A_30 = tpu.sem_alloc : memref<!tpu.dma_semaphore, #tpu.memory_space<semaphore_mem>>
      %dma_start3A_31 = arith.constant 0 : i32
      %dma_start3A_32 = tpu.memref_slice %arg18[%mul3A_2, %dma_start3A_31] : memref<10112x64xf32, #tpu.memory_space<vmem_shared>> -> memref<632x64xf32, #tpu.memory_space<vmem_shared>>
      %dma_start3A_33 = arith.constant 0 : i32
      %dma_start3A_34 = tpu.memref_slice %arg4[%mul3A_2, %dma_start3A_33] : memref<10112x64xf32, #tpu.memory_space<hbm>> -> memref<632x64xf32, #tpu.memory_space<hbm>>
      tpu.enqueue_dma source(%dma_start3A_34 : memref<632x64xf32, #tpu.memory_space<hbm>>) target(%dma_start3A_32 : memref<632x64xf32, #tpu.memory_space<vmem_shared>>) target_semaphore(%run_scoped3A_30 : memref<!tpu.dma_semaphore, #tpu.memory_space<semaphore_mem>>)
      %dma_wait3A = arith.constant 0 : i32
      %dma_wait3A_35 = tpu.memref_slice %arg18[%mul3A_2, %dma_wait3A] : memref<10112x64xf32, #tpu.memory_space<vmem_shared>> -> memref<632x64xf32, #tpu.memory_space<vmem_shared>>
      %dma_wait3A_36 = arith.constant 0 : i32
      %dma_wait3A_37 = tpu.memref_slice %arg4[%mul3A_2, %dma_wait3A_36] : memref<10112x64xf32, #tpu.memory_space<hbm>> -> memref<632x64xf32, #tpu.memory_space<hbm>>
      tpu.wait_dma2 semaphore(%run_scoped3A_30 : memref<!tpu.dma_semaphore, #tpu.memory_space<semaphore_mem>>) src(%dma_wait3A_37 : memref<632x64xf32, #tpu.memory_space<hbm>>) dst(%dma_wait3A_35 : memref<632x64xf32, #tpu.memory_space<vmem_shared>>)
      tpu.yield
    }) : () -> ()
    %barrier3A = arith.constant 0 : index
    tpu.barrier barrier_id(%barrier3A)
    %mul3A_3 = arith.constant 10000 : i32
    %mul3A_4 = arith.muli %add3A, %mul3A_3 : i32
    %add3A_5 = arith.constant 0 : i32
    %add3A_6 = arith.addi %mul3A_4, %add3A_5 : i32
    %run_scoped3A = arith.constant 0 : i32
    "tpu.region"() ({
      %run_scoped3A_30 = tpu.sem_alloc : memref<!tpu.dma_semaphore, #tpu.memory_space<semaphore_mem>>
      %dma_start3A_31 = tpu.memref_slice %arg3[%run_scoped3A, %add3A_6] : memref<2x320000xi32, #tpu.memory_space<hbm>> -> memref<1x80xi32, #tpu.memory_space<hbm>>
      %dma_start3A_32 = tpu.memref_squeeze %dma_start3A_31 : memref<1x80xi32, #tpu.memory_space<hbm>> -> memref<80xi32, #tpu.memory_space<hbm>>
      %dma_start3A_33 = tpu.memref_slice %arg3[%run_scoped3A, %add3A_6] : memref<2x320000xi32, #tpu.memory_space<hbm>> -> memref<1x80xi32, #tpu.memory_space<hbm>>
      %dma_start3A_34 = tpu.memref_squeeze %dma_start3A_33 : memref<1x80xi32, #tpu.memory_space<hbm>> -> memref<80xi32, #tpu.memory_space<hbm>>
      tpu.enqueue_dma source(%dma_start3A_34 : memref<80xi32, #tpu.memory_space<hbm>>) target(%arg6 : memref<80xi32, #tpu.memory_space<vmem>>) target_semaphore(%run_scoped3A_30 : memref<!tpu.dma_semaphore, #tpu.memory_space<semaphore_mem>>)
      %dma_wait3A = tpu.memref_slice %arg3[%run_scoped3A, %add3A_6] : memref<2x320000xi32, #tpu.memory_space<hbm>> -> memref<1x80xi32, #tpu.memory_space<hbm>>
      %dma_wait3A_35 = tpu.memref_squeeze %dma_wait3A : memref<1x80xi32, #tpu.memory_space<hbm>> -> memref<80xi32, #tpu.memory_space<hbm>>
      %dma_wait3A_36 = tpu.memref_slice %arg3[%run_scoped3A, %add3A_6] : memref<2x320000xi32, #tpu.memory_space<hbm>> -> memref<1x80xi32, #tpu.memory_space<hbm>>
      %dma_wait3A_37 = tpu.memref_squeeze %dma_wait3A_36 : memref<1x80xi32, #tpu.memory_space<hbm>> -> memref<80xi32, #tpu.memory_space<hbm>>
      tpu.wait_dma2 semaphore(%run_scoped3A_30 : memref<!tpu.dma_semaphore, #tpu.memory_space<semaphore_mem>>) src(%dma_wait3A_37 : memref<80xi32, #tpu.memory_space<hbm>>) dst(%arg6 : memref<80xi32, #tpu.memory_space<vmem>>)
      tpu.yield
    }) : () -> ()
    %run_scoped3A_7 = arith.constant 1 : i32
    "tpu.region"() ({
      %run_scoped3A_30 = tpu.sem_alloc : memref<!tpu.dma_semaphore, #tpu.memory_space<semaphore_mem>>
      %dma_start3A_31 = tpu.memref_slice %arg3[%run_scoped3A_7, %add3A_6] : memref<2x320000xi32, #tpu.memory_space<hbm>> -> memref<1x80xi32, #tpu.memory_space<hbm>>
      %dma_start3A_32 = tpu.memref_squeeze %dma_start3A_31 : memref<1x80xi32, #tpu.memory_space<hbm>> -> memref<80xi32, #tpu.memory_space<hbm>>
      %dma_start3A_33 = tpu.memref_slice %arg3[%run_scoped3A_7, %add3A_6] : memref<2x320000xi32, #tpu.memory_space<hbm>> -> memref<1x80xi32, #tpu.memory_space<hbm>>
      %dma_start3A_34 = tpu.memref_squeeze %dma_start3A_33 : memref<1x80xi32, #tpu.memory_space<hbm>> -> memref<80xi32, #tpu.memory_space<hbm>>
      tpu.enqueue_dma source(%dma_start3A_34 : memref<80xi32, #tpu.memory_space<hbm>>) target(%arg10 : memref<80xi32, #tpu.memory_space<vmem>>) target_semaphore(%run_scoped3A_30 : memref<!tpu.dma_semaphore, #tpu.memory_space<semaphore_mem>>)
      %dma_wait3A = tpu.memref_slice %arg3[%run_scoped3A_7, %add3A_6] : memref<2x320000xi32, #tpu.memory_space<hbm>> -> memref<1x80xi32, #tpu.memory_space<hbm>>
      %dma_wait3A_35 = tpu.memref_squeeze %dma_wait3A : memref<1x80xi32, #tpu.memory_space<hbm>> -> memref<80xi32, #tpu.memory_space<hbm>>
      %dma_wait3A_36 = tpu.memref_slice %arg3[%run_scoped3A_7, %add3A_6] : memref<2x320000xi32, #tpu.memory_space<hbm>> -> memref<1x80xi32, #tpu.memory_space<hbm>>
      %dma_wait3A_37 = tpu.memref_squeeze %dma_wait3A_36 : memref<1x80xi32, #tpu.memory_space<hbm>> -> memref<80xi32, #tpu.memory_space<hbm>>
      tpu.wait_dma2 semaphore(%run_scoped3A_30 : memref<!tpu.dma_semaphore, #tpu.memory_space<semaphore_mem>>) src(%dma_wait3A_37 : memref<80xi32, #tpu.memory_space<hbm>>) dst(%arg10 : memref<80xi32, #tpu.memory_space<vmem>>)
      tpu.yield
    }) : () -> ()
    %dma_start3A = arith.constant 0 : i32
    %dma_start3A_8 = arith.constant 0 : i32
    %dma_start3A_9 = tpu.memref_slice %arg2[%dma_start3A, %dma_start3A_8] : memref<10112x64xf32, #tpu.memory_space<hbm>> -> memref<10112x64xf32, #tpu.memory_space<hbm>>
    tpu.enqueue_indirect_dma source(%dma_start3A_9 : memref<10112x64xf32, #tpu.memory_space<hbm>>) target(%arg14 : memref<80x64xf32, #tpu.memory_space<vmem>>) offsets(%arg6 : memref<80xi32, #tpu.memory_space<vmem>>) semaphore(%arg19 : memref<!tpu.dma_semaphore, #tpu.memory_space<semaphore_mem>>)
    %add3A_10 = arith.constant 80 : i32
    %add3A_11 = arith.addi %mul3A_4, %add3A_10 : i32
    %run_scoped3A_12 = arith.constant 0 : i32
    "tpu.region"() ({
      %run_scoped3A_30 = tpu.sem_alloc : memref<!tpu.dma_semaphore, #tpu.memory_space<semaphore_mem>>
      %dma_start3A_31 = tpu.memref_slice %arg3[%run_scoped3A_12, %add3A_11] : memref<2x320000xi32, #tpu.memory_space<hbm>> -> memref<1x80xi32, #tpu.memory_space<hbm>>
      %dma_start3A_32 = tpu.memref_squeeze %dma_start3A_31 : memref<1x80xi32, #tpu.memory_space<hbm>> -> memref<80xi32, #tpu.memory_space<hbm>>
      %dma_start3A_33 = tpu.memref_slice %arg3[%run_scoped3A_12, %add3A_11] : memref<2x320000xi32, #tpu.memory_space<hbm>> -> memref<1x80xi32, #tpu.memory_space<hbm>>
      %dma_start3A_34 = tpu.memref_squeeze %dma_start3A_33 : memref<1x80xi32, #tpu.memory_space<hbm>> -> memref<80xi32, #tpu.memory_space<hbm>>
      tpu.enqueue_dma source(%dma_start3A_34 : memref<80xi32, #tpu.memory_space<hbm>>) target(%arg7 : memref<80xi32, #tpu.memory_space<vmem>>) target_semaphore(%run_scoped3A_30 : memref<!tpu.dma_semaphore, #tpu.memory_space<semaphore_mem>>)
      %dma_wait3A = tpu.memref_slice %arg3[%run_scoped3A_12, %add3A_11] : memref<2x320000xi32, #tpu.memory_space<hbm>> -> memref<1x80xi32, #tpu.memory_space<hbm>>
      %dma_wait3A_35 = tpu.memref_squeeze %dma_wait3A : memref<1x80xi32, #tpu.memory_space<hbm>> -> memref<80xi32, #tpu.memory_space<hbm>>
      %dma_wait3A_36 = tpu.memref_slice %arg3[%run_scoped3A_12, %add3A_11] : memref<2x320000xi32, #tpu.memory_space<hbm>> -> memref<1x80xi32, #tpu.memory_space<hbm>>
      %dma_wait3A_37 = tpu.memref_squeeze %dma_wait3A_36 : memref<1x80xi32, #tpu.memory_space<hbm>> -> memref<80xi32, #tpu.memory_space<hbm>>
      tpu.wait_dma2 semaphore(%run_scoped3A_30 : memref<!tpu.dma_semaphore, #tpu.memory_space<semaphore_mem>>) src(%dma_wait3A_37 : memref<80xi32, #tpu.memory_space<hbm>>) dst(%arg7 : memref<80xi32, #tpu.memory_space<vmem>>)
      tpu.yield
    }) : () -> ()
    %run_scoped3A_13 = arith.constant 1 : i32
    "tpu.region"() ({
      %run_scoped3A_30 = tpu.sem_alloc : memref<!tpu.dma_semaphore, #tpu.memory_space<semaphore_mem>>
      %dma_start3A_31 = tpu.memref_slice %arg3[%run_scoped3A_13, %add3A_11] : memref<2x320000xi32, #tpu.memory_space<hbm>> -> memref<1x80xi32, #tpu.memory_space<hbm>>
      %dma_start3A_32 = tpu.memref_squeeze %dma_start3A_31 : memref<1x80xi32, #tpu.memory_space<hbm>> -> memref<80xi32, #tpu.memory_space<hbm>>
      %dma_start3A_33 = tpu.memref_slice %arg3[%run_scoped3A_13, %add3A_11] : memref<2x320000xi32, #tpu.memory_space<hbm>> -> memref<1x80xi32, #tpu.memory_space<hbm>>
      %dma_start3A_34 = tpu.memref_squeeze %dma_start3A_33 : memref<1x80xi32, #tpu.memory_space<hbm>> -> memref<80xi32, #tpu.memory_space<hbm>>
      tpu.enqueue_dma source(%dma_start3A_34 : memref<80xi32, #tpu.memory_space<hbm>>) target(%arg11 : memref<80xi32, #tpu.memory_space<vmem>>) target_semaphore(%run_scoped3A_30 : memref<!tpu.dma_semaphore, #tpu.memory_space<semaphore_mem>>)
      %dma_wait3A = tpu.memref_slice %arg3[%run_scoped3A_13, %add3A_11] : memref<2x320000xi32, #tpu.memory_space<hbm>> -> memref<1x80xi32, #tpu.memory_space<hbm>>
      %dma_wait3A_35 = tpu.memref_squeeze %dma_wait3A : memref<1x80xi32, #tpu.memory_space<hbm>> -> memref<80xi32, #tpu.memory_space<hbm>>
      %dma_wait3A_36 = tpu.memref_slice %arg3[%run_scoped3A_13, %add3A_11] : memref<2x320000xi32, #tpu.memory_space<hbm>> -> memref<1x80xi32, #tpu.memory_space<hbm>>
      %dma_wait3A_37 = tpu.memref_squeeze %dma_wait3A_36 : memref<1x80xi32, #tpu.memory_space<hbm>> -> memref<80xi32, #tpu.memory_space<hbm>>
      tpu.wait_dma2 semaphore(%run_scoped3A_30 : memref<!tpu.dma_semaphore, #tpu.memory_space<semaphore_mem>>) src(%dma_wait3A_37 : memref<80xi32, #tpu.memory_space<hbm>>) dst(%arg11 : memref<80xi32, #tpu.memory_space<vmem>>)
      tpu.yield
    }) : () -> ()
    %dma_start3A_14 = arith.constant 0 : i32
    %dma_start3A_15 = arith.constant 0 : i32
    %dma_start3A_16 = tpu.memref_slice %arg2[%dma_start3A_14, %dma_start3A_15] : memref<10112x64xf32, #tpu.memory_space<hbm>> -> memref<10112x64xf32, #tpu.memory_space<hbm>>
    tpu.enqueue_indirect_dma source(%dma_start3A_16 : memref<10112x64xf32, #tpu.memory_space<hbm>>) target(%arg15 : memref<80x64xf32, #tpu.memory_space<vmem>>) offsets(%arg7 : memref<80xi32, #tpu.memory_space<vmem>>) semaphore(%arg20 : memref<!tpu.dma_semaphore, #tpu.memory_space<semaphore_mem>>)
    %add3A_17 = arith.constant 160 : i32
    %add3A_18 = arith.addi %mul3A_4, %add3A_17 : i32
    %run_scoped3A_19 = arith.constant 0 : i32
    "tpu.region"() ({
      %run_scoped3A_30 = tpu.sem_alloc : memref<!tpu.dma_semaphore, #tpu.memory_space<semaphore_mem>>
      %dma_start3A_31 = tpu.memref_slice %arg3[%run_scoped3A_19, %add3A_18] : memref<2x320000xi32, #tpu.memory_space<hbm>> -> memref<1x80xi32, #tpu.memory_space<hbm>>
      %dma_start3A_32 = tpu.memref_squeeze %dma_start3A_31 : memref<1x80xi32, #tpu.memory_space<hbm>> -> memref<80xi32, #tpu.memory_space<hbm>>
      %dma_start3A_33 = tpu.memref_slice %arg3[%run_scoped3A_19, %add3A_18] : memref<2x320000xi32, #tpu.memory_space<hbm>> -> memref<1x80xi32, #tpu.memory_space<hbm>>
      %dma_start3A_34 = tpu.memref_squeeze %dma_start3A_33 : memref<1x80xi32, #tpu.memory_space<hbm>> -> memref<80xi32, #tpu.memory_space<hbm>>
      tpu.enqueue_dma source(%dma_start3A_34 : memref<80xi32, #tpu.memory_space<hbm>>) target(%arg8 : memref<80xi32, #tpu.memory_space<vmem>>) target_semaphore(%run_scoped3A_30 : memref<!tpu.dma_semaphore, #tpu.memory_space<semaphore_mem>>)
      %dma_wait3A = tpu.memref_slice %arg3[%run_scoped3A_19, %add3A_18] : memref<2x320000xi32, #tpu.memory_space<hbm>> -> memref<1x80xi32, #tpu.memory_space<hbm>>
      %dma_wait3A_35 = tpu.memref_squeeze %dma_wait3A : memref<1x80xi32, #tpu.memory_space<hbm>> -> memref<80xi32, #tpu.memory_space<hbm>>
      %dma_wait3A_36 = tpu.memref_slice %arg3[%run_scoped3A_19, %add3A_18] : memref<2x320000xi32, #tpu.memory_space<hbm>> -> memref<1x80xi32, #tpu.memory_space<hbm>>
      %dma_wait3A_37 = tpu.memref_squeeze %dma_wait3A_36 : memref<1x80xi32, #tpu.memory_space<hbm>> -> memref<80xi32, #tpu.memory_space<hbm>>
      tpu.wait_dma2 semaphore(%run_scoped3A_30 : memref<!tpu.dma_semaphore, #tpu.memory_space<semaphore_mem>>) src(%dma_wait3A_37 : memref<80xi32, #tpu.memory_space<hbm>>) dst(%arg8 : memref<80xi32, #tpu.memory_space<vmem>>)
      tpu.yield
    }) : () -> ()
    %run_scoped3A_20 = arith.constant 1 : i32
    "tpu.region"() ({
      %run_scoped3A_30 = tpu.sem_alloc : memref<!tpu.dma_semaphore, #tpu.memory_space<semaphore_mem>>
      %dma_start3A_31 = tpu.memref_slice %arg3[%run_scoped3A_20, %add3A_18] : memref<2x320000xi32, #tpu.memory_space<hbm>> -> memref<1x80xi32, #tpu.memory_space<hbm>>
      %dma_start3A_32 = tpu.memref_squeeze %dma_start3A_31 : memref<1x80xi32, #tpu.memory_space<hbm>> -> memref<80xi32, #tpu.memory_space<hbm>>
      %dma_start3A_33 = tpu.memref_slice %arg3[%run_scoped3A_20, %add3A_18] : memref<2x320000xi32, #tpu.memory_space<hbm>> -> memref<1x80xi32, #tpu.memory_space<hbm>>
      %dma_start3A_34 = tpu.memref_squeeze %dma_start3A_33 : memref<1x80xi32, #tpu.memory_space<hbm>> -> memref<80xi32, #tpu.memory_space<hbm>>
      tpu.enqueue_dma source(%dma_start3A_34 : memref<80xi32, #tpu.memory_space<hbm>>) target(%arg12 : memref<80xi32, #tpu.memory_space<vmem>>) target_semaphore(%run_scoped3A_30 : memref<!tpu.dma_semaphore, #tpu.memory_space<semaphore_mem>>)
      %dma_wait3A = tpu.memref_slice %arg3[%run_scoped3A_20, %add3A_18] : memref<2x320000xi32, #tpu.memory_space<hbm>> -> memref<1x80xi32, #tpu.memory_space<hbm>>
      %dma_wait3A_35 = tpu.memref_squeeze %dma_wait3A : memref<1x80xi32, #tpu.memory_space<hbm>> -> memref<80xi32, #tpu.memory_space<hbm>>
      %dma_wait3A_36 = tpu.memref_slice %arg3[%run_scoped3A_20, %add3A_18] : memref<2x320000xi32, #tpu.memory_space<hbm>> -> memref<1x80xi32, #tpu.memory_space<hbm>>
      %dma_wait3A_37 = tpu.memref_squeeze %dma_wait3A_36 : memref<1x80xi32, #tpu.memory_space<hbm>> -> memref<80xi32, #tpu.memory_space<hbm>>
      tpu.wait_dma2 semaphore(%run_scoped3A_30 : memref<!tpu.dma_semaphore, #tpu.memory_space<semaphore_mem>>) src(%dma_wait3A_37 : memref<80xi32, #tpu.memory_space<hbm>>) dst(%arg12 : memref<80xi32, #tpu.memory_space<vmem>>)
      tpu.yield
    }) : () -> ()
    %dma_start3A_21 = arith.constant 0 : i32
    %dma_start3A_22 = arith.constant 0 : i32
    %dma_start3A_23 = tpu.memref_slice %arg2[%dma_start3A_21, %dma_start3A_22] : memref<10112x64xf32, #tpu.memory_space<hbm>> -> memref<10112x64xf32, #tpu.memory_space<hbm>>
    tpu.enqueue_indirect_dma source(%dma_start3A_23 : memref<10112x64xf32, #tpu.memory_space<hbm>>) target(%arg16 : memref<80x64xf32, #tpu.memory_space<vmem>>) offsets(%arg8 : memref<80xi32, #tpu.memory_space<vmem>>) semaphore(%arg21 : memref<!tpu.dma_semaphore, #tpu.memory_space<semaphore_mem>>)
    %scan3A = arith.constant 0 : i32
    %scan3A_24 = arith.constant 0 : i32
    %scan3A_25 = arith.constant 32 : i32
    %scan3A_26 = arith.addi %scan3A_24, %scan3A_25 : i32
    %scan3A_27 = arith.constant 1 : i32
    scf.for %scan3A_30 = %scan3A_24 to %scan3A_26 step %scan3A_27  : i32 {
      %mul3A_31 = arith.constant 4 : i32
      %mul3A_32 = arith.muli %mul3A_31, %scan3A_30 : i32
      %add3A_33 = arith.constant 0 : i32
      %add3A_34 = arith.addi %mul3A_32, %add3A_33 : i32
      %add3A_35 = arith.constant 4 : i32
      %add3A_36 = arith.addi %add3A_34, %add3A_35 : i32
      %sub3A = arith.constant 1 : i32
      %sub3A_37 = arith.subi %add3A_36, %sub3A : i32
      %lt3A = arith.constant 125 : i32
      %lt3A_38 = arith.cmpi slt, %sub3A_37, %lt3A : i32
      %convert_element_type3A = arith.extui %lt3A_38 : i1 to i32
      %cond3A = arith.constant 0 : i32
      %cond3A_39 = arith.cmpi ne, %convert_element_type3A, %cond3A : i32
      scf.if %cond3A_39 {
        %mul3A_119 = arith.constant 80 : i32
        %mul3A_120 = arith.muli %sub3A_37, %mul3A_119 : i32
        %add3A_121 = arith.addi %mul3A_4, %mul3A_120 : i32
        %dma_start3A_122 = arith.constant 0 : i32
        %dma_start3A_123 = tpu.memref_slice %arg3[%dma_start3A_122, %add3A_121] : memref<2x320000xi32, #tpu.memory_space<hbm>> -> memref<1x80xi32, #tpu.memory_space<hbm>>
        %dma_start3A_124 = tpu.memref_squeeze %dma_start3A_123 : memref<1x80xi32, #tpu.memory_space<hbm>> -> memref<80xi32, #tpu.memory_space<hbm>>
        %dma_start3A_125 = tpu.memref_slice %arg3[%dma_start3A_122, %add3A_121] : memref<2x320000xi32, #tpu.memory_space<hbm>> -> memref<1x80xi32, #tpu.memory_space<hbm>>
        %dma_start3A_126 = tpu.memref_squeeze %dma_start3A_125 : memref<1x80xi32, #tpu.memory_space<hbm>> -> memref<80xi32, #tpu.memory_space<hbm>>
        tpu.enqueue_dma source(%dma_start3A_126 : memref<80xi32, #tpu.memory_space<hbm>>) target(%arg9 : memref<80xi32, #tpu.memory_space<vmem>>) target_semaphore(%arg26 : memref<!tpu.dma_semaphore, #tpu.memory_space<semaphore_mem>>)
        %dma_start3A_127 = arith.constant 1 : i32
        %dma_start3A_128 = tpu.memref_slice %arg3[%dma_start3A_127, %add3A_121] : memref<2x320000xi32, #tpu.memory_space<hbm>> -> memref<1x80xi32, #tpu.memory_space<hbm>>
        %dma_start3A_129 = tpu.memref_squeeze %dma_start3A_128 : memref<1x80xi32, #tpu.memory_space<hbm>> -> memref<80xi32, #tpu.memory_space<hbm>>
        %dma_start3A_130 = tpu.memref_slice %arg3[%dma_start3A_127, %add3A_121] : memref<2x320000xi32, #tpu.memory_space<hbm>> -> memref<1x80xi32, #tpu.memory_space<hbm>>
        %dma_start3A_131 = tpu.memref_squeeze %dma_start3A_130 : memref<1x80xi32, #tpu.memory_space<hbm>> -> memref<80xi32, #tpu.memory_space<hbm>>
        tpu.enqueue_dma source(%dma_start3A_131 : memref<80xi32, #tpu.memory_space<hbm>>) target(%arg13 : memref<80xi32, #tpu.memory_space<vmem>>) target_semaphore(%arg26 : memref<!tpu.dma_semaphore, #tpu.memory_space<semaphore_mem>>)
      } else {
      }
      %lt3A_40 = arith.constant 125 : i32
      %lt3A_41 = arith.cmpi slt, %add3A_34, %lt3A_40 : i32
      %convert_element_type3A_42 = arith.extui %lt3A_41 : i1 to i32
      %cond3A_43 = arith.constant 0 : i32
      %cond3A_44 = arith.cmpi ne, %convert_element_type3A_42, %cond3A_43 : i32
      scf.if %cond3A_44 {
        %dma_wait3A = arith.constant 0 : i32
        %dma_wait3A_119 = arith.constant 0 : i32
        %dma_wait3A_120 = tpu.memref_slice %arg2[%dma_wait3A, %dma_wait3A_119] : memref<10112x64xf32, #tpu.memory_space<hbm>> -> memref<10112x64xf32, #tpu.memory_space<hbm>>
        tpu.wait_indirect_dma semaphore(%arg19 : memref<!tpu.dma_semaphore, #tpu.memory_space<semaphore_mem>>) src(%dma_wait3A_120 : memref<10112x64xf32, #tpu.memory_space<hbm>>) dst(%arg14 : memref<80x64xf32, #tpu.memory_space<vmem>>)
        "tpu.region"() ({
          %run_scoped3A_121 = tpu.sem_alloc : memref<!tpu.dma_semaphore, #tpu.memory_space<semaphore_mem>>
          %dma_start3A_122 = arith.constant 0 : i32
          %dma_start3A_123 = arith.constant 0 : i32
          %dma_start3A_124 = tpu.memref_slice %arg18[%dma_start3A_122, %dma_start3A_123] : memref<10112x64xf32, #tpu.memory_space<vmem_shared>> -> memref<10112x64xf32, #tpu.memory_space<vmem_shared>>
          tpu.enqueue_indirect_dma source(%arg14 : memref<80x64xf32, #tpu.memory_space<vmem>>) target(%dma_start3A_124 : memref<10112x64xf32, #tpu.memory_space<vmem_shared>>) offsets(%arg10 : memref<80xi32, #tpu.memory_space<vmem>>) semaphore(%run_scoped3A_121 : memref<!tpu.dma_semaphore, #tpu.memory_space<semaphore_mem>>) {add = true}
          %dma_wait3A_125 = arith.constant 0 : i32
          %dma_wait3A_126 = arith.constant 0 : i32
          %dma_wait3A_127 = tpu.memref_slice %arg18[%dma_wait3A_125, %dma_wait3A_126] : memref<10112x64xf32, #tpu.memory_space<vmem_shared>> -> memref<10112x64xf32, #tpu.memory_space<vmem_shared>>
          tpu.wait_indirect_dma semaphore(%run_scoped3A_121 : memref<!tpu.dma_semaphore, #tpu.memory_space<semaphore_mem>>) src(%arg14 : memref<80x64xf32, #tpu.memory_space<vmem>>) dst(%dma_wait3A_127 : memref<10112x64xf32, #tpu.memory_space<vmem_shared>>)
          tpu.yield
        }) : () -> ()
      } else {
      }
      %lt3A_45 = arith.constant 125 : i32
      %lt3A_46 = arith.cmpi slt, %sub3A_37, %lt3A_45 : i32
      %convert_element_type3A_47 = arith.extui %lt3A_46 : i1 to i32
      %cond3A_48 = arith.constant 0 : i32
      %cond3A_49 = arith.cmpi ne, %convert_element_type3A_47, %cond3A_48 : i32
      scf.if %cond3A_49 {
        %mul3A_119 = arith.constant 80 : i32
        %mul3A_120 = arith.muli %sub3A_37, %mul3A_119 : i32
        %add3A_121 = arith.addi %mul3A_4, %mul3A_120 : i32
        %dma_wait3A = arith.constant 0 : i32
        %dma_wait3A_122 = tpu.memref_slice %arg3[%dma_wait3A, %add3A_121] : memref<2x320000xi32, #tpu.memory_space<hbm>> -> memref<1x80xi32, #tpu.memory_space<hbm>>
        %dma_wait3A_123 = tpu.memref_squeeze %dma_wait3A_122 : memref<1x80xi32, #tpu.memory_space<hbm>> -> memref<80xi32, #tpu.memory_space<hbm>>
        %dma_wait3A_124 = tpu.memref_slice %arg3[%dma_wait3A, %add3A_121] : memref<2x320000xi32, #tpu.memory_space<hbm>> -> memref<1x80xi32, #tpu.memory_space<hbm>>
        %dma_wait3A_125 = tpu.memref_squeeze %dma_wait3A_124 : memref<1x80xi32, #tpu.memory_space<hbm>> -> memref<80xi32, #tpu.memory_space<hbm>>
        tpu.wait_dma2 semaphore(%arg26 : memref<!tpu.dma_semaphore, #tpu.memory_space<semaphore_mem>>) src(%dma_wait3A_125 : memref<80xi32, #tpu.memory_space<hbm>>) dst(%arg9 : memref<80xi32, #tpu.memory_space<vmem>>)
        %dma_wait3A_126 = arith.constant 1 : i32
        %dma_wait3A_127 = tpu.memref_slice %arg3[%dma_wait3A_126, %add3A_121] : memref<2x320000xi32, #tpu.memory_space<hbm>> -> memref<1x80xi32, #tpu.memory_space<hbm>>
        %dma_wait3A_128 = tpu.memref_squeeze %dma_wait3A_127 : memref<1x80xi32, #tpu.memory_space<hbm>> -> memref<80xi32, #tpu.memory_space<hbm>>
        %dma_wait3A_129 = tpu.memref_slice %arg3[%dma_wait3A_126, %add3A_121] : memref<2x320000xi32, #tpu.memory_space<hbm>> -> memref<1x80xi32, #tpu.memory_space<hbm>>
        %dma_wait3A_130 = tpu.memref_squeeze %dma_wait3A_129 : memref<1x80xi32, #tpu.memory_space<hbm>> -> memref<80xi32, #tpu.memory_space<hbm>>
        tpu.wait_dma2 semaphore(%arg26 : memref<!tpu.dma_semaphore, #tpu.memory_space<semaphore_mem>>) src(%dma_wait3A_130 : memref<80xi32, #tpu.memory_space<hbm>>) dst(%arg13 : memref<80xi32, #tpu.memory_space<vmem>>)
        %dma_start3A_131 = arith.constant 0 : i32
        %dma_start3A_132 = arith.constant 0 : i32
        %dma_start3A_133 = tpu.memref_slice %arg2[%dma_start3A_131, %dma_start3A_132] : memref<10112x64xf32, #tpu.memory_space<hbm>> -> memref<10112x64xf32, #tpu.memory_space<hbm>>
        tpu.enqueue_indirect_dma source(%dma_start3A_133 : memref<10112x64xf32, #tpu.memory_space<hbm>>) target(%arg17 : memref<80x64xf32, #tpu.memory_space<vmem>>) offsets(%arg9 : memref<80xi32, #tpu.memory_space<vmem>>) semaphore(%arg22 : memref<!tpu.dma_semaphore, #tpu.memory_space<semaphore_mem>>)
      } else {
      }
      %mul3A_50 = arith.constant 4 : i32
      %mul3A_51 = arith.muli %mul3A_50, %scan3A_30 : i32
      %add3A_52 = arith.constant 1 : i32
      %add3A_53 = arith.addi %mul3A_51, %add3A_52 : i32
      %add3A_54 = arith.constant 4 : i32
      %add3A_55 = arith.addi %add3A_53, %add3A_54 : i32
      %sub3A_56 = arith.constant 1 : i32
      %sub3A_57 = arith.subi %add3A_55, %sub3A_56 : i32
      %lt3A_58 = arith.constant 125 : i32
      %lt3A_59 = arith.cmpi slt, %sub3A_57, %lt3A_58 : i32
      %convert_element_type3A_60 = arith.extui %lt3A_59 : i1 to i32
      %cond3A_61 = arith.constant 0 : i32
      %cond3A_62 = arith.cmpi ne, %convert_element_type3A_60, %cond3A_61 : i32
      scf.if %cond3A_62 {
        %mul3A_119 = arith.constant 80 : i32
        %mul3A_120 = arith.muli %sub3A_57, %mul3A_119 : i32
        %add3A_121 = arith.addi %mul3A_4, %mul3A_120 : i32
        %dma_start3A_122 = arith.constant 0 : i32
        %dma_start3A_123 = tpu.memref_slice %arg3[%dma_start3A_122, %add3A_121] : memref<2x320000xi32, #tpu.memory_space<hbm>> -> memref<1x80xi32, #tpu.memory_space<hbm>>
        %dma_start3A_124 = tpu.memref_squeeze %dma_start3A_123 : memref<1x80xi32, #tpu.memory_space<hbm>> -> memref<80xi32, #tpu.memory_space<hbm>>
        %dma_start3A_125 = tpu.memref_slice %arg3[%dma_start3A_122, %add3A_121] : memref<2x320000xi32, #tpu.memory_space<hbm>> -> memref<1x80xi32, #tpu.memory_space<hbm>>
        %dma_start3A_126 = tpu.memref_squeeze %dma_start3A_125 : memref<1x80xi32, #tpu.memory_space<hbm>> -> memref<80xi32, #tpu.memory_space<hbm>>
        tpu.enqueue_dma source(%dma_start3A_126 : memref<80xi32, #tpu.memory_space<hbm>>) target(%arg6 : memref<80xi32, #tpu.memory_space<vmem>>) target_semaphore(%arg23 : memref<!tpu.dma_semaphore, #tpu.memory_space<semaphore_mem>>)
        %dma_start3A_127 = arith.constant 1 : i32
        %dma_start3A_128 = tpu.memref_slice %arg3[%dma_start3A_127, %add3A_121] : memref<2x320000xi32, #tpu.memory_space<hbm>> -> memref<1x80xi32, #tpu.memory_space<hbm>>
        %dma_start3A_129 = tpu.memref_squeeze %dma_start3A_128 : memref<1x80xi32, #tpu.memory_space<hbm>> -> memref<80xi32, #tpu.memory_space<hbm>>
        %dma_start3A_130 = tpu.memref_slice %arg3[%dma_start3A_127, %add3A_121] : memref<2x320000xi32, #tpu.memory_space<hbm>> -> memref<1x80xi32, #tpu.memory_space<hbm>>
        %dma_start3A_131 = tpu.memref_squeeze %dma_start3A_130 : memref<1x80xi32, #tpu.memory_space<hbm>> -> memref<80xi32, #tpu.memory_space<hbm>>
        tpu.enqueue_dma source(%dma_start3A_131 : memref<80xi32, #tpu.memory_space<hbm>>) target(%arg10 : memref<80xi32, #tpu.memory_space<vmem>>) target_semaphore(%arg23 : memref<!tpu.dma_semaphore, #tpu.memory_space<semaphore_mem>>)
      } else {
      }
      %lt3A_63 = arith.constant 125 : i32
      %lt3A_64 = arith.cmpi slt, %add3A_53, %lt3A_63 : i32
      %convert_element_type3A_65 = arith.extui %lt3A_64 : i1 to i32
      %cond3A_66 = arith.constant 0 : i32
      %cond3A_67 = arith.cmpi ne, %convert_element_type3A_65, %cond3A_66 : i32
      scf.if %cond3A_67 {
        %dma_wait3A = arith.constant 0 : i32
        %dma_wait3A_119 = arith.constant 0 : i32
        %dma_wait3A_120 = tpu.memref_slice %arg2[%dma_wait3A, %dma_wait3A_119] : memref<10112x64xf32, #tpu.memory_space<hbm>> -> memref<10112x64xf32, #tpu.memory_space<hbm>>
        tpu.wait_indirect_dma semaphore(%arg20 : memref<!tpu.dma_semaphore, #tpu.memory_space<semaphore_mem>>) src(%dma_wait3A_120 : memref<10112x64xf32, #tpu.memory_space<hbm>>) dst(%arg15 : memref<80x64xf32, #tpu.memory_space<vmem>>)
        "tpu.region"() ({
          %run_scoped3A_121 = tpu.sem_alloc : memref<!tpu.dma_semaphore, #tpu.memory_space<semaphore_mem>>
          %dma_start3A_122 = arith.constant 0 : i32
          %dma_start3A_123 = arith.constant 0 : i32
          %dma_start3A_124 = tpu.memref_slice %arg18[%dma_start3A_122, %dma_start3A_123] : memref<10112x64xf32, #tpu.memory_space<vmem_shared>> -> memref<10112x64xf32, #tpu.memory_space<vmem_shared>>
          tpu.enqueue_indirect_dma source(%arg15 : memref<80x64xf32, #tpu.memory_space<vmem>>) target(%dma_start3A_124 : memref<10112x64xf32, #tpu.memory_space<vmem_shared>>) offsets(%arg11 : memref<80xi32, #tpu.memory_space<vmem>>) semaphore(%run_scoped3A_121 : memref<!tpu.dma_semaphore, #tpu.memory_space<semaphore_mem>>) {add = true}
          %dma_wait3A_125 = arith.constant 0 : i32
          %dma_wait3A_126 = arith.constant 0 : i32
          %dma_wait3A_127 = tpu.memref_slice %arg18[%dma_wait3A_125, %dma_wait3A_126] : memref<10112x64xf32, #tpu.memory_space<vmem_shared>> -> memref<10112x64xf32, #tpu.memory_space<vmem_shared>>
          tpu.wait_indirect_dma semaphore(%run_scoped3A_121 : memref<!tpu.dma_semaphore, #tpu.memory_space<semaphore_mem>>) src(%arg15 : memref<80x64xf32, #tpu.memory_space<vmem>>) dst(%dma_wait3A_127 : memref<10112x64xf32, #tpu.memory_space<vmem_shared>>)
          tpu.yield
        }) : () -> ()
      } else {
      }
      %lt3A_68 = arith.constant 125 : i32
      %lt3A_69 = arith.cmpi slt, %sub3A_57, %lt3A_68 : i32
      %convert_element_type3A_70 = arith.extui %lt3A_69 : i1 to i32
      %cond3A_71 = arith.constant 0 : i32
      %cond3A_72 = arith.cmpi ne, %convert_element_type3A_70, %cond3A_71 : i32
      scf.if %cond3A_72 {
        %mul3A_119 = arith.constant 80 : i32
        %mul3A_120 = arith.muli %sub3A_57, %mul3A_119 : i32
        %add3A_121 = arith.addi %mul3A_4, %mul3A_120 : i32
        %dma_wait3A = arith.constant 0 : i32
        %dma_wait3A_122 = tpu.memref_slice %arg3[%dma_wait3A, %add3A_121] : memref<2x320000xi32, #tpu.memory_space<hbm>> -> memref<1x80xi32, #tpu.memory_space<hbm>>
        %dma_wait3A_123 = tpu.memref_squeeze %dma_wait3A_122 : memref<1x80xi32, #tpu.memory_space<hbm>> -> memref<80xi32, #tpu.memory_space<hbm>>
        %dma_wait3A_124 = tpu.memref_slice %arg3[%dma_wait3A, %add3A_121] : memref<2x320000xi32, #tpu.memory_space<hbm>> -> memref<1x80xi32, #tpu.memory_space<hbm>>
        %dma_wait3A_125 = tpu.memref_squeeze %dma_wait3A_124 : memref<1x80xi32, #tpu.memory_space<hbm>> -> memref<80xi32, #tpu.memory_space<hbm>>
        tpu.wait_dma2 semaphore(%arg23 : memref<!tpu.dma_semaphore, #tpu.memory_space<semaphore_mem>>) src(%dma_wait3A_125 : memref<80xi32, #tpu.memory_space<hbm>>) dst(%arg6 : memref<80xi32, #tpu.memory_space<vmem>>)
        %dma_wait3A_126 = arith.constant 1 : i32
        %dma_wait3A_127 = tpu.memref_slice %arg3[%dma_wait3A_126, %add3A_121] : memref<2x320000xi32, #tpu.memory_space<hbm>> -> memref<1x80xi32, #tpu.memory_space<hbm>>
        %dma_wait3A_128 = tpu.memref_squeeze %dma_wait3A_127 : memref<1x80xi32, #tpu.memory_space<hbm>> -> memref<80xi32, #tpu.memory_space<hbm>>
        %dma_wait3A_129 = tpu.memref_slice %arg3[%dma_wait3A_126, %add3A_121] : memref<2x320000xi32, #tpu.memory_space<hbm>> -> memref<1x80xi32, #tpu.memory_space<hbm>>
        %dma_wait3A_130 = tpu.memref_squeeze %dma_wait3A_129 : memref<1x80xi32, #tpu.memory_space<hbm>> -> memref<80xi32, #tpu.memory_space<hbm>>
        tpu.wait_dma2 semaphore(%arg23 : memref<!tpu.dma_semaphore, #tpu.memory_space<semaphore_mem>>) src(%dma_wait3A_130 : memref<80xi32, #tpu.memory_space<hbm>>) dst(%arg10 : memref<80xi32, #tpu.memory_space<vmem>>)
        %dma_start3A_131 = arith.constant 0 : i32
        %dma_start3A_132 = arith.constant 0 : i32
        %dma_start3A_133 = tpu.memref_slice %arg2[%dma_start3A_131, %dma_start3A_132] : memref<10112x64xf32, #tpu.memory_space<hbm>> -> memref<10112x64xf32, #tpu.memory_space<hbm>>
        tpu.enqueue_indirect_dma source(%dma_start3A_133 : memref<10112x64xf32, #tpu.memory_space<hbm>>) target(%arg14 : memref<80x64xf32, #tpu.memory_space<vmem>>) offsets(%arg6 : memref<80xi32, #tpu.memory_space<vmem>>) semaphore(%arg19 : memref<!tpu.dma_semaphore, #tpu.memory_space<semaphore_mem>>)
      } else {
      }
      %mul3A_73 = arith.constant 4 : i32
      %mul3A_74 = arith.muli %mul3A_73, %scan3A_30 : i32
      %add3A_75 = arith.constant 2 : i32
      %add3A_76 = arith.addi %mul3A_74, %add3A_75 : i32
      %add3A_77 = arith.constant 4 : i32
      %add3A_78 = arith.addi %add3A_76, %add3A_77 : i32
      %sub3A_79 = arith.constant 1 : i32
      %sub3A_80 = arith.subi %add3A_78, %sub3A_79 : i32
      %lt3A_81 = arith.constant 125 : i32
      %lt3A_82 = arith.cmpi slt, %sub3A_80, %lt3A_81 : i32
      %convert_element_type3A_83 = arith.extui %lt3A_82 : i1 to i32
      %cond3A_84 = arith.constant 0 : i32
      %cond3A_85 = arith.cmpi ne, %convert_element_type3A_83, %cond3A_84 : i32
      scf.if %cond3A_85 {
        %mul3A_119 = arith.constant 80 : i32
        %mul3A_120 = arith.muli %sub3A_80, %mul3A_119 : i32
        %add3A_121 = arith.addi %mul3A_4, %mul3A_120 : i32
        %dma_start3A_122 = arith.constant 0 : i32
        %dma_start3A_123 = tpu.memref_slice %arg3[%dma_start3A_122, %add3A_121] : memref<2x320000xi32, #tpu.memory_space<hbm>> -> memref<1x80xi32, #tpu.memory_space<hbm>>
        %dma_start3A_124 = tpu.memref_squeeze %dma_start3A_123 : memref<1x80xi32, #tpu.memory_space<hbm>> -> memref<80xi32, #tpu.memory_space<hbm>>
        %dma_start3A_125 = tpu.memref_slice %arg3[%dma_start3A_122, %add3A_121] : memref<2x320000xi32, #tpu.memory_space<hbm>> -> memref<1x80xi32, #tpu.memory_space<hbm>>
        %dma_start3A_126 = tpu.memref_squeeze %dma_start3A_125 : memref<1x80xi32, #tpu.memory_space<hbm>> -> memref<80xi32, #tpu.memory_space<hbm>>
        tpu.enqueue_dma source(%dma_start3A_126 : memref<80xi32, #tpu.memory_space<hbm>>) target(%arg7 : memref<80xi32, #tpu.memory_space<vmem>>) target_semaphore(%arg24 : memref<!tpu.dma_semaphore, #tpu.memory_space<semaphore_mem>>)
        %dma_start3A_127 = arith.constant 1 : i32
        %dma_start3A_128 = tpu.memref_slice %arg3[%dma_start3A_127, %add3A_121] : memref<2x320000xi32, #tpu.memory_space<hbm>> -> memref<1x80xi32, #tpu.memory_space<hbm>>
        %dma_start3A_129 = tpu.memref_squeeze %dma_start3A_128 : memref<1x80xi32, #tpu.memory_space<hbm>> -> memref<80xi32, #tpu.memory_space<hbm>>
        %dma_start3A_130 = tpu.memref_slice %arg3[%dma_start3A_127, %add3A_121] : memref<2x320000xi32, #tpu.memory_space<hbm>> -> memref<1x80xi32, #tpu.memory_space<hbm>>
        %dma_start3A_131 = tpu.memref_squeeze %dma_start3A_130 : memref<1x80xi32, #tpu.memory_space<hbm>> -> memref<80xi32, #tpu.memory_space<hbm>>
        tpu.enqueue_dma source(%dma_start3A_131 : memref<80xi32, #tpu.memory_space<hbm>>) target(%arg11 : memref<80xi32, #tpu.memory_space<vmem>>) target_semaphore(%arg24 : memref<!tpu.dma_semaphore, #tpu.memory_space<semaphore_mem>>)
      } else {
      }
      %lt3A_86 = arith.constant 125 : i32
      %lt3A_87 = arith.cmpi slt, %add3A_76, %lt3A_86 : i32
      %convert_element_type3A_88 = arith.extui %lt3A_87 : i1 to i32
      %cond3A_89 = arith.constant 0 : i32
      %cond3A_90 = arith.cmpi ne, %convert_element_type3A_88, %cond3A_89 : i32
      scf.if %cond3A_90 {
        %dma_wait3A = arith.constant 0 : i32
        %dma_wait3A_119 = arith.constant 0 : i32
        %dma_wait3A_120 = tpu.memref_slice %arg2[%dma_wait3A, %dma_wait3A_119] : memref<10112x64xf32, #tpu.memory_space<hbm>> -> memref<10112x64xf32, #tpu.memory_space<hbm>>
        tpu.wait_indirect_dma semaphore(%arg21 : memref<!tpu.dma_semaphore, #tpu.memory_space<semaphore_mem>>) src(%dma_wait3A_120 : memref<10112x64xf32, #tpu.memory_space<hbm>>) dst(%arg16 : memref<80x64xf32, #tpu.memory_space<vmem>>)
        "tpu.region"() ({
          %run_scoped3A_121 = tpu.sem_alloc : memref<!tpu.dma_semaphore, #tpu.memory_space<semaphore_mem>>
          %dma_start3A_122 = arith.constant 0 : i32
          %dma_start3A_123 = arith.constant 0 : i32
          %dma_start3A_124 = tpu.memref_slice %arg18[%dma_start3A_122, %dma_start3A_123] : memref<10112x64xf32, #tpu.memory_space<vmem_shared>> -> memref<10112x64xf32, #tpu.memory_space<vmem_shared>>
          tpu.enqueue_indirect_dma source(%arg16 : memref<80x64xf32, #tpu.memory_space<vmem>>) target(%dma_start3A_124 : memref<10112x64xf32, #tpu.memory_space<vmem_shared>>) offsets(%arg12 : memref<80xi32, #tpu.memory_space<vmem>>) semaphore(%run_scoped3A_121 : memref<!tpu.dma_semaphore, #tpu.memory_space<semaphore_mem>>) {add = true}
          %dma_wait3A_125 = arith.constant 0 : i32
          %dma_wait3A_126 = arith.constant 0 : i32
          %dma_wait3A_127 = tpu.memref_slice %arg18[%dma_wait3A_125, %dma_wait3A_126] : memref<10112x64xf32, #tpu.memory_space<vmem_shared>> -> memref<10112x64xf32, #tpu.memory_space<vmem_shared>>
          tpu.wait_indirect_dma semaphore(%run_scoped3A_121 : memref<!tpu.dma_semaphore, #tpu.memory_space<semaphore_mem>>) src(%arg16 : memref<80x64xf32, #tpu.memory_space<vmem>>) dst(%dma_wait3A_127 : memref<10112x64xf32, #tpu.memory_space<vmem_shared>>)
          tpu.yield
        }) : () -> ()
      } else {
      }
      %lt3A_91 = arith.constant 125 : i32
      %lt3A_92 = arith.cmpi slt, %sub3A_80, %lt3A_91 : i32
      %convert_element_type3A_93 = arith.extui %lt3A_92 : i1 to i32
      %cond3A_94 = arith.constant 0 : i32
      %cond3A_95 = arith.cmpi ne, %convert_element_type3A_93, %cond3A_94 : i32
      scf.if %cond3A_95 {
        %mul3A_119 = arith.constant 80 : i32
        %mul3A_120 = arith.muli %sub3A_80, %mul3A_119 : i32
        %add3A_121 = arith.addi %mul3A_4, %mul3A_120 : i32
        %dma_wait3A = arith.constant 0 : i32
        %dma_wait3A_122 = tpu.memref_slice %arg3[%dma_wait3A, %add3A_121] : memref<2x320000xi32, #tpu.memory_space<hbm>> -> memref<1x80xi32, #tpu.memory_space<hbm>>
        %dma_wait3A_123 = tpu.memref_squeeze %dma_wait3A_122 : memref<1x80xi32, #tpu.memory_space<hbm>> -> memref<80xi32, #tpu.memory_space<hbm>>
        %dma_wait3A_124 = tpu.memref_slice %arg3[%dma_wait3A, %add3A_121] : memref<2x320000xi32, #tpu.memory_space<hbm>> -> memref<1x80xi32, #tpu.memory_space<hbm>>
        %dma_wait3A_125 = tpu.memref_squeeze %dma_wait3A_124 : memref<1x80xi32, #tpu.memory_space<hbm>> -> memref<80xi32, #tpu.memory_space<hbm>>
        tpu.wait_dma2 semaphore(%arg24 : memref<!tpu.dma_semaphore, #tpu.memory_space<semaphore_mem>>) src(%dma_wait3A_125 : memref<80xi32, #tpu.memory_space<hbm>>) dst(%arg7 : memref<80xi32, #tpu.memory_space<vmem>>)
        %dma_wait3A_126 = arith.constant 1 : i32
        %dma_wait3A_127 = tpu.memref_slice %arg3[%dma_wait3A_126, %add3A_121] : memref<2x320000xi32, #tpu.memory_space<hbm>> -> memref<1x80xi32, #tpu.memory_space<hbm>>
        %dma_wait3A_128 = tpu.memref_squeeze %dma_wait3A_127 : memref<1x80xi32, #tpu.memory_space<hbm>> -> memref<80xi32, #tpu.memory_space<hbm>>
        %dma_wait3A_129 = tpu.memref_slice %arg3[%dma_wait3A_126, %add3A_121] : memref<2x320000xi32, #tpu.memory_space<hbm>> -> memref<1x80xi32, #tpu.memory_space<hbm>>
        %dma_wait3A_130 = tpu.memref_squeeze %dma_wait3A_129 : memref<1x80xi32, #tpu.memory_space<hbm>> -> memref<80xi32, #tpu.memory_space<hbm>>
        tpu.wait_dma2 semaphore(%arg24 : memref<!tpu.dma_semaphore, #tpu.memory_space<semaphore_mem>>) src(%dma_wait3A_130 : memref<80xi32, #tpu.memory_space<hbm>>) dst(%arg11 : memref<80xi32, #tpu.memory_space<vmem>>)
        %dma_start3A_131 = arith.constant 0 : i32
        %dma_start3A_132 = arith.constant 0 : i32
        %dma_start3A_133 = tpu.memref_slice %arg2[%dma_start3A_131, %dma_start3A_132] : memref<10112x64xf32, #tpu.memory_space<hbm>> -> memref<10112x64xf32, #tpu.memory_space<hbm>>
        tpu.enqueue_indirect_dma source(%dma_start3A_133 : memref<10112x64xf32, #tpu.memory_space<hbm>>) target(%arg15 : memref<80x64xf32, #tpu.memory_space<vmem>>) offsets(%arg7 : memref<80xi32, #tpu.memory_space<vmem>>) semaphore(%arg20 : memref<!tpu.dma_semaphore, #tpu.memory_space<semaphore_mem>>)
      } else {
      }
      %mul3A_96 = arith.constant 4 : i32
      %mul3A_97 = arith.muli %mul3A_96, %scan3A_30 : i32
      %add3A_98 = arith.constant 3 : i32
      %add3A_99 = arith.addi %mul3A_97, %add3A_98 : i32
      %add3A_100 = arith.constant 4 : i32
      %add3A_101 = arith.addi %add3A_99, %add3A_100 : i32
      %sub3A_102 = arith.constant 1 : i32
      %sub3A_103 = arith.subi %add3A_101, %sub3A_102 : i32
      %lt3A_104 = arith.constant 125 : i32
      %lt3A_105 = arith.cmpi slt, %sub3A_103, %lt3A_104 : i32
      %convert_element_type3A_106 = arith.extui %lt3A_105 : i1 to i32
      %cond3A_107 = arith.constant 0 : i32
      %cond3A_108 = arith.cmpi ne, %convert_element_type3A_106, %cond3A_107 : i32
      scf.if %cond3A_108 {
        %mul3A_119 = arith.constant 80 : i32
        %mul3A_120 = arith.muli %sub3A_103, %mul3A_119 : i32
        %add3A_121 = arith.addi %mul3A_4, %mul3A_120 : i32
        %dma_start3A_122 = arith.constant 0 : i32
        %dma_start3A_123 = tpu.memref_slice %arg3[%dma_start3A_122, %add3A_121] : memref<2x320000xi32, #tpu.memory_space<hbm>> -> memref<1x80xi32, #tpu.memory_space<hbm>>
        %dma_start3A_124 = tpu.memref_squeeze %dma_start3A_123 : memref<1x80xi32, #tpu.memory_space<hbm>> -> memref<80xi32, #tpu.memory_space<hbm>>
        %dma_start3A_125 = tpu.memref_slice %arg3[%dma_start3A_122, %add3A_121] : memref<2x320000xi32, #tpu.memory_space<hbm>> -> memref<1x80xi32, #tpu.memory_space<hbm>>
        %dma_start3A_126 = tpu.memref_squeeze %dma_start3A_125 : memref<1x80xi32, #tpu.memory_space<hbm>> -> memref<80xi32, #tpu.memory_space<hbm>>
        tpu.enqueue_dma source(%dma_start3A_126 : memref<80xi32, #tpu.memory_space<hbm>>) target(%arg8 : memref<80xi32, #tpu.memory_space<vmem>>) target_semaphore(%arg25 : memref<!tpu.dma_semaphore, #tpu.memory_space<semaphore_mem>>)
        %dma_start3A_127 = arith.constant 1 : i32
        %dma_start3A_128 = tpu.memref_slice %arg3[%dma_start3A_127, %add3A_121] : memref<2x320000xi32, #tpu.memory_space<hbm>> -> memref<1x80xi32, #tpu.memory_space<hbm>>
        %dma_start3A_129 = tpu.memref_squeeze %dma_start3A_128 : memref<1x80xi32, #tpu.memory_space<hbm>> -> memref<80xi32, #tpu.memory_space<hbm>>
        %dma_start3A_130 = tpu.memref_slice %arg3[%dma_start3A_127, %add3A_121] : memref<2x320000xi32, #tpu.memory_space<hbm>> -> memref<1x80xi32, #tpu.memory_space<hbm>>
        %dma_start3A_131 = tpu.memref_squeeze %dma_start3A_130 : memref<1x80xi32, #tpu.memory_space<hbm>> -> memref<80xi32, #tpu.memory_space<hbm>>
        tpu.enqueue_dma source(%dma_start3A_131 : memref<80xi32, #tpu.memory_space<hbm>>) target(%arg12 : memref<80xi32, #tpu.memory_space<vmem>>) target_semaphore(%arg25 : memref<!tpu.dma_semaphore, #tpu.memory_space<semaphore_mem>>)
      } else {
      }
      %lt3A_109 = arith.constant 125 : i32
      %lt3A_110 = arith.cmpi slt, %add3A_99, %lt3A_109 : i32
      %convert_element_type3A_111 = arith.extui %lt3A_110 : i1 to i32
      %cond3A_112 = arith.constant 0 : i32
      %cond3A_113 = arith.cmpi ne, %convert_element_type3A_111, %cond3A_112 : i32
      scf.if %cond3A_113 {
        %dma_wait3A = arith.constant 0 : i32
        %dma_wait3A_119 = arith.constant 0 : i32
        %dma_wait3A_120 = tpu.memref_slice %arg2[%dma_wait3A, %dma_wait3A_119] : memref<10112x64xf32, #tpu.memory_space<hbm>> -> memref<10112x64xf32, #tpu.memory_space<hbm>>
        tpu.wait_indirect_dma semaphore(%arg22 : memref<!tpu.dma_semaphore, #tpu.memory_space<semaphore_mem>>) src(%dma_wait3A_120 : memref<10112x64xf32, #tpu.memory_space<hbm>>) dst(%arg17 : memref<80x64xf32, #tpu.memory_space<vmem>>)
        "tpu.region"() ({
          %run_scoped3A_121 = tpu.sem_alloc : memref<!tpu.dma_semaphore, #tpu.memory_space<semaphore_mem>>
          %dma_start3A_122 = arith.constant 0 : i32
          %dma_start3A_123 = arith.constant 0 : i32
          %dma_start3A_124 = tpu.memref_slice %arg18[%dma_start3A_122, %dma_start3A_123] : memref<10112x64xf32, #tpu.memory_space<vmem_shared>> -> memref<10112x64xf32, #tpu.memory_space<vmem_shared>>
          tpu.enqueue_indirect_dma source(%arg17 : memref<80x64xf32, #tpu.memory_space<vmem>>) target(%dma_start3A_124 : memref<10112x64xf32, #tpu.memory_space<vmem_shared>>) offsets(%arg13 : memref<80xi32, #tpu.memory_space<vmem>>) semaphore(%run_scoped3A_121 : memref<!tpu.dma_semaphore, #tpu.memory_space<semaphore_mem>>) {add = true}
          %dma_wait3A_125 = arith.constant 0 : i32
          %dma_wait3A_126 = arith.constant 0 : i32
          %dma_wait3A_127 = tpu.memref_slice %arg18[%dma_wait3A_125, %dma_wait3A_126] : memref<10112x64xf32, #tpu.memory_space<vmem_shared>> -> memref<10112x64xf32, #tpu.memory_space<vmem_shared>>
          tpu.wait_indirect_dma semaphore(%run_scoped3A_121 : memref<!tpu.dma_semaphore, #tpu.memory_space<semaphore_mem>>) src(%arg17 : memref<80x64xf32, #tpu.memory_space<vmem>>) dst(%dma_wait3A_127 : memref<10112x64xf32, #tpu.memory_space<vmem_shared>>)
          tpu.yield
        }) : () -> ()
      } else {
      }
      %lt3A_114 = arith.constant 125 : i32
      %lt3A_115 = arith.cmpi slt, %sub3A_103, %lt3A_114 : i32
      %convert_element_type3A_116 = arith.extui %lt3A_115 : i1 to i32
      %cond3A_117 = arith.constant 0 : i32
      %cond3A_118 = arith.cmpi ne, %convert_element_type3A_116, %cond3A_117 : i32
      scf.if %cond3A_118 {
        %mul3A_119 = arith.constant 80 : i32
        %mul3A_120 = arith.muli %sub3A_103, %mul3A_119 : i32
        %add3A_121 = arith.addi %mul3A_4, %mul3A_120 : i32
        %dma_wait3A = arith.constant 0 : i32
        %dma_wait3A_122 = tpu.memref_slice %arg3[%dma_wait3A, %add3A_121] : memref<2x320000xi32, #tpu.memory_space<hbm>> -> memref<1x80xi32, #tpu.memory_space<hbm>>
        %dma_wait3A_123 = tpu.memref_squeeze %dma_wait3A_122 : memref<1x80xi32, #tpu.memory_space<hbm>> -> memref<80xi32, #tpu.memory_space<hbm>>
        %dma_wait3A_124 = tpu.memref_slice %arg3[%dma_wait3A, %add3A_121] : memref<2x320000xi32, #tpu.memory_space<hbm>> -> memref<1x80xi32, #tpu.memory_space<hbm>>
        %dma_wait3A_125 = tpu.memref_squeeze %dma_wait3A_124 : memref<1x80xi32, #tpu.memory_space<hbm>> -> memref<80xi32, #tpu.memory_space<hbm>>
        tpu.wait_dma2 semaphore(%arg25 : memref<!tpu.dma_semaphore, #tpu.memory_space<semaphore_mem>>) src(%dma_wait3A_125 : memref<80xi32, #tpu.memory_space<hbm>>) dst(%arg8 : memref<80xi32, #tpu.memory_space<vmem>>)
        %dma_wait3A_126 = arith.constant 1 : i32
        %dma_wait3A_127 = tpu.memref_slice %arg3[%dma_wait3A_126, %add3A_121] : memref<2x320000xi32, #tpu.memory_space<hbm>> -> memref<1x80xi32, #tpu.memory_space<hbm>>
        %dma_wait3A_128 = tpu.memref_squeeze %dma_wait3A_127 : memref<1x80xi32, #tpu.memory_space<hbm>> -> memref<80xi32, #tpu.memory_space<hbm>>
        %dma_wait3A_129 = tpu.memref_slice %arg3[%dma_wait3A_126, %add3A_121] : memref<2x320000xi32, #tpu.memory_space<hbm>> -> memref<1x80xi32, #tpu.memory_space<hbm>>
        %dma_wait3A_130 = tpu.memref_squeeze %dma_wait3A_129 : memref<1x80xi32, #tpu.memory_space<hbm>> -> memref<80xi32, #tpu.memory_space<hbm>>
        tpu.wait_dma2 semaphore(%arg25 : memref<!tpu.dma_semaphore, #tpu.memory_space<semaphore_mem>>) src(%dma_wait3A_130 : memref<80xi32, #tpu.memory_space<hbm>>) dst(%arg12 : memref<80xi32, #tpu.memory_space<vmem>>)
        %dma_start3A_131 = arith.constant 0 : i32
        %dma_start3A_132 = arith.constant 0 : i32
        %dma_start3A_133 = tpu.memref_slice %arg2[%dma_start3A_131, %dma_start3A_132] : memref<10112x64xf32, #tpu.memory_space<hbm>> -> memref<10112x64xf32, #tpu.memory_space<hbm>>
        tpu.enqueue_indirect_dma source(%dma_start3A_133 : memref<10112x64xf32, #tpu.memory_space<hbm>>) target(%arg16 : memref<80x64xf32, #tpu.memory_space<vmem>>) offsets(%arg8 : memref<80xi32, #tpu.memory_space<vmem>>) semaphore(%arg21 : memref<!tpu.dma_semaphore, #tpu.memory_space<semaphore_mem>>)
      } else {
      }
    }
    %scan3A_28 = arith.constant 32 : i32
    %barrier3A_29 = arith.constant 0 : index
    tpu.barrier barrier_id(%barrier3A_29)
    "tpu.region"() ({
      %run_scoped3A_30 = tpu.sem_alloc : memref<!tpu.dma_semaphore, #tpu.memory_space<semaphore_mem>>
      %dma_start3A_31 = arith.constant 0 : i32
      %dma_start3A_32 = tpu.memref_slice %arg5[%arg0, %mul3A_2, %dma_start3A_31] : memref<2x10112x64xf32, #tpu.memory_space<hbm>> -> memref<1x632x64xf32, #tpu.memory_space<hbm>>
      %dma_start3A_33 = tpu.memref_squeeze %dma_start3A_32 : memref<1x632x64xf32, #tpu.memory_space<hbm>> -> memref<632x64xf32, #tpu.memory_space<hbm>>
      %dma_start3A_34 = arith.constant 0 : i32
      %dma_start3A_35 = tpu.memref_slice %arg18[%mul3A_2, %dma_start3A_34] : memref<10112x64xf32, #tpu.memory_space<vmem_shared>> -> memref<632x64xf32, #tpu.memory_space<vmem_shared>>
      tpu.enqueue_dma source(%dma_start3A_35 : memref<632x64xf32, #tpu.memory_space<vmem_shared>>) target(%dma_start3A_33 : memref<632x64xf32, #tpu.memory_space<hbm>>) target_semaphore(%run_scoped3A_30 : memref<!tpu.dma_semaphore, #tpu.memory_space<semaphore_mem>>)
      %dma_wait3A = arith.constant 0 : i32
      %dma_wait3A_36 = tpu.memref_slice %arg5[%arg0, %mul3A_2, %dma_wait3A] : memref<2x10112x64xf32, #tpu.memory_space<hbm>> -> memref<1x632x64xf32, #tpu.memory_space<hbm>>
      %dma_wait3A_37 = tpu.memref_squeeze %dma_wait3A_36 : memref<1x632x64xf32, #tpu.memory_space<hbm>> -> memref<632x64xf32, #tpu.memory_space<hbm>>
      %dma_wait3A_38 = arith.constant 0 : i32
      %dma_wait3A_39 = tpu.memref_slice %arg18[%mul3A_2, %dma_wait3A_38] : memref<10112x64xf32, #tpu.memory_space<vmem_shared>> -> memref<632x64xf32, #tpu.memory_space<vmem_shared>>
      tpu.wait_dma2 semaphore(%run_scoped3A_30 : memref<!tpu.dma_semaphore, #tpu.memory_space<semaphore_mem>>) src(%dma_wait3A_39 : memref<632x64xf32, #tpu.memory_space<vmem_shared>>) dst(%dma_wait3A_37 : memref<632x64xf32, #tpu.memory_space<hbm>>)
      tpu.yield
    }) : () -> ()
    return
  }
}

#map = affine_map<(d0, d1) -> (0, 0)>
#map1 = affine_map<(d0, d1) -> (0, 0, 0)>
module attributes {stable_mosaic.version = 14 : i64} {
  func.func @segsum(%arg0: i32, %arg1: i32, %arg2: memref<10112x128xf32, #tpu.memory_space<hbm>>, %arg3: memref<2x320000xi32, #tpu.memory_space<hbm>>, %arg4: memref<10112x128xf32, #tpu.memory_space<hbm>>, %arg5: memref<2x10112x128xf32, #tpu.memory_space<hbm>>, %arg6: memref<80xi32, #tpu.memory_space<vmem>>, %arg7: memref<80xi32, #tpu.memory_space<vmem>>, %arg8: memref<80xi32, #tpu.memory_space<vmem>>, %arg9: memref<80xi32, #tpu.memory_space<vmem>>, %arg10: memref<80xi32, #tpu.memory_space<vmem>>, %arg11: memref<80xi32, #tpu.memory_space<vmem>>, %arg12: memref<80xi32, #tpu.memory_space<vmem>>, %arg13: memref<80xi32, #tpu.memory_space<vmem>>, %arg14: memref<80x128xf32, #tpu.memory_space<vmem>>, %arg15: memref<80x128xf32, #tpu.memory_space<vmem>>, %arg16: memref<80x128xf32, #tpu.memory_space<vmem>>, %arg17: memref<80x128xf32, #tpu.memory_space<vmem>>, %arg18: memref<10112x128xf32, #tpu.memory_space<vmem_shared>>, %arg19: memref<!tpu.dma_semaphore, #tpu.memory_space<semaphore_mem>>, %arg20: memref<!tpu.dma_semaphore, #tpu.memory_space<semaphore_mem>>, %arg21: memref<!tpu.dma_semaphore, #tpu.memory_space<semaphore_mem>>, %arg22: memref<!tpu.dma_semaphore, #tpu.memory_space<semaphore_mem>>, %arg23: memref<!tpu.dma_semaphore, #tpu.memory_space<semaphore_mem>>, %arg24: memref<!tpu.dma_semaphore, #tpu.memory_space<semaphore_mem>>, %arg25: memref<!tpu.dma_semaphore, #tpu.memory_space<semaphore_mem>>, %arg26: memref<!tpu.dma_semaphore, #tpu.memory_space<semaphore_mem>>) attributes {dimension_semantics = [#tpu.dimension_semantics<core_parallel>, #tpu.dimension_semantics<subcore_parallel>], iteration_bounds = array<i64: 2, 16>, scalar_prefetch = 0 : i64, scratch_operands = 21 : i64, tpu.core_type = #tpu.core_type<sc_vector_subcore>, window_params = [{transform_indices = #map}, {transform_indices = #map}, {transform_indices = #map}, {transform_indices = #map1}]} {
    %mul3A = arith.constant 16 : i32
    %mul3A_0 = arith.muli %arg0, %mul3A : i32
    %add3A = arith.addi %mul3A_0, %arg1 : i32
    %mul3A_1 = arith.constant 632 : i32
    %mul3A_2 = arith.muli %arg1, %mul3A_1 : i32
    "tpu.region"() ({
      %run_scoped3A_30 = tpu.sem_alloc : memref<!tpu.dma_semaphore, #tpu.memory_space<semaphore_mem>>
      %dma_start3A_31 = arith.constant 0 : i32
      %dma_start3A_32 = tpu.memref_slice %arg18[%mul3A_2, %dma_start3A_31] : memref<10112x128xf32, #tpu.memory_space<vmem_shared>> -> memref<632x128xf32, #tpu.memory_space<vmem_shared>>
      %dma_start3A_33 = arith.constant 0 : i32
      %dma_start3A_34 = tpu.memref_slice %arg4[%mul3A_2, %dma_start3A_33] : memref<10112x128xf32, #tpu.memory_space<hbm>> -> memref<632x128xf32, #tpu.memory_space<hbm>>
      tpu.enqueue_dma source(%dma_start3A_34 : memref<632x128xf32, #tpu.memory_space<hbm>>) target(%dma_start3A_32 : memref<632x128xf32, #tpu.memory_space<vmem_shared>>) target_semaphore(%run_scoped3A_30 : memref<!tpu.dma_semaphore, #tpu.memory_space<semaphore_mem>>)
      %dma_wait3A = arith.constant 0 : i32
      %dma_wait3A_35 = tpu.memref_slice %arg18[%mul3A_2, %dma_wait3A] : memref<10112x128xf32, #tpu.memory_space<vmem_shared>> -> memref<632x128xf32, #tpu.memory_space<vmem_shared>>
      %dma_wait3A_36 = arith.constant 0 : i32
      %dma_wait3A_37 = tpu.memref_slice %arg4[%mul3A_2, %dma_wait3A_36] : memref<10112x128xf32, #tpu.memory_space<hbm>> -> memref<632x128xf32, #tpu.memory_space<hbm>>
      tpu.wait_dma2 semaphore(%run_scoped3A_30 : memref<!tpu.dma_semaphore, #tpu.memory_space<semaphore_mem>>) src(%dma_wait3A_37 : memref<632x128xf32, #tpu.memory_space<hbm>>) dst(%dma_wait3A_35 : memref<632x128xf32, #tpu.memory_space<vmem_shared>>)
      tpu.yield
    }) : () -> ()
    %barrier3A = arith.constant 0 : index
    tpu.barrier barrier_id(%barrier3A)
    %mul3A_3 = arith.constant 10000 : i32
    %mul3A_4 = arith.muli %add3A, %mul3A_3 : i32
    %add3A_5 = arith.constant 0 : i32
    %add3A_6 = arith.addi %mul3A_4, %add3A_5 : i32
    %run_scoped3A = arith.constant 0 : i32
    "tpu.region"() ({
      %run_scoped3A_30 = tpu.sem_alloc : memref<!tpu.dma_semaphore, #tpu.memory_space<semaphore_mem>>
      %dma_start3A_31 = tpu.memref_slice %arg3[%run_scoped3A, %add3A_6] : memref<2x320000xi32, #tpu.memory_space<hbm>> -> memref<1x80xi32, #tpu.memory_space<hbm>>
      %dma_start3A_32 = tpu.memref_squeeze %dma_start3A_31 : memref<1x80xi32, #tpu.memory_space<hbm>> -> memref<80xi32, #tpu.memory_space<hbm>>
      %dma_start3A_33 = tpu.memref_slice %arg3[%run_scoped3A, %add3A_6] : memref<2x320000xi32, #tpu.memory_space<hbm>> -> memref<1x80xi32, #tpu.memory_space<hbm>>
      %dma_start3A_34 = tpu.memref_squeeze %dma_start3A_33 : memref<1x80xi32, #tpu.memory_space<hbm>> -> memref<80xi32, #tpu.memory_space<hbm>>
      tpu.enqueue_dma source(%dma_start3A_34 : memref<80xi32, #tpu.memory_space<hbm>>) target(%arg6 : memref<80xi32, #tpu.memory_space<vmem>>) target_semaphore(%run_scoped3A_30 : memref<!tpu.dma_semaphore, #tpu.memory_space<semaphore_mem>>)
      %dma_wait3A = tpu.memref_slice %arg3[%run_scoped3A, %add3A_6] : memref<2x320000xi32, #tpu.memory_space<hbm>> -> memref<1x80xi32, #tpu.memory_space<hbm>>
      %dma_wait3A_35 = tpu.memref_squeeze %dma_wait3A : memref<1x80xi32, #tpu.memory_space<hbm>> -> memref<80xi32, #tpu.memory_space<hbm>>
      %dma_wait3A_36 = tpu.memref_slice %arg3[%run_scoped3A, %add3A_6] : memref<2x320000xi32, #tpu.memory_space<hbm>> -> memref<1x80xi32, #tpu.memory_space<hbm>>
      %dma_wait3A_37 = tpu.memref_squeeze %dma_wait3A_36 : memref<1x80xi32, #tpu.memory_space<hbm>> -> memref<80xi32, #tpu.memory_space<hbm>>
      tpu.wait_dma2 semaphore(%run_scoped3A_30 : memref<!tpu.dma_semaphore, #tpu.memory_space<semaphore_mem>>) src(%dma_wait3A_37 : memref<80xi32, #tpu.memory_space<hbm>>) dst(%arg6 : memref<80xi32, #tpu.memory_space<vmem>>)
      tpu.yield
    }) : () -> ()
    %run_scoped3A_7 = arith.constant 1 : i32
    "tpu.region"() ({
      %run_scoped3A_30 = tpu.sem_alloc : memref<!tpu.dma_semaphore, #tpu.memory_space<semaphore_mem>>
      %dma_start3A_31 = tpu.memref_slice %arg3[%run_scoped3A_7, %add3A_6] : memref<2x320000xi32, #tpu.memory_space<hbm>> -> memref<1x80xi32, #tpu.memory_space<hbm>>
      %dma_start3A_32 = tpu.memref_squeeze %dma_start3A_31 : memref<1x80xi32, #tpu.memory_space<hbm>> -> memref<80xi32, #tpu.memory_space<hbm>>
      %dma_start3A_33 = tpu.memref_slice %arg3[%run_scoped3A_7, %add3A_6] : memref<2x320000xi32, #tpu.memory_space<hbm>> -> memref<1x80xi32, #tpu.memory_space<hbm>>
      %dma_start3A_34 = tpu.memref_squeeze %dma_start3A_33 : memref<1x80xi32, #tpu.memory_space<hbm>> -> memref<80xi32, #tpu.memory_space<hbm>>
      tpu.enqueue_dma source(%dma_start3A_34 : memref<80xi32, #tpu.memory_space<hbm>>) target(%arg10 : memref<80xi32, #tpu.memory_space<vmem>>) target_semaphore(%run_scoped3A_30 : memref<!tpu.dma_semaphore, #tpu.memory_space<semaphore_mem>>)
      %dma_wait3A = tpu.memref_slice %arg3[%run_scoped3A_7, %add3A_6] : memref<2x320000xi32, #tpu.memory_space<hbm>> -> memref<1x80xi32, #tpu.memory_space<hbm>>
      %dma_wait3A_35 = tpu.memref_squeeze %dma_wait3A : memref<1x80xi32, #tpu.memory_space<hbm>> -> memref<80xi32, #tpu.memory_space<hbm>>
      %dma_wait3A_36 = tpu.memref_slice %arg3[%run_scoped3A_7, %add3A_6] : memref<2x320000xi32, #tpu.memory_space<hbm>> -> memref<1x80xi32, #tpu.memory_space<hbm>>
      %dma_wait3A_37 = tpu.memref_squeeze %dma_wait3A_36 : memref<1x80xi32, #tpu.memory_space<hbm>> -> memref<80xi32, #tpu.memory_space<hbm>>
      tpu.wait_dma2 semaphore(%run_scoped3A_30 : memref<!tpu.dma_semaphore, #tpu.memory_space<semaphore_mem>>) src(%dma_wait3A_37 : memref<80xi32, #tpu.memory_space<hbm>>) dst(%arg10 : memref<80xi32, #tpu.memory_space<vmem>>)
      tpu.yield
    }) : () -> ()
    %dma_start3A = arith.constant 0 : i32
    %dma_start3A_8 = arith.constant 0 : i32
    %dma_start3A_9 = tpu.memref_slice %arg2[%dma_start3A, %dma_start3A_8] : memref<10112x128xf32, #tpu.memory_space<hbm>> -> memref<10112x128xf32, #tpu.memory_space<hbm>>
    tpu.enqueue_indirect_dma source(%dma_start3A_9 : memref<10112x128xf32, #tpu.memory_space<hbm>>) target(%arg14 : memref<80x128xf32, #tpu.memory_space<vmem>>) offsets(%arg6 : memref<80xi32, #tpu.memory_space<vmem>>) semaphore(%arg19 : memref<!tpu.dma_semaphore, #tpu.memory_space<semaphore_mem>>)
    %add3A_10 = arith.constant 80 : i32
    %add3A_11 = arith.addi %mul3A_4, %add3A_10 : i32
    %run_scoped3A_12 = arith.constant 0 : i32
    "tpu.region"() ({
      %run_scoped3A_30 = tpu.sem_alloc : memref<!tpu.dma_semaphore, #tpu.memory_space<semaphore_mem>>
      %dma_start3A_31 = tpu.memref_slice %arg3[%run_scoped3A_12, %add3A_11] : memref<2x320000xi32, #tpu.memory_space<hbm>> -> memref<1x80xi32, #tpu.memory_space<hbm>>
      %dma_start3A_32 = tpu.memref_squeeze %dma_start3A_31 : memref<1x80xi32, #tpu.memory_space<hbm>> -> memref<80xi32, #tpu.memory_space<hbm>>
      %dma_start3A_33 = tpu.memref_slice %arg3[%run_scoped3A_12, %add3A_11] : memref<2x320000xi32, #tpu.memory_space<hbm>> -> memref<1x80xi32, #tpu.memory_space<hbm>>
      %dma_start3A_34 = tpu.memref_squeeze %dma_start3A_33 : memref<1x80xi32, #tpu.memory_space<hbm>> -> memref<80xi32, #tpu.memory_space<hbm>>
      tpu.enqueue_dma source(%dma_start3A_34 : memref<80xi32, #tpu.memory_space<hbm>>) target(%arg7 : memref<80xi32, #tpu.memory_space<vmem>>) target_semaphore(%run_scoped3A_30 : memref<!tpu.dma_semaphore, #tpu.memory_space<semaphore_mem>>)
      %dma_wait3A = tpu.memref_slice %arg3[%run_scoped3A_12, %add3A_11] : memref<2x320000xi32, #tpu.memory_space<hbm>> -> memref<1x80xi32, #tpu.memory_space<hbm>>
      %dma_wait3A_35 = tpu.memref_squeeze %dma_wait3A : memref<1x80xi32, #tpu.memory_space<hbm>> -> memref<80xi32, #tpu.memory_space<hbm>>
      %dma_wait3A_36 = tpu.memref_slice %arg3[%run_scoped3A_12, %add3A_11] : memref<2x320000xi32, #tpu.memory_space<hbm>> -> memref<1x80xi32, #tpu.memory_space<hbm>>
      %dma_wait3A_37 = tpu.memref_squeeze %dma_wait3A_36 : memref<1x80xi32, #tpu.memory_space<hbm>> -> memref<80xi32, #tpu.memory_space<hbm>>
      tpu.wait_dma2 semaphore(%run_scoped3A_30 : memref<!tpu.dma_semaphore, #tpu.memory_space<semaphore_mem>>) src(%dma_wait3A_37 : memref<80xi32, #tpu.memory_space<hbm>>) dst(%arg7 : memref<80xi32, #tpu.memory_space<vmem>>)
      tpu.yield
    }) : () -> ()
    %run_scoped3A_13 = arith.constant 1 : i32
    "tpu.region"() ({
      %run_scoped3A_30 = tpu.sem_alloc : memref<!tpu.dma_semaphore, #tpu.memory_space<semaphore_mem>>
      %dma_start3A_31 = tpu.memref_slice %arg3[%run_scoped3A_13, %add3A_11] : memref<2x320000xi32, #tpu.memory_space<hbm>> -> memref<1x80xi32, #tpu.memory_space<hbm>>
      %dma_start3A_32 = tpu.memref_squeeze %dma_start3A_31 : memref<1x80xi32, #tpu.memory_space<hbm>> -> memref<80xi32, #tpu.memory_space<hbm>>
      %dma_start3A_33 = tpu.memref_slice %arg3[%run_scoped3A_13, %add3A_11] : memref<2x320000xi32, #tpu.memory_space<hbm>> -> memref<1x80xi32, #tpu.memory_space<hbm>>
      %dma_start3A_34 = tpu.memref_squeeze %dma_start3A_33 : memref<1x80xi32, #tpu.memory_space<hbm>> -> memref<80xi32, #tpu.memory_space<hbm>>
      tpu.enqueue_dma source(%dma_start3A_34 : memref<80xi32, #tpu.memory_space<hbm>>) target(%arg11 : memref<80xi32, #tpu.memory_space<vmem>>) target_semaphore(%run_scoped3A_30 : memref<!tpu.dma_semaphore, #tpu.memory_space<semaphore_mem>>)
      %dma_wait3A = tpu.memref_slice %arg3[%run_scoped3A_13, %add3A_11] : memref<2x320000xi32, #tpu.memory_space<hbm>> -> memref<1x80xi32, #tpu.memory_space<hbm>>
      %dma_wait3A_35 = tpu.memref_squeeze %dma_wait3A : memref<1x80xi32, #tpu.memory_space<hbm>> -> memref<80xi32, #tpu.memory_space<hbm>>
      %dma_wait3A_36 = tpu.memref_slice %arg3[%run_scoped3A_13, %add3A_11] : memref<2x320000xi32, #tpu.memory_space<hbm>> -> memref<1x80xi32, #tpu.memory_space<hbm>>
      %dma_wait3A_37 = tpu.memref_squeeze %dma_wait3A_36 : memref<1x80xi32, #tpu.memory_space<hbm>> -> memref<80xi32, #tpu.memory_space<hbm>>
      tpu.wait_dma2 semaphore(%run_scoped3A_30 : memref<!tpu.dma_semaphore, #tpu.memory_space<semaphore_mem>>) src(%dma_wait3A_37 : memref<80xi32, #tpu.memory_space<hbm>>) dst(%arg11 : memref<80xi32, #tpu.memory_space<vmem>>)
      tpu.yield
    }) : () -> ()
    %dma_start3A_14 = arith.constant 0 : i32
    %dma_start3A_15 = arith.constant 0 : i32
    %dma_start3A_16 = tpu.memref_slice %arg2[%dma_start3A_14, %dma_start3A_15] : memref<10112x128xf32, #tpu.memory_space<hbm>> -> memref<10112x128xf32, #tpu.memory_space<hbm>>
    tpu.enqueue_indirect_dma source(%dma_start3A_16 : memref<10112x128xf32, #tpu.memory_space<hbm>>) target(%arg15 : memref<80x128xf32, #tpu.memory_space<vmem>>) offsets(%arg7 : memref<80xi32, #tpu.memory_space<vmem>>) semaphore(%arg20 : memref<!tpu.dma_semaphore, #tpu.memory_space<semaphore_mem>>)
    %add3A_17 = arith.constant 160 : i32
    %add3A_18 = arith.addi %mul3A_4, %add3A_17 : i32
    %run_scoped3A_19 = arith.constant 0 : i32
    "tpu.region"() ({
      %run_scoped3A_30 = tpu.sem_alloc : memref<!tpu.dma_semaphore, #tpu.memory_space<semaphore_mem>>
      %dma_start3A_31 = tpu.memref_slice %arg3[%run_scoped3A_19, %add3A_18] : memref<2x320000xi32, #tpu.memory_space<hbm>> -> memref<1x80xi32, #tpu.memory_space<hbm>>
      %dma_start3A_32 = tpu.memref_squeeze %dma_start3A_31 : memref<1x80xi32, #tpu.memory_space<hbm>> -> memref<80xi32, #tpu.memory_space<hbm>>
      %dma_start3A_33 = tpu.memref_slice %arg3[%run_scoped3A_19, %add3A_18] : memref<2x320000xi32, #tpu.memory_space<hbm>> -> memref<1x80xi32, #tpu.memory_space<hbm>>
      %dma_start3A_34 = tpu.memref_squeeze %dma_start3A_33 : memref<1x80xi32, #tpu.memory_space<hbm>> -> memref<80xi32, #tpu.memory_space<hbm>>
      tpu.enqueue_dma source(%dma_start3A_34 : memref<80xi32, #tpu.memory_space<hbm>>) target(%arg8 : memref<80xi32, #tpu.memory_space<vmem>>) target_semaphore(%run_scoped3A_30 : memref<!tpu.dma_semaphore, #tpu.memory_space<semaphore_mem>>)
      %dma_wait3A = tpu.memref_slice %arg3[%run_scoped3A_19, %add3A_18] : memref<2x320000xi32, #tpu.memory_space<hbm>> -> memref<1x80xi32, #tpu.memory_space<hbm>>
      %dma_wait3A_35 = tpu.memref_squeeze %dma_wait3A : memref<1x80xi32, #tpu.memory_space<hbm>> -> memref<80xi32, #tpu.memory_space<hbm>>
      %dma_wait3A_36 = tpu.memref_slice %arg3[%run_scoped3A_19, %add3A_18] : memref<2x320000xi32, #tpu.memory_space<hbm>> -> memref<1x80xi32, #tpu.memory_space<hbm>>
      %dma_wait3A_37 = tpu.memref_squeeze %dma_wait3A_36 : memref<1x80xi32, #tpu.memory_space<hbm>> -> memref<80xi32, #tpu.memory_space<hbm>>
      tpu.wait_dma2 semaphore(%run_scoped3A_30 : memref<!tpu.dma_semaphore, #tpu.memory_space<semaphore_mem>>) src(%dma_wait3A_37 : memref<80xi32, #tpu.memory_space<hbm>>) dst(%arg8 : memref<80xi32, #tpu.memory_space<vmem>>)
      tpu.yield
    }) : () -> ()
    %run_scoped3A_20 = arith.constant 1 : i32
    "tpu.region"() ({
      %run_scoped3A_30 = tpu.sem_alloc : memref<!tpu.dma_semaphore, #tpu.memory_space<semaphore_mem>>
      %dma_start3A_31 = tpu.memref_slice %arg3[%run_scoped3A_20, %add3A_18] : memref<2x320000xi32, #tpu.memory_space<hbm>> -> memref<1x80xi32, #tpu.memory_space<hbm>>
      %dma_start3A_32 = tpu.memref_squeeze %dma_start3A_31 : memref<1x80xi32, #tpu.memory_space<hbm>> -> memref<80xi32, #tpu.memory_space<hbm>>
      %dma_start3A_33 = tpu.memref_slice %arg3[%run_scoped3A_20, %add3A_18] : memref<2x320000xi32, #tpu.memory_space<hbm>> -> memref<1x80xi32, #tpu.memory_space<hbm>>
      %dma_start3A_34 = tpu.memref_squeeze %dma_start3A_33 : memref<1x80xi32, #tpu.memory_space<hbm>> -> memref<80xi32, #tpu.memory_space<hbm>>
      tpu.enqueue_dma source(%dma_start3A_34 : memref<80xi32, #tpu.memory_space<hbm>>) target(%arg12 : memref<80xi32, #tpu.memory_space<vmem>>) target_semaphore(%run_scoped3A_30 : memref<!tpu.dma_semaphore, #tpu.memory_space<semaphore_mem>>)
      %dma_wait3A = tpu.memref_slice %arg3[%run_scoped3A_20, %add3A_18] : memref<2x320000xi32, #tpu.memory_space<hbm>> -> memref<1x80xi32, #tpu.memory_space<hbm>>
      %dma_wait3A_35 = tpu.memref_squeeze %dma_wait3A : memref<1x80xi32, #tpu.memory_space<hbm>> -> memref<80xi32, #tpu.memory_space<hbm>>
      %dma_wait3A_36 = tpu.memref_slice %arg3[%run_scoped3A_20, %add3A_18] : memref<2x320000xi32, #tpu.memory_space<hbm>> -> memref<1x80xi32, #tpu.memory_space<hbm>>
      %dma_wait3A_37 = tpu.memref_squeeze %dma_wait3A_36 : memref<1x80xi32, #tpu.memory_space<hbm>> -> memref<80xi32, #tpu.memory_space<hbm>>
      tpu.wait_dma2 semaphore(%run_scoped3A_30 : memref<!tpu.dma_semaphore, #tpu.memory_space<semaphore_mem>>) src(%dma_wait3A_37 : memref<80xi32, #tpu.memory_space<hbm>>) dst(%arg12 : memref<80xi32, #tpu.memory_space<vmem>>)
      tpu.yield
    }) : () -> ()
    %dma_start3A_21 = arith.constant 0 : i32
    %dma_start3A_22 = arith.constant 0 : i32
    %dma_start3A_23 = tpu.memref_slice %arg2[%dma_start3A_21, %dma_start3A_22] : memref<10112x128xf32, #tpu.memory_space<hbm>> -> memref<10112x128xf32, #tpu.memory_space<hbm>>
    tpu.enqueue_indirect_dma source(%dma_start3A_23 : memref<10112x128xf32, #tpu.memory_space<hbm>>) target(%arg16 : memref<80x128xf32, #tpu.memory_space<vmem>>) offsets(%arg8 : memref<80xi32, #tpu.memory_space<vmem>>) semaphore(%arg21 : memref<!tpu.dma_semaphore, #tpu.memory_space<semaphore_mem>>)
    %scan3A = arith.constant 0 : i32
    %scan3A_24 = arith.constant 0 : i32
    %scan3A_25 = arith.constant 32 : i32
    %scan3A_26 = arith.addi %scan3A_24, %scan3A_25 : i32
    %scan3A_27 = arith.constant 1 : i32
    scf.for %scan3A_30 = %scan3A_24 to %scan3A_26 step %scan3A_27  : i32 {
      %mul3A_31 = arith.constant 4 : i32
      %mul3A_32 = arith.muli %mul3A_31, %scan3A_30 : i32
      %add3A_33 = arith.constant 0 : i32
      %add3A_34 = arith.addi %mul3A_32, %add3A_33 : i32
      %add3A_35 = arith.constant 4 : i32
      %add3A_36 = arith.addi %add3A_34, %add3A_35 : i32
      %sub3A = arith.constant 1 : i32
      %sub3A_37 = arith.subi %add3A_36, %sub3A : i32
      %lt3A = arith.constant 125 : i32
      %lt3A_38 = arith.cmpi slt, %sub3A_37, %lt3A : i32
      %convert_element_type3A = arith.extui %lt3A_38 : i1 to i32
      %cond3A = arith.constant 0 : i32
      %cond3A_39 = arith.cmpi ne, %convert_element_type3A, %cond3A : i32
      scf.if %cond3A_39 {
        %mul3A_119 = arith.constant 80 : i32
        %mul3A_120 = arith.muli %sub3A_37, %mul3A_119 : i32
        %add3A_121 = arith.addi %mul3A_4, %mul3A_120 : i32
        %dma_start3A_122 = arith.constant 0 : i32
        %dma_start3A_123 = tpu.memref_slice %arg3[%dma_start3A_122, %add3A_121] : memref<2x320000xi32, #tpu.memory_space<hbm>> -> memref<1x80xi32, #tpu.memory_space<hbm>>
        %dma_start3A_124 = tpu.memref_squeeze %dma_start3A_123 : memref<1x80xi32, #tpu.memory_space<hbm>> -> memref<80xi32, #tpu.memory_space<hbm>>
        %dma_start3A_125 = tpu.memref_slice %arg3[%dma_start3A_122, %add3A_121] : memref<2x320000xi32, #tpu.memory_space<hbm>> -> memref<1x80xi32, #tpu.memory_space<hbm>>
        %dma_start3A_126 = tpu.memref_squeeze %dma_start3A_125 : memref<1x80xi32, #tpu.memory_space<hbm>> -> memref<80xi32, #tpu.memory_space<hbm>>
        tpu.enqueue_dma source(%dma_start3A_126 : memref<80xi32, #tpu.memory_space<hbm>>) target(%arg9 : memref<80xi32, #tpu.memory_space<vmem>>) target_semaphore(%arg26 : memref<!tpu.dma_semaphore, #tpu.memory_space<semaphore_mem>>)
        %dma_start3A_127 = arith.constant 1 : i32
        %dma_start3A_128 = tpu.memref_slice %arg3[%dma_start3A_127, %add3A_121] : memref<2x320000xi32, #tpu.memory_space<hbm>> -> memref<1x80xi32, #tpu.memory_space<hbm>>
        %dma_start3A_129 = tpu.memref_squeeze %dma_start3A_128 : memref<1x80xi32, #tpu.memory_space<hbm>> -> memref<80xi32, #tpu.memory_space<hbm>>
        %dma_start3A_130 = tpu.memref_slice %arg3[%dma_start3A_127, %add3A_121] : memref<2x320000xi32, #tpu.memory_space<hbm>> -> memref<1x80xi32, #tpu.memory_space<hbm>>
        %dma_start3A_131 = tpu.memref_squeeze %dma_start3A_130 : memref<1x80xi32, #tpu.memory_space<hbm>> -> memref<80xi32, #tpu.memory_space<hbm>>
        tpu.enqueue_dma source(%dma_start3A_131 : memref<80xi32, #tpu.memory_space<hbm>>) target(%arg13 : memref<80xi32, #tpu.memory_space<vmem>>) target_semaphore(%arg26 : memref<!tpu.dma_semaphore, #tpu.memory_space<semaphore_mem>>)
      } else {
      }
      %lt3A_40 = arith.constant 125 : i32
      %lt3A_41 = arith.cmpi slt, %add3A_34, %lt3A_40 : i32
      %convert_element_type3A_42 = arith.extui %lt3A_41 : i1 to i32
      %cond3A_43 = arith.constant 0 : i32
      %cond3A_44 = arith.cmpi ne, %convert_element_type3A_42, %cond3A_43 : i32
      scf.if %cond3A_44 {
        %dma_wait3A = arith.constant 0 : i32
        %dma_wait3A_119 = arith.constant 0 : i32
        %dma_wait3A_120 = tpu.memref_slice %arg2[%dma_wait3A, %dma_wait3A_119] : memref<10112x128xf32, #tpu.memory_space<hbm>> -> memref<10112x128xf32, #tpu.memory_space<hbm>>
        tpu.wait_indirect_dma semaphore(%arg19 : memref<!tpu.dma_semaphore, #tpu.memory_space<semaphore_mem>>) src(%dma_wait3A_120 : memref<10112x128xf32, #tpu.memory_space<hbm>>) dst(%arg14 : memref<80x128xf32, #tpu.memory_space<vmem>>)
        "tpu.region"() ({
          %run_scoped3A_121 = tpu.sem_alloc : memref<!tpu.dma_semaphore, #tpu.memory_space<semaphore_mem>>
          %dma_start3A_122 = arith.constant 0 : i32
          %dma_start3A_123 = arith.constant 0 : i32
          %dma_start3A_124 = tpu.memref_slice %arg18[%dma_start3A_122, %dma_start3A_123] : memref<10112x128xf32, #tpu.memory_space<vmem_shared>> -> memref<10112x128xf32, #tpu.memory_space<vmem_shared>>
          tpu.enqueue_indirect_dma source(%arg14 : memref<80x128xf32, #tpu.memory_space<vmem>>) target(%dma_start3A_124 : memref<10112x128xf32, #tpu.memory_space<vmem_shared>>) offsets(%arg10 : memref<80xi32, #tpu.memory_space<vmem>>) semaphore(%run_scoped3A_121 : memref<!tpu.dma_semaphore, #tpu.memory_space<semaphore_mem>>) {add = true}
          %dma_wait3A_125 = arith.constant 0 : i32
          %dma_wait3A_126 = arith.constant 0 : i32
          %dma_wait3A_127 = tpu.memref_slice %arg18[%dma_wait3A_125, %dma_wait3A_126] : memref<10112x128xf32, #tpu.memory_space<vmem_shared>> -> memref<10112x128xf32, #tpu.memory_space<vmem_shared>>
          tpu.wait_indirect_dma semaphore(%run_scoped3A_121 : memref<!tpu.dma_semaphore, #tpu.memory_space<semaphore_mem>>) src(%arg14 : memref<80x128xf32, #tpu.memory_space<vmem>>) dst(%dma_wait3A_127 : memref<10112x128xf32, #tpu.memory_space<vmem_shared>>)
          tpu.yield
        }) : () -> ()
      } else {
      }
      %lt3A_45 = arith.constant 125 : i32
      %lt3A_46 = arith.cmpi slt, %sub3A_37, %lt3A_45 : i32
      %convert_element_type3A_47 = arith.extui %lt3A_46 : i1 to i32
      %cond3A_48 = arith.constant 0 : i32
      %cond3A_49 = arith.cmpi ne, %convert_element_type3A_47, %cond3A_48 : i32
      scf.if %cond3A_49 {
        %mul3A_119 = arith.constant 80 : i32
        %mul3A_120 = arith.muli %sub3A_37, %mul3A_119 : i32
        %add3A_121 = arith.addi %mul3A_4, %mul3A_120 : i32
        %dma_wait3A = arith.constant 0 : i32
        %dma_wait3A_122 = tpu.memref_slice %arg3[%dma_wait3A, %add3A_121] : memref<2x320000xi32, #tpu.memory_space<hbm>> -> memref<1x80xi32, #tpu.memory_space<hbm>>
        %dma_wait3A_123 = tpu.memref_squeeze %dma_wait3A_122 : memref<1x80xi32, #tpu.memory_space<hbm>> -> memref<80xi32, #tpu.memory_space<hbm>>
        %dma_wait3A_124 = tpu.memref_slice %arg3[%dma_wait3A, %add3A_121] : memref<2x320000xi32, #tpu.memory_space<hbm>> -> memref<1x80xi32, #tpu.memory_space<hbm>>
        %dma_wait3A_125 = tpu.memref_squeeze %dma_wait3A_124 : memref<1x80xi32, #tpu.memory_space<hbm>> -> memref<80xi32, #tpu.memory_space<hbm>>
        tpu.wait_dma2 semaphore(%arg26 : memref<!tpu.dma_semaphore, #tpu.memory_space<semaphore_mem>>) src(%dma_wait3A_125 : memref<80xi32, #tpu.memory_space<hbm>>) dst(%arg9 : memref<80xi32, #tpu.memory_space<vmem>>)
        %dma_wait3A_126 = arith.constant 1 : i32
        %dma_wait3A_127 = tpu.memref_slice %arg3[%dma_wait3A_126, %add3A_121] : memref<2x320000xi32, #tpu.memory_space<hbm>> -> memref<1x80xi32, #tpu.memory_space<hbm>>
        %dma_wait3A_128 = tpu.memref_squeeze %dma_wait3A_127 : memref<1x80xi32, #tpu.memory_space<hbm>> -> memref<80xi32, #tpu.memory_space<hbm>>
        %dma_wait3A_129 = tpu.memref_slice %arg3[%dma_wait3A_126, %add3A_121] : memref<2x320000xi32, #tpu.memory_space<hbm>> -> memref<1x80xi32, #tpu.memory_space<hbm>>
        %dma_wait3A_130 = tpu.memref_squeeze %dma_wait3A_129 : memref<1x80xi32, #tpu.memory_space<hbm>> -> memref<80xi32, #tpu.memory_space<hbm>>
        tpu.wait_dma2 semaphore(%arg26 : memref<!tpu.dma_semaphore, #tpu.memory_space<semaphore_mem>>) src(%dma_wait3A_130 : memref<80xi32, #tpu.memory_space<hbm>>) dst(%arg13 : memref<80xi32, #tpu.memory_space<vmem>>)
        %dma_start3A_131 = arith.constant 0 : i32
        %dma_start3A_132 = arith.constant 0 : i32
        %dma_start3A_133 = tpu.memref_slice %arg2[%dma_start3A_131, %dma_start3A_132] : memref<10112x128xf32, #tpu.memory_space<hbm>> -> memref<10112x128xf32, #tpu.memory_space<hbm>>
        tpu.enqueue_indirect_dma source(%dma_start3A_133 : memref<10112x128xf32, #tpu.memory_space<hbm>>) target(%arg17 : memref<80x128xf32, #tpu.memory_space<vmem>>) offsets(%arg9 : memref<80xi32, #tpu.memory_space<vmem>>) semaphore(%arg22 : memref<!tpu.dma_semaphore, #tpu.memory_space<semaphore_mem>>)
      } else {
      }
      %mul3A_50 = arith.constant 4 : i32
      %mul3A_51 = arith.muli %mul3A_50, %scan3A_30 : i32
      %add3A_52 = arith.constant 1 : i32
      %add3A_53 = arith.addi %mul3A_51, %add3A_52 : i32
      %add3A_54 = arith.constant 4 : i32
      %add3A_55 = arith.addi %add3A_53, %add3A_54 : i32
      %sub3A_56 = arith.constant 1 : i32
      %sub3A_57 = arith.subi %add3A_55, %sub3A_56 : i32
      %lt3A_58 = arith.constant 125 : i32
      %lt3A_59 = arith.cmpi slt, %sub3A_57, %lt3A_58 : i32
      %convert_element_type3A_60 = arith.extui %lt3A_59 : i1 to i32
      %cond3A_61 = arith.constant 0 : i32
      %cond3A_62 = arith.cmpi ne, %convert_element_type3A_60, %cond3A_61 : i32
      scf.if %cond3A_62 {
        %mul3A_119 = arith.constant 80 : i32
        %mul3A_120 = arith.muli %sub3A_57, %mul3A_119 : i32
        %add3A_121 = arith.addi %mul3A_4, %mul3A_120 : i32
        %dma_start3A_122 = arith.constant 0 : i32
        %dma_start3A_123 = tpu.memref_slice %arg3[%dma_start3A_122, %add3A_121] : memref<2x320000xi32, #tpu.memory_space<hbm>> -> memref<1x80xi32, #tpu.memory_space<hbm>>
        %dma_start3A_124 = tpu.memref_squeeze %dma_start3A_123 : memref<1x80xi32, #tpu.memory_space<hbm>> -> memref<80xi32, #tpu.memory_space<hbm>>
        %dma_start3A_125 = tpu.memref_slice %arg3[%dma_start3A_122, %add3A_121] : memref<2x320000xi32, #tpu.memory_space<hbm>> -> memref<1x80xi32, #tpu.memory_space<hbm>>
        %dma_start3A_126 = tpu.memref_squeeze %dma_start3A_125 : memref<1x80xi32, #tpu.memory_space<hbm>> -> memref<80xi32, #tpu.memory_space<hbm>>
        tpu.enqueue_dma source(%dma_start3A_126 : memref<80xi32, #tpu.memory_space<hbm>>) target(%arg6 : memref<80xi32, #tpu.memory_space<vmem>>) target_semaphore(%arg23 : memref<!tpu.dma_semaphore, #tpu.memory_space<semaphore_mem>>)
        %dma_start3A_127 = arith.constant 1 : i32
        %dma_start3A_128 = tpu.memref_slice %arg3[%dma_start3A_127, %add3A_121] : memref<2x320000xi32, #tpu.memory_space<hbm>> -> memref<1x80xi32, #tpu.memory_space<hbm>>
        %dma_start3A_129 = tpu.memref_squeeze %dma_start3A_128 : memref<1x80xi32, #tpu.memory_space<hbm>> -> memref<80xi32, #tpu.memory_space<hbm>>
        %dma_start3A_130 = tpu.memref_slice %arg3[%dma_start3A_127, %add3A_121] : memref<2x320000xi32, #tpu.memory_space<hbm>> -> memref<1x80xi32, #tpu.memory_space<hbm>>
        %dma_start3A_131 = tpu.memref_squeeze %dma_start3A_130 : memref<1x80xi32, #tpu.memory_space<hbm>> -> memref<80xi32, #tpu.memory_space<hbm>>
        tpu.enqueue_dma source(%dma_start3A_131 : memref<80xi32, #tpu.memory_space<hbm>>) target(%arg10 : memref<80xi32, #tpu.memory_space<vmem>>) target_semaphore(%arg23 : memref<!tpu.dma_semaphore, #tpu.memory_space<semaphore_mem>>)
      } else {
      }
      %lt3A_63 = arith.constant 125 : i32
      %lt3A_64 = arith.cmpi slt, %add3A_53, %lt3A_63 : i32
      %convert_element_type3A_65 = arith.extui %lt3A_64 : i1 to i32
      %cond3A_66 = arith.constant 0 : i32
      %cond3A_67 = arith.cmpi ne, %convert_element_type3A_65, %cond3A_66 : i32
      scf.if %cond3A_67 {
        %dma_wait3A = arith.constant 0 : i32
        %dma_wait3A_119 = arith.constant 0 : i32
        %dma_wait3A_120 = tpu.memref_slice %arg2[%dma_wait3A, %dma_wait3A_119] : memref<10112x128xf32, #tpu.memory_space<hbm>> -> memref<10112x128xf32, #tpu.memory_space<hbm>>
        tpu.wait_indirect_dma semaphore(%arg20 : memref<!tpu.dma_semaphore, #tpu.memory_space<semaphore_mem>>) src(%dma_wait3A_120 : memref<10112x128xf32, #tpu.memory_space<hbm>>) dst(%arg15 : memref<80x128xf32, #tpu.memory_space<vmem>>)
        "tpu.region"() ({
          %run_scoped3A_121 = tpu.sem_alloc : memref<!tpu.dma_semaphore, #tpu.memory_space<semaphore_mem>>
          %dma_start3A_122 = arith.constant 0 : i32
          %dma_start3A_123 = arith.constant 0 : i32
          %dma_start3A_124 = tpu.memref_slice %arg18[%dma_start3A_122, %dma_start3A_123] : memref<10112x128xf32, #tpu.memory_space<vmem_shared>> -> memref<10112x128xf32, #tpu.memory_space<vmem_shared>>
          tpu.enqueue_indirect_dma source(%arg15 : memref<80x128xf32, #tpu.memory_space<vmem>>) target(%dma_start3A_124 : memref<10112x128xf32, #tpu.memory_space<vmem_shared>>) offsets(%arg11 : memref<80xi32, #tpu.memory_space<vmem>>) semaphore(%run_scoped3A_121 : memref<!tpu.dma_semaphore, #tpu.memory_space<semaphore_mem>>) {add = true}
          %dma_wait3A_125 = arith.constant 0 : i32
          %dma_wait3A_126 = arith.constant 0 : i32
          %dma_wait3A_127 = tpu.memref_slice %arg18[%dma_wait3A_125, %dma_wait3A_126] : memref<10112x128xf32, #tpu.memory_space<vmem_shared>> -> memref<10112x128xf32, #tpu.memory_space<vmem_shared>>
          tpu.wait_indirect_dma semaphore(%run_scoped3A_121 : memref<!tpu.dma_semaphore, #tpu.memory_space<semaphore_mem>>) src(%arg15 : memref<80x128xf32, #tpu.memory_space<vmem>>) dst(%dma_wait3A_127 : memref<10112x128xf32, #tpu.memory_space<vmem_shared>>)
          tpu.yield
        }) : () -> ()
      } else {
      }
      %lt3A_68 = arith.constant 125 : i32
      %lt3A_69 = arith.cmpi slt, %sub3A_57, %lt3A_68 : i32
      %convert_element_type3A_70 = arith.extui %lt3A_69 : i1 to i32
      %cond3A_71 = arith.constant 0 : i32
      %cond3A_72 = arith.cmpi ne, %convert_element_type3A_70, %cond3A_71 : i32
      scf.if %cond3A_72 {
        %mul3A_119 = arith.constant 80 : i32
        %mul3A_120 = arith.muli %sub3A_57, %mul3A_119 : i32
        %add3A_121 = arith.addi %mul3A_4, %mul3A_120 : i32
        %dma_wait3A = arith.constant 0 : i32
        %dma_wait3A_122 = tpu.memref_slice %arg3[%dma_wait3A, %add3A_121] : memref<2x320000xi32, #tpu.memory_space<hbm>> -> memref<1x80xi32, #tpu.memory_space<hbm>>
        %dma_wait3A_123 = tpu.memref_squeeze %dma_wait3A_122 : memref<1x80xi32, #tpu.memory_space<hbm>> -> memref<80xi32, #tpu.memory_space<hbm>>
        %dma_wait3A_124 = tpu.memref_slice %arg3[%dma_wait3A, %add3A_121] : memref<2x320000xi32, #tpu.memory_space<hbm>> -> memref<1x80xi32, #tpu.memory_space<hbm>>
        %dma_wait3A_125 = tpu.memref_squeeze %dma_wait3A_124 : memref<1x80xi32, #tpu.memory_space<hbm>> -> memref<80xi32, #tpu.memory_space<hbm>>
        tpu.wait_dma2 semaphore(%arg23 : memref<!tpu.dma_semaphore, #tpu.memory_space<semaphore_mem>>) src(%dma_wait3A_125 : memref<80xi32, #tpu.memory_space<hbm>>) dst(%arg6 : memref<80xi32, #tpu.memory_space<vmem>>)
        %dma_wait3A_126 = arith.constant 1 : i32
        %dma_wait3A_127 = tpu.memref_slice %arg3[%dma_wait3A_126, %add3A_121] : memref<2x320000xi32, #tpu.memory_space<hbm>> -> memref<1x80xi32, #tpu.memory_space<hbm>>
        %dma_wait3A_128 = tpu.memref_squeeze %dma_wait3A_127 : memref<1x80xi32, #tpu.memory_space<hbm>> -> memref<80xi32, #tpu.memory_space<hbm>>
        %dma_wait3A_129 = tpu.memref_slice %arg3[%dma_wait3A_126, %add3A_121] : memref<2x320000xi32, #tpu.memory_space<hbm>> -> memref<1x80xi32, #tpu.memory_space<hbm>>
        %dma_wait3A_130 = tpu.memref_squeeze %dma_wait3A_129 : memref<1x80xi32, #tpu.memory_space<hbm>> -> memref<80xi32, #tpu.memory_space<hbm>>
        tpu.wait_dma2 semaphore(%arg23 : memref<!tpu.dma_semaphore, #tpu.memory_space<semaphore_mem>>) src(%dma_wait3A_130 : memref<80xi32, #tpu.memory_space<hbm>>) dst(%arg10 : memref<80xi32, #tpu.memory_space<vmem>>)
        %dma_start3A_131 = arith.constant 0 : i32
        %dma_start3A_132 = arith.constant 0 : i32
        %dma_start3A_133 = tpu.memref_slice %arg2[%dma_start3A_131, %dma_start3A_132] : memref<10112x128xf32, #tpu.memory_space<hbm>> -> memref<10112x128xf32, #tpu.memory_space<hbm>>
        tpu.enqueue_indirect_dma source(%dma_start3A_133 : memref<10112x128xf32, #tpu.memory_space<hbm>>) target(%arg14 : memref<80x128xf32, #tpu.memory_space<vmem>>) offsets(%arg6 : memref<80xi32, #tpu.memory_space<vmem>>) semaphore(%arg19 : memref<!tpu.dma_semaphore, #tpu.memory_space<semaphore_mem>>)
      } else {
      }
      %mul3A_73 = arith.constant 4 : i32
      %mul3A_74 = arith.muli %mul3A_73, %scan3A_30 : i32
      %add3A_75 = arith.constant 2 : i32
      %add3A_76 = arith.addi %mul3A_74, %add3A_75 : i32
      %add3A_77 = arith.constant 4 : i32
      %add3A_78 = arith.addi %add3A_76, %add3A_77 : i32
      %sub3A_79 = arith.constant 1 : i32
      %sub3A_80 = arith.subi %add3A_78, %sub3A_79 : i32
      %lt3A_81 = arith.constant 125 : i32
      %lt3A_82 = arith.cmpi slt, %sub3A_80, %lt3A_81 : i32
      %convert_element_type3A_83 = arith.extui %lt3A_82 : i1 to i32
      %cond3A_84 = arith.constant 0 : i32
      %cond3A_85 = arith.cmpi ne, %convert_element_type3A_83, %cond3A_84 : i32
      scf.if %cond3A_85 {
        %mul3A_119 = arith.constant 80 : i32
        %mul3A_120 = arith.muli %sub3A_80, %mul3A_119 : i32
        %add3A_121 = arith.addi %mul3A_4, %mul3A_120 : i32
        %dma_start3A_122 = arith.constant 0 : i32
        %dma_start3A_123 = tpu.memref_slice %arg3[%dma_start3A_122, %add3A_121] : memref<2x320000xi32, #tpu.memory_space<hbm>> -> memref<1x80xi32, #tpu.memory_space<hbm>>
        %dma_start3A_124 = tpu.memref_squeeze %dma_start3A_123 : memref<1x80xi32, #tpu.memory_space<hbm>> -> memref<80xi32, #tpu.memory_space<hbm>>
        %dma_start3A_125 = tpu.memref_slice %arg3[%dma_start3A_122, %add3A_121] : memref<2x320000xi32, #tpu.memory_space<hbm>> -> memref<1x80xi32, #tpu.memory_space<hbm>>
        %dma_start3A_126 = tpu.memref_squeeze %dma_start3A_125 : memref<1x80xi32, #tpu.memory_space<hbm>> -> memref<80xi32, #tpu.memory_space<hbm>>
        tpu.enqueue_dma source(%dma_start3A_126 : memref<80xi32, #tpu.memory_space<hbm>>) target(%arg7 : memref<80xi32, #tpu.memory_space<vmem>>) target_semaphore(%arg24 : memref<!tpu.dma_semaphore, #tpu.memory_space<semaphore_mem>>)
        %dma_start3A_127 = arith.constant 1 : i32
        %dma_start3A_128 = tpu.memref_slice %arg3[%dma_start3A_127, %add3A_121] : memref<2x320000xi32, #tpu.memory_space<hbm>> -> memref<1x80xi32, #tpu.memory_space<hbm>>
        %dma_start3A_129 = tpu.memref_squeeze %dma_start3A_128 : memref<1x80xi32, #tpu.memory_space<hbm>> -> memref<80xi32, #tpu.memory_space<hbm>>
        %dma_start3A_130 = tpu.memref_slice %arg3[%dma_start3A_127, %add3A_121] : memref<2x320000xi32, #tpu.memory_space<hbm>> -> memref<1x80xi32, #tpu.memory_space<hbm>>
        %dma_start3A_131 = tpu.memref_squeeze %dma_start3A_130 : memref<1x80xi32, #tpu.memory_space<hbm>> -> memref<80xi32, #tpu.memory_space<hbm>>
        tpu.enqueue_dma source(%dma_start3A_131 : memref<80xi32, #tpu.memory_space<hbm>>) target(%arg11 : memref<80xi32, #tpu.memory_space<vmem>>) target_semaphore(%arg24 : memref<!tpu.dma_semaphore, #tpu.memory_space<semaphore_mem>>)
      } else {
      }
      %lt3A_86 = arith.constant 125 : i32
      %lt3A_87 = arith.cmpi slt, %add3A_76, %lt3A_86 : i32
      %convert_element_type3A_88 = arith.extui %lt3A_87 : i1 to i32
      %cond3A_89 = arith.constant 0 : i32
      %cond3A_90 = arith.cmpi ne, %convert_element_type3A_88, %cond3A_89 : i32
      scf.if %cond3A_90 {
        %dma_wait3A = arith.constant 0 : i32
        %dma_wait3A_119 = arith.constant 0 : i32
        %dma_wait3A_120 = tpu.memref_slice %arg2[%dma_wait3A, %dma_wait3A_119] : memref<10112x128xf32, #tpu.memory_space<hbm>> -> memref<10112x128xf32, #tpu.memory_space<hbm>>
        tpu.wait_indirect_dma semaphore(%arg21 : memref<!tpu.dma_semaphore, #tpu.memory_space<semaphore_mem>>) src(%dma_wait3A_120 : memref<10112x128xf32, #tpu.memory_space<hbm>>) dst(%arg16 : memref<80x128xf32, #tpu.memory_space<vmem>>)
        "tpu.region"() ({
          %run_scoped3A_121 = tpu.sem_alloc : memref<!tpu.dma_semaphore, #tpu.memory_space<semaphore_mem>>
          %dma_start3A_122 = arith.constant 0 : i32
          %dma_start3A_123 = arith.constant 0 : i32
          %dma_start3A_124 = tpu.memref_slice %arg18[%dma_start3A_122, %dma_start3A_123] : memref<10112x128xf32, #tpu.memory_space<vmem_shared>> -> memref<10112x128xf32, #tpu.memory_space<vmem_shared>>
          tpu.enqueue_indirect_dma source(%arg16 : memref<80x128xf32, #tpu.memory_space<vmem>>) target(%dma_start3A_124 : memref<10112x128xf32, #tpu.memory_space<vmem_shared>>) offsets(%arg12 : memref<80xi32, #tpu.memory_space<vmem>>) semaphore(%run_scoped3A_121 : memref<!tpu.dma_semaphore, #tpu.memory_space<semaphore_mem>>) {add = true}
          %dma_wait3A_125 = arith.constant 0 : i32
          %dma_wait3A_126 = arith.constant 0 : i32
          %dma_wait3A_127 = tpu.memref_slice %arg18[%dma_wait3A_125, %dma_wait3A_126] : memref<10112x128xf32, #tpu.memory_space<vmem_shared>> -> memref<10112x128xf32, #tpu.memory_space<vmem_shared>>
          tpu.wait_indirect_dma semaphore(%run_scoped3A_121 : memref<!tpu.dma_semaphore, #tpu.memory_space<semaphore_mem>>) src(%arg16 : memref<80x128xf32, #tpu.memory_space<vmem>>) dst(%dma_wait3A_127 : memref<10112x128xf32, #tpu.memory_space<vmem_shared>>)
          tpu.yield
        }) : () -> ()
      } else {
      }
      %lt3A_91 = arith.constant 125 : i32
      %lt3A_92 = arith.cmpi slt, %sub3A_80, %lt3A_91 : i32
      %convert_element_type3A_93 = arith.extui %lt3A_92 : i1 to i32
      %cond3A_94 = arith.constant 0 : i32
      %cond3A_95 = arith.cmpi ne, %convert_element_type3A_93, %cond3A_94 : i32
      scf.if %cond3A_95 {
        %mul3A_119 = arith.constant 80 : i32
        %mul3A_120 = arith.muli %sub3A_80, %mul3A_119 : i32
        %add3A_121 = arith.addi %mul3A_4, %mul3A_120 : i32
        %dma_wait3A = arith.constant 0 : i32
        %dma_wait3A_122 = tpu.memref_slice %arg3[%dma_wait3A, %add3A_121] : memref<2x320000xi32, #tpu.memory_space<hbm>> -> memref<1x80xi32, #tpu.memory_space<hbm>>
        %dma_wait3A_123 = tpu.memref_squeeze %dma_wait3A_122 : memref<1x80xi32, #tpu.memory_space<hbm>> -> memref<80xi32, #tpu.memory_space<hbm>>
        %dma_wait3A_124 = tpu.memref_slice %arg3[%dma_wait3A, %add3A_121] : memref<2x320000xi32, #tpu.memory_space<hbm>> -> memref<1x80xi32, #tpu.memory_space<hbm>>
        %dma_wait3A_125 = tpu.memref_squeeze %dma_wait3A_124 : memref<1x80xi32, #tpu.memory_space<hbm>> -> memref<80xi32, #tpu.memory_space<hbm>>
        tpu.wait_dma2 semaphore(%arg24 : memref<!tpu.dma_semaphore, #tpu.memory_space<semaphore_mem>>) src(%dma_wait3A_125 : memref<80xi32, #tpu.memory_space<hbm>>) dst(%arg7 : memref<80xi32, #tpu.memory_space<vmem>>)
        %dma_wait3A_126 = arith.constant 1 : i32
        %dma_wait3A_127 = tpu.memref_slice %arg3[%dma_wait3A_126, %add3A_121] : memref<2x320000xi32, #tpu.memory_space<hbm>> -> memref<1x80xi32, #tpu.memory_space<hbm>>
        %dma_wait3A_128 = tpu.memref_squeeze %dma_wait3A_127 : memref<1x80xi32, #tpu.memory_space<hbm>> -> memref<80xi32, #tpu.memory_space<hbm>>
        %dma_wait3A_129 = tpu.memref_slice %arg3[%dma_wait3A_126, %add3A_121] : memref<2x320000xi32, #tpu.memory_space<hbm>> -> memref<1x80xi32, #tpu.memory_space<hbm>>
        %dma_wait3A_130 = tpu.memref_squeeze %dma_wait3A_129 : memref<1x80xi32, #tpu.memory_space<hbm>> -> memref<80xi32, #tpu.memory_space<hbm>>
        tpu.wait_dma2 semaphore(%arg24 : memref<!tpu.dma_semaphore, #tpu.memory_space<semaphore_mem>>) src(%dma_wait3A_130 : memref<80xi32, #tpu.memory_space<hbm>>) dst(%arg11 : memref<80xi32, #tpu.memory_space<vmem>>)
        %dma_start3A_131 = arith.constant 0 : i32
        %dma_start3A_132 = arith.constant 0 : i32
        %dma_start3A_133 = tpu.memref_slice %arg2[%dma_start3A_131, %dma_start3A_132] : memref<10112x128xf32, #tpu.memory_space<hbm>> -> memref<10112x128xf32, #tpu.memory_space<hbm>>
        tpu.enqueue_indirect_dma source(%dma_start3A_133 : memref<10112x128xf32, #tpu.memory_space<hbm>>) target(%arg15 : memref<80x128xf32, #tpu.memory_space<vmem>>) offsets(%arg7 : memref<80xi32, #tpu.memory_space<vmem>>) semaphore(%arg20 : memref<!tpu.dma_semaphore, #tpu.memory_space<semaphore_mem>>)
      } else {
      }
      %mul3A_96 = arith.constant 4 : i32
      %mul3A_97 = arith.muli %mul3A_96, %scan3A_30 : i32
      %add3A_98 = arith.constant 3 : i32
      %add3A_99 = arith.addi %mul3A_97, %add3A_98 : i32
      %add3A_100 = arith.constant 4 : i32
      %add3A_101 = arith.addi %add3A_99, %add3A_100 : i32
      %sub3A_102 = arith.constant 1 : i32
      %sub3A_103 = arith.subi %add3A_101, %sub3A_102 : i32
      %lt3A_104 = arith.constant 125 : i32
      %lt3A_105 = arith.cmpi slt, %sub3A_103, %lt3A_104 : i32
      %convert_element_type3A_106 = arith.extui %lt3A_105 : i1 to i32
      %cond3A_107 = arith.constant 0 : i32
      %cond3A_108 = arith.cmpi ne, %convert_element_type3A_106, %cond3A_107 : i32
      scf.if %cond3A_108 {
        %mul3A_119 = arith.constant 80 : i32
        %mul3A_120 = arith.muli %sub3A_103, %mul3A_119 : i32
        %add3A_121 = arith.addi %mul3A_4, %mul3A_120 : i32
        %dma_start3A_122 = arith.constant 0 : i32
        %dma_start3A_123 = tpu.memref_slice %arg3[%dma_start3A_122, %add3A_121] : memref<2x320000xi32, #tpu.memory_space<hbm>> -> memref<1x80xi32, #tpu.memory_space<hbm>>
        %dma_start3A_124 = tpu.memref_squeeze %dma_start3A_123 : memref<1x80xi32, #tpu.memory_space<hbm>> -> memref<80xi32, #tpu.memory_space<hbm>>
        %dma_start3A_125 = tpu.memref_slice %arg3[%dma_start3A_122, %add3A_121] : memref<2x320000xi32, #tpu.memory_space<hbm>> -> memref<1x80xi32, #tpu.memory_space<hbm>>
        %dma_start3A_126 = tpu.memref_squeeze %dma_start3A_125 : memref<1x80xi32, #tpu.memory_space<hbm>> -> memref<80xi32, #tpu.memory_space<hbm>>
        tpu.enqueue_dma source(%dma_start3A_126 : memref<80xi32, #tpu.memory_space<hbm>>) target(%arg8 : memref<80xi32, #tpu.memory_space<vmem>>) target_semaphore(%arg25 : memref<!tpu.dma_semaphore, #tpu.memory_space<semaphore_mem>>)
        %dma_start3A_127 = arith.constant 1 : i32
        %dma_start3A_128 = tpu.memref_slice %arg3[%dma_start3A_127, %add3A_121] : memref<2x320000xi32, #tpu.memory_space<hbm>> -> memref<1x80xi32, #tpu.memory_space<hbm>>
        %dma_start3A_129 = tpu.memref_squeeze %dma_start3A_128 : memref<1x80xi32, #tpu.memory_space<hbm>> -> memref<80xi32, #tpu.memory_space<hbm>>
        %dma_start3A_130 = tpu.memref_slice %arg3[%dma_start3A_127, %add3A_121] : memref<2x320000xi32, #tpu.memory_space<hbm>> -> memref<1x80xi32, #tpu.memory_space<hbm>>
        %dma_start3A_131 = tpu.memref_squeeze %dma_start3A_130 : memref<1x80xi32, #tpu.memory_space<hbm>> -> memref<80xi32, #tpu.memory_space<hbm>>
        tpu.enqueue_dma source(%dma_start3A_131 : memref<80xi32, #tpu.memory_space<hbm>>) target(%arg12 : memref<80xi32, #tpu.memory_space<vmem>>) target_semaphore(%arg25 : memref<!tpu.dma_semaphore, #tpu.memory_space<semaphore_mem>>)
      } else {
      }
      %lt3A_109 = arith.constant 125 : i32
      %lt3A_110 = arith.cmpi slt, %add3A_99, %lt3A_109 : i32
      %convert_element_type3A_111 = arith.extui %lt3A_110 : i1 to i32
      %cond3A_112 = arith.constant 0 : i32
      %cond3A_113 = arith.cmpi ne, %convert_element_type3A_111, %cond3A_112 : i32
      scf.if %cond3A_113 {
        %dma_wait3A = arith.constant 0 : i32
        %dma_wait3A_119 = arith.constant 0 : i32
        %dma_wait3A_120 = tpu.memref_slice %arg2[%dma_wait3A, %dma_wait3A_119] : memref<10112x128xf32, #tpu.memory_space<hbm>> -> memref<10112x128xf32, #tpu.memory_space<hbm>>
        tpu.wait_indirect_dma semaphore(%arg22 : memref<!tpu.dma_semaphore, #tpu.memory_space<semaphore_mem>>) src(%dma_wait3A_120 : memref<10112x128xf32, #tpu.memory_space<hbm>>) dst(%arg17 : memref<80x128xf32, #tpu.memory_space<vmem>>)
        "tpu.region"() ({
          %run_scoped3A_121 = tpu.sem_alloc : memref<!tpu.dma_semaphore, #tpu.memory_space<semaphore_mem>>
          %dma_start3A_122 = arith.constant 0 : i32
          %dma_start3A_123 = arith.constant 0 : i32
          %dma_start3A_124 = tpu.memref_slice %arg18[%dma_start3A_122, %dma_start3A_123] : memref<10112x128xf32, #tpu.memory_space<vmem_shared>> -> memref<10112x128xf32, #tpu.memory_space<vmem_shared>>
          tpu.enqueue_indirect_dma source(%arg17 : memref<80x128xf32, #tpu.memory_space<vmem>>) target(%dma_start3A_124 : memref<10112x128xf32, #tpu.memory_space<vmem_shared>>) offsets(%arg13 : memref<80xi32, #tpu.memory_space<vmem>>) semaphore(%run_scoped3A_121 : memref<!tpu.dma_semaphore, #tpu.memory_space<semaphore_mem>>) {add = true}
          %dma_wait3A_125 = arith.constant 0 : i32
          %dma_wait3A_126 = arith.constant 0 : i32
          %dma_wait3A_127 = tpu.memref_slice %arg18[%dma_wait3A_125, %dma_wait3A_126] : memref<10112x128xf32, #tpu.memory_space<vmem_shared>> -> memref<10112x128xf32, #tpu.memory_space<vmem_shared>>
          tpu.wait_indirect_dma semaphore(%run_scoped3A_121 : memref<!tpu.dma_semaphore, #tpu.memory_space<semaphore_mem>>) src(%arg17 : memref<80x128xf32, #tpu.memory_space<vmem>>) dst(%dma_wait3A_127 : memref<10112x128xf32, #tpu.memory_space<vmem_shared>>)
          tpu.yield
        }) : () -> ()
      } else {
      }
      %lt3A_114 = arith.constant 125 : i32
      %lt3A_115 = arith.cmpi slt, %sub3A_103, %lt3A_114 : i32
      %convert_element_type3A_116 = arith.extui %lt3A_115 : i1 to i32
      %cond3A_117 = arith.constant 0 : i32
      %cond3A_118 = arith.cmpi ne, %convert_element_type3A_116, %cond3A_117 : i32
      scf.if %cond3A_118 {
        %mul3A_119 = arith.constant 80 : i32
        %mul3A_120 = arith.muli %sub3A_103, %mul3A_119 : i32
        %add3A_121 = arith.addi %mul3A_4, %mul3A_120 : i32
        %dma_wait3A = arith.constant 0 : i32
        %dma_wait3A_122 = tpu.memref_slice %arg3[%dma_wait3A, %add3A_121] : memref<2x320000xi32, #tpu.memory_space<hbm>> -> memref<1x80xi32, #tpu.memory_space<hbm>>
        %dma_wait3A_123 = tpu.memref_squeeze %dma_wait3A_122 : memref<1x80xi32, #tpu.memory_space<hbm>> -> memref<80xi32, #tpu.memory_space<hbm>>
        %dma_wait3A_124 = tpu.memref_slice %arg3[%dma_wait3A, %add3A_121] : memref<2x320000xi32, #tpu.memory_space<hbm>> -> memref<1x80xi32, #tpu.memory_space<hbm>>
        %dma_wait3A_125 = tpu.memref_squeeze %dma_wait3A_124 : memref<1x80xi32, #tpu.memory_space<hbm>> -> memref<80xi32, #tpu.memory_space<hbm>>
        tpu.wait_dma2 semaphore(%arg25 : memref<!tpu.dma_semaphore, #tpu.memory_space<semaphore_mem>>) src(%dma_wait3A_125 : memref<80xi32, #tpu.memory_space<hbm>>) dst(%arg8 : memref<80xi32, #tpu.memory_space<vmem>>)
        %dma_wait3A_126 = arith.constant 1 : i32
        %dma_wait3A_127 = tpu.memref_slice %arg3[%dma_wait3A_126, %add3A_121] : memref<2x320000xi32, #tpu.memory_space<hbm>> -> memref<1x80xi32, #tpu.memory_space<hbm>>
        %dma_wait3A_128 = tpu.memref_squeeze %dma_wait3A_127 : memref<1x80xi32, #tpu.memory_space<hbm>> -> memref<80xi32, #tpu.memory_space<hbm>>
        %dma_wait3A_129 = tpu.memref_slice %arg3[%dma_wait3A_126, %add3A_121] : memref<2x320000xi32, #tpu.memory_space<hbm>> -> memref<1x80xi32, #tpu.memory_space<hbm>>
        %dma_wait3A_130 = tpu.memref_squeeze %dma_wait3A_129 : memref<1x80xi32, #tpu.memory_space<hbm>> -> memref<80xi32, #tpu.memory_space<hbm>>
        tpu.wait_dma2 semaphore(%arg25 : memref<!tpu.dma_semaphore, #tpu.memory_space<semaphore_mem>>) src(%dma_wait3A_130 : memref<80xi32, #tpu.memory_space<hbm>>) dst(%arg12 : memref<80xi32, #tpu.memory_space<vmem>>)
        %dma_start3A_131 = arith.constant 0 : i32
        %dma_start3A_132 = arith.constant 0 : i32
        %dma_start3A_133 = tpu.memref_slice %arg2[%dma_start3A_131, %dma_start3A_132] : memref<10112x128xf32, #tpu.memory_space<hbm>> -> memref<10112x128xf32, #tpu.memory_space<hbm>>
        tpu.enqueue_indirect_dma source(%dma_start3A_133 : memref<10112x128xf32, #tpu.memory_space<hbm>>) target(%arg16 : memref<80x128xf32, #tpu.memory_space<vmem>>) offsets(%arg8 : memref<80xi32, #tpu.memory_space<vmem>>) semaphore(%arg21 : memref<!tpu.dma_semaphore, #tpu.memory_space<semaphore_mem>>)
      } else {
      }
    }
    %scan3A_28 = arith.constant 32 : i32
    %barrier3A_29 = arith.constant 0 : index
    tpu.barrier barrier_id(%barrier3A_29)
    "tpu.region"() ({
      %run_scoped3A_30 = tpu.sem_alloc : memref<!tpu.dma_semaphore, #tpu.memory_space<semaphore_mem>>
      %dma_start3A_31 = arith.constant 0 : i32
      %dma_start3A_32 = tpu.memref_slice %arg5[%arg0, %mul3A_2, %dma_start3A_31] : memref<2x10112x128xf32, #tpu.memory_space<hbm>> -> memref<1x632x128xf32, #tpu.memory_space<hbm>>
      %dma_start3A_33 = tpu.memref_squeeze %dma_start3A_32 : memref<1x632x128xf32, #tpu.memory_space<hbm>> -> memref<632x128xf32, #tpu.memory_space<hbm>>
      %dma_start3A_34 = arith.constant 0 : i32
      %dma_start3A_35 = tpu.memref_slice %arg18[%mul3A_2, %dma_start3A_34] : memref<10112x128xf32, #tpu.memory_space<vmem_shared>> -> memref<632x128xf32, #tpu.memory_space<vmem_shared>>
      tpu.enqueue_dma source(%dma_start3A_35 : memref<632x128xf32, #tpu.memory_space<vmem_shared>>) target(%dma_start3A_33 : memref<632x128xf32, #tpu.memory_space<hbm>>) target_semaphore(%run_scoped3A_30 : memref<!tpu.dma_semaphore, #tpu.memory_space<semaphore_mem>>)
      %dma_wait3A = arith.constant 0 : i32
      %dma_wait3A_36 = tpu.memref_slice %arg5[%arg0, %mul3A_2, %dma_wait3A] : memref<2x10112x128xf32, #tpu.memory_space<hbm>> -> memref<1x632x128xf32, #tpu.memory_space<hbm>>
      %dma_wait3A_37 = tpu.memref_squeeze %dma_wait3A_36 : memref<1x632x128xf32, #tpu.memory_space<hbm>> -> memref<632x128xf32, #tpu.memory_space<hbm>>
      %dma_wait3A_38 = arith.constant 0 : i32
      %dma_wait3A_39 = tpu.memref_slice %arg18[%mul3A_2, %dma_wait3A_38] : memref<10112x128xf32, #tpu.memory_space<vmem_shared>> -> memref<632x128xf32, #tpu.memory_space<vmem_shared>>
      tpu.wait_dma2 semaphore(%run_scoped3A_30 : memref<!tpu.dma_semaphore, #tpu.memory_space<semaphore_mem>>) src(%dma_wait3A_39 : memref<632x128xf32, #tpu.memory_space<vmem_shared>>) dst(%dma_wait3A_37 : memref<632x128xf32, #tpu.memory_space<hbm>>)
      tpu.yield
    }) : () -> ()
    return
  }
}

module attributes {stable_mosaic.version = 14 : i64} {
  func.func @body(%arg0: i32, %arg1: memref<2x632x128xf32, #tpu.memory_space<vmem>>, %arg2: memref<128x128xf32, #tpu.memory_space<vmem>>, %arg3: memref<1x128xf32, #tpu.memory_space<vmem>>, %arg4: memref<632x128xf32, #tpu.memory_space<vmem>>) attributes {dimension_semantics = [#tpu.dimension_semantics<arbitrary>], iteration_bounds = array<i64: 16>, scalar_prefetch = 0 : i64, scratch_operands = 0 : i64, tpu.core_type = #tpu.core_type<tc>, window_params = [{transform_indices = @transform_0, window_bounds = array<i64: 2, 632, 128>}, {pipeline_mode = #tpu.pipeline_mode<synchronous>, transform_indices = @transform_1, window_bounds = array<i64: 128, 128>}, {pipeline_mode = #tpu.pipeline_mode<synchronous>, transform_indices = @transform_2, window_bounds = array<i64: 1, 128>}, {transform_indices = @transform_3, window_bounds = array<i64: 632, 128>}]} {
    %get3A = arith.constant 0 : index
    %get3A_0 = arith.constant 0 : index
    %get3A_1 = arith.constant 0 : index
    %get3A_2 = vector.load %arg1[%get3A, %get3A_0, %get3A_1] : memref<2x632x128xf32, #tpu.memory_space<vmem>>, vector<1x632x128xf32>
    %get3A_3 = vector.shape_cast %get3A_2 : vector<1x632x128xf32> to vector<632x128xf32>
    %get3A_4 = arith.constant 1 : index
    %get3A_5 = arith.constant 0 : index
    %get3A_6 = arith.constant 0 : index
    %get3A_7 = vector.load %arg1[%get3A_4, %get3A_5, %get3A_6] : memref<2x632x128xf32, #tpu.memory_space<vmem>>, vector<1x632x128xf32>
    %get3A_8 = vector.shape_cast %get3A_7 : vector<1x632x128xf32> to vector<632x128xf32>
    %add3A = arith.addf %get3A_3, %get3A_8 : vector<632x128xf32>
    %get3A_9 = arith.constant 0 : index
    %get3A_10 = arith.constant 0 : index
    %get3A_11 = vector.load %arg2[%get3A_9, %get3A_10] : memref<128x128xf32, #tpu.memory_space<vmem>>, vector<128x128xf32>
    %dot_general3A = arith.constant dense<0.000000e+00> : vector<632x128xf32>
    %dot_general3A_12 = tpu.matmul %add3A, %get3A_11, %dot_general3A {dimension_numbers = #tpu.dot_dimension_numbers<[1], [0], [0], [1], [0, 0, 1, 1], [], []>, transpose_lhs_hint = false} : vector<632x128xf32>, vector<128x128xf32>, vector<632x128xf32> -> vector<632x128xf32>
    %get3A_13 = arith.constant 0 : index
    %get3A_14 = arith.constant 0 : index
    %get3A_15 = vector.load %arg3[%get3A_13, %get3A_14] : memref<1x128xf32, #tpu.memory_space<vmem>>, vector<1x128xf32>
    %add3A_16 = vector.broadcast %get3A_15 : vector<1x128xf32> to vector<632x128xf32>
    %add3A_17 = arith.addf %dot_general3A_12, %add3A_16 : vector<632x128xf32>
    %max3A = arith.constant 0.000000e+00 : f32
    %max3A_18 = vector.broadcast %max3A : f32 to vector<632x128xf32>
    %max3A_19 = arith.maximumf %add3A_17, %max3A_18 : vector<632x128xf32>
    %swap3A = arith.constant 0 : index
    %swap3A_20 = arith.constant 0 : index
    %swap3A_21 = vector.load %arg4[%swap3A, %swap3A_20] : memref<632x128xf32, #tpu.memory_space<vmem>>, vector<632x128xf32>
    tpu.vector_store %arg4[%swap3A, %swap3A_20], %max3A_19 {strides = array<i32>} : memref<632x128xf32, #tpu.memory_space<vmem>>, vector<632x128xf32>,
    return
  }
  func.func @transform_0(%arg0: i32) -> (i32, i32, i32) {
    %c0_i32 = arith.constant 0 : i32
    %c0_i32_0 = arith.constant 0 : i32
    %c0_i32_1 = arith.constant 0 : i32
    return %c0_i32, %arg0, %c0_i32_0 : i32, i32, i32
  }
  func.func @transform_1(%arg0: i32) -> (i32, i32) {
    %c0_i32 = arith.constant 0 : i32
    %c0_i32_0 = arith.constant 0 : i32
    %c0_i32_1 = arith.constant 0 : i32
    return %c0_i32, %c0_i32_0 : i32, i32
  }
  func.func @transform_2(%arg0: i32) -> (i32, i32) {
    %c0_i32 = arith.constant 0 : i32
    %c0_i32_0 = arith.constant 0 : i32
    %c0_i32_1 = arith.constant 0 : i32
    return %c0_i32, %c0_i32_0 : i32, i32
  }
  func.func @transform_3(%arg0: i32) -> (i32, i32) {
    %c0_i32 = arith.constant 0 : i32
    %c0_i32_0 = arith.constant 0 : i32
    return %arg0, %c0_i32 : i32, i32
  }
}

module attributes {stable_mosaic.version = 14 : i64} {
  func.func @body(%arg0: i32, %arg1: memref<2x632x128xf32, #tpu.memory_space<vmem>>, %arg2: memref<128x128xf32, #tpu.memory_space<vmem>>, %arg3: memref<1x128xf32, #tpu.memory_space<vmem>>, %arg4: memref<128x64xf32, #tpu.memory_space<vmem>>, %arg5: memref<632x128xf32, #tpu.memory_space<vmem>>, %arg6: memref<632x64xf32, #tpu.memory_space<vmem>>) attributes {dimension_semantics = [#tpu.dimension_semantics<arbitrary>], iteration_bounds = array<i64: 16>, scalar_prefetch = 0 : i64, scratch_operands = 0 : i64, tpu.core_type = #tpu.core_type<tc>, window_params = [{transform_indices = @transform_0, window_bounds = array<i64: 2, 632, 128>}, {pipeline_mode = #tpu.pipeline_mode<synchronous>, transform_indices = @transform_1, window_bounds = array<i64: 128, 128>}, {pipeline_mode = #tpu.pipeline_mode<synchronous>, transform_indices = @transform_2, window_bounds = array<i64: 1, 128>}, {pipeline_mode = #tpu.pipeline_mode<synchronous>, transform_indices = @transform_3, window_bounds = array<i64: 128, 64>}, {transform_indices = @transform_4, window_bounds = array<i64: 632, 128>}, {transform_indices = @transform_5, window_bounds = array<i64: 632, 64>}]} {
    %get3A = arith.constant 0 : index
    %get3A_0 = arith.constant 0 : index
    %get3A_1 = arith.constant 0 : index
    %get3A_2 = vector.load %arg1[%get3A, %get3A_0, %get3A_1] : memref<2x632x128xf32, #tpu.memory_space<vmem>>, vector<1x632x128xf32>
    %get3A_3 = vector.shape_cast %get3A_2 : vector<1x632x128xf32> to vector<632x128xf32>
    %get3A_4 = arith.constant 1 : index
    %get3A_5 = arith.constant 0 : index
    %get3A_6 = arith.constant 0 : index
    %get3A_7 = vector.load %arg1[%get3A_4, %get3A_5, %get3A_6] : memref<2x632x128xf32, #tpu.memory_space<vmem>>, vector<1x632x128xf32>
    %get3A_8 = vector.shape_cast %get3A_7 : vector<1x632x128xf32> to vector<632x128xf32>
    %add3A = arith.addf %get3A_3, %get3A_8 : vector<632x128xf32>
    %get3A_9 = arith.constant 0 : index
    %get3A_10 = arith.constant 0 : index
    %get3A_11 = vector.load %arg2[%get3A_9, %get3A_10] : memref<128x128xf32, #tpu.memory_space<vmem>>, vector<128x128xf32>
    %dot_general3A = arith.constant dense<0.000000e+00> : vector<632x128xf32>
    %dot_general3A_12 = tpu.matmul %add3A, %get3A_11, %dot_general3A {dimension_numbers = #tpu.dot_dimension_numbers<[1], [0], [0], [1], [0, 0, 1, 1], [], []>, transpose_lhs_hint = false} : vector<632x128xf32>, vector<128x128xf32>, vector<632x128xf32> -> vector<632x128xf32>
    %get3A_13 = arith.constant 0 : index
    %get3A_14 = arith.constant 0 : index
    %get3A_15 = vector.load %arg3[%get3A_13, %get3A_14] : memref<1x128xf32, #tpu.memory_space<vmem>>, vector<1x128xf32>
    %add3A_16 = vector.broadcast %get3A_15 : vector<1x128xf32> to vector<632x128xf32>
    %add3A_17 = arith.addf %dot_general3A_12, %add3A_16 : vector<632x128xf32>
    %max3A = arith.constant 0.000000e+00 : f32
    %max3A_18 = vector.broadcast %max3A : f32 to vector<632x128xf32>
    %max3A_19 = arith.maximumf %add3A_17, %max3A_18 : vector<632x128xf32>
    %swap3A = arith.constant 0 : index
    %swap3A_20 = arith.constant 0 : index
    %swap3A_21 = vector.load %arg5[%swap3A, %swap3A_20] : memref<632x128xf32, #tpu.memory_space<vmem>>, vector<632x128xf32>
    tpu.vector_store %arg5[%swap3A, %swap3A_20], %max3A_19 {strides = array<i32>} : memref<632x128xf32, #tpu.memory_space<vmem>>, vector<632x128xf32>,
    %get3A_22 = arith.constant 0 : index
    %get3A_23 = arith.constant 0 : index
    %get3A_24 = vector.load %arg4[%get3A_22, %get3A_23] : memref<128x64xf32, #tpu.memory_space<vmem>>, vector<128x64xf32>
    %dot_general3A_25 = arith.constant dense<0.000000e+00> : vector<632x64xf32>
    %dot_general3A_26 = tpu.matmul %max3A_19, %get3A_24, %dot_general3A_25 {dimension_numbers = #tpu.dot_dimension_numbers<[1], [0], [0], [1], [0, 0, 1, 1], [], []>, transpose_lhs_hint = false} : vector<632x128xf32>, vector<128x64xf32>, vector<632x64xf32> -> vector<632x64xf32>
    %swap3A_27 = arith.constant 0 : index
    %swap3A_28 = arith.constant 0 : index
    %swap3A_29 = vector.load %arg6[%swap3A_27, %swap3A_28] : memref<632x64xf32, #tpu.memory_space<vmem>>, vector<632x64xf32>
    tpu.vector_store %arg6[%swap3A_27, %swap3A_28], %dot_general3A_26 {strides = array<i32>} : memref<632x64xf32, #tpu.memory_space<vmem>>, vector<632x64xf32>,
    return
  }
  func.func @transform_0(%arg0: i32) -> (i32, i32, i32) {
    %c0_i32 = arith.constant 0 : i32
    %c0_i32_0 = arith.constant 0 : i32
    %c0_i32_1 = arith.constant 0 : i32
    return %c0_i32, %arg0, %c0_i32_0 : i32, i32, i32
  }
  func.func @transform_1(%arg0: i32) -> (i32, i32) {
    %c0_i32 = arith.constant 0 : i32
    %c0_i32_0 = arith.constant 0 : i32
    %c0_i32_1 = arith.constant 0 : i32
    return %c0_i32, %c0_i32_0 : i32, i32
  }
  func.func @transform_2(%arg0: i32) -> (i32, i32) {
    %c0_i32 = arith.constant 0 : i32
    %c0_i32_0 = arith.constant 0 : i32
    %c0_i32_1 = arith.constant 0 : i32
    return %c0_i32, %c0_i32_0 : i32, i32
  }
  func.func @transform_3(%arg0: i32) -> (i32, i32) {
    %c0_i32 = arith.constant 0 : i32
    %c0_i32_0 = arith.constant 0 : i32
    %c0_i32_1 = arith.constant 0 : i32
    return %c0_i32, %c0_i32_0 : i32, i32
  }
  func.func @transform_4(%arg0: i32) -> (i32, i32) {
    %c0_i32 = arith.constant 0 : i32
    %c0_i32_0 = arith.constant 0 : i32
    return %arg0, %c0_i32 : i32, i32
  }
  func.func @transform_5(%arg0: i32) -> (i32, i32) {
    %c0_i32 = arith.constant 0 : i32
    %c0_i32_0 = arith.constant 0 : i32
    return %arg0, %c0_i32 : i32, i32
  }
}

module attributes {stable_mosaic.version = 14 : i64} {
  func.func @body(%arg0: i32, %arg1: memref<2x400x64xf32, #tpu.memory_space<vmem>>, %arg2: memref<1x64xf32, #tpu.memory_space<vmem>>, %arg3: memref<400x64xf32, #tpu.memory_space<vmem>>) attributes {dimension_semantics = [#tpu.dimension_semantics<arbitrary>], iteration_bounds = array<i64: 25>, scalar_prefetch = 0 : i64, scratch_operands = 0 : i64, tpu.core_type = #tpu.core_type<tc>, window_params = [{transform_indices = @transform_0, window_bounds = array<i64: 2, 400, 64>}, {pipeline_mode = #tpu.pipeline_mode<synchronous>, transform_indices = @transform_1, window_bounds = array<i64: 1, 64>}, {transform_indices = @transform_2, window_bounds = array<i64: 400, 64>}]} {
    %get3A = arith.constant 0 : index
    %get3A_0 = arith.constant 0 : index
    %get3A_1 = arith.constant 0 : index
    %get3A_2 = vector.load %arg1[%get3A, %get3A_0, %get3A_1] : memref<2x400x64xf32, #tpu.memory_space<vmem>>, vector<1x400x64xf32>
    %get3A_3 = vector.shape_cast %get3A_2 : vector<1x400x64xf32> to vector<400x64xf32>
    %get3A_4 = arith.constant 1 : index
    %get3A_5 = arith.constant 0 : index
    %get3A_6 = arith.constant 0 : index
    %get3A_7 = vector.load %arg1[%get3A_4, %get3A_5, %get3A_6] : memref<2x400x64xf32, #tpu.memory_space<vmem>>, vector<1x400x64xf32>
    %get3A_8 = vector.shape_cast %get3A_7 : vector<1x400x64xf32> to vector<400x64xf32>
    %add3A = arith.addf %get3A_3, %get3A_8 : vector<400x64xf32>
    %get3A_9 = arith.constant 0 : index
    %get3A_10 = arith.constant 0 : index
    %get3A_11 = vector.load %arg2[%get3A_9, %get3A_10] : memref<1x64xf32, #tpu.memory_space<vmem>>, vector<1x64xf32>
    %add3A_12 = vector.broadcast %get3A_11 : vector<1x64xf32> to vector<400x64xf32>
    %add3A_13 = arith.addf %add3A, %add3A_12 : vector<400x64xf32>
    %reduce_max3A = arith.constant dense<0xFF800000> : vector<400xf32>
    %reduce_max3A_14 = vector.multi_reduction <maximumf>, %add3A_13, %reduce_max3A [1] : vector<400x64xf32> to vector<400xf32>
    %broadcast_in_dim3A = vector.shape_cast %reduce_max3A_14 : vector<400xf32> to vector<400x1xf32>
    %sub3A = vector.broadcast %broadcast_in_dim3A : vector<400x1xf32> to vector<400x64xf32>
    %sub3A_15 = arith.subf %add3A_13, %sub3A : vector<400x64xf32>
    %exp3A = math.exp %sub3A_15 : vector<400x64xf32>
    %reduce_sum3A = arith.constant dense<0.000000e+00> : vector<400xf32>
    %reduce_sum3A_16 = vector.multi_reduction <add>, %exp3A, %reduce_sum3A [1] : vector<400x64xf32> to vector<400xf32>
    %broadcast_in_dim3A_17 = vector.shape_cast %reduce_sum3A_16 : vector<400xf32> to vector<400x1xf32>
    %log3A = math.log %broadcast_in_dim3A_17 : vector<400x1xf32>
    %sub3A_18 = vector.broadcast %log3A : vector<400x1xf32> to vector<400x64xf32>
    %sub3A_19 = arith.subf %sub3A_15, %sub3A_18 : vector<400x64xf32>
    %swap3A = arith.constant 0 : index
    %swap3A_20 = arith.constant 0 : index
    %swap3A_21 = vector.load %arg3[%swap3A, %swap3A_20] : memref<400x64xf32, #tpu.memory_space<vmem>>, vector<400x64xf32>
    tpu.vector_store %arg3[%swap3A, %swap3A_20], %sub3A_19 {strides = array<i32>} : memref<400x64xf32, #tpu.memory_space<vmem>>, vector<400x64xf32>,
    return
  }
  func.func @transform_0(%arg0: i32) -> (i32, i32, i32) {
    %c0_i32 = arith.constant 0 : i32
    %c0_i32_0 = arith.constant 0 : i32
    %c0_i32_1 = arith.constant 0 : i32
    return %c0_i32, %arg0, %c0_i32_0 : i32, i32, i32
  }
  func.func @transform_1(%arg0: i32) -> (i32, i32) {
    %c0_i32 = arith.constant 0 : i32
    %c0_i32_0 = arith.constant 0 : i32
    %c0_i32_1 = arith.constant 0 : i32
    return %c0_i32, %c0_i32_0 : i32, i32
  }
  func.func @transform_2(%arg0: i32) -> (i32, i32) {
    %c0_i32 = arith.constant 0 : i32
    %c0_i32_0 = arith.constant 0 : i32
    return %arg0, %c0_i32 : i32, i32
  }
}

</mosaic_0001>

<sc_bundles>
// kernel: kernel.11.cloned.1.call-start
scs
__scs_entry_jumppad:
0x0: {  	(pc) =	sbr.rel $0x88, $3  }
0x1: {  	(tag) =	ssettag $0x0;
	lr =	simm.s32 $0x1  }
0x2: {  	[smem:$0x3F99] =	sst lr;
	_ =	strace $0xD0000000  }
0x3: {  	_ = 	snop  }
0x4: {  	_ = 	snop  }
0x5: {  	_ = 	snop  }
0x6: {  	_ = 	snop  }
0x7: {  	_ = 	snop  }
__scs_overlays_trampoline_lowered:
0x8: {  	[smem:$0x3FA8] =	sst s0  }
0x9: {  	[smem:$0x3FA9] =	sst s1  }
0xa: {  	[smem:$0x3FAA] =	sst s2  }
0xb: {  	[smem:$0x3FAB] =	sst s3  }
0xc: {  	[smem:$0x3FAC] =	sst s4  }
0xd: {  	[smem:$0x3FAD] =	sst s5  }
0xe: {  	[smem:$0x3FAE] =	sst s6  }
0xf: {  	[smem:$0x3FAF] =	sst s7  }
0x10: {  	[smem:$0x3FB0] =	sst s8  }
0x11: {  	[smem:$0x3FB1] =	sst s9;
	s0 =	simm.s32 @!p0 $0x0  }
0x12: {  	s1 =	sld [smem:$0x3F97];
	s0 =	simm.s32 @p0 $0x1  }
0x13: {  	[smem:$0x3FB2] =	sst s0;
	s0 =	simm.s32 @!p1 $0x0  }
0x14: {  	s2 =	sld [smem:$0x3F96];
	s0 =	simm.s32 @p1 $0x1  }
0x15: {  	[smem:$0x3FB3] =	sst s0;
	s0 =	simm.s32 @!p2 $0x0  }
0x16: {  	s3 =	sld [smem:$0x3FDB];
	s0 =	simm.s32 @p2 $0x1  }
0x17: {  	s4 =	simm.s32 $0x1BF5;
	[smem:$0x3FB5] =	sst s0  }
0x18: {  	s0 =	sld [smem:$0x3F98];
	_ =	swait.ge [sflag:s4], $0x0  }
0x19: {  	s7 =	sld [smem:$0x3F99]  }
0x1a: {  	s8 =	sadd.s32 $0xFFFFE003, lr  }
0x1b: {  	s9 =	sadd.s32 $0xFFFFFEF7, lr;
	s5 =	simm.s32 $0xFFFFFFFF;
	p2 =	slt.u32 s8, $0xFFFFF086  }
0x1c: {  	p1 =	slt.u32 s9, $0xF7A;
	s5 =	simm.s32 @!p2 $0x0  }
0x1d: {  	s5 =	simm.s32 @p1 $0x1;
	p0 =	seq.s32 s7, s2  }
0x1e: {  	s7 =	smul.u32 @!p0 $0xF7A, s2;
	p2 =	seq.s32 @!p0 s5, $0x0  }
0x1f: {  	s9 =	smul.u32 $0xF7A, s1;
	s8 =	simm.s32 @!p0 $0x1BF5;
	p2 =	por !p2, p0  }
0x20: {  	[sflag:s8] =	ssyncset.s32 @!p0 $0xFFFFF086;
	s6 =	sadd.s32 @!p0 s3, s7;
	s7 =	simm.s32 @!p0 $0x108  }
0x21: {  	s3 =	sadd.s32 s3, s9;
	s6 =	sadd.s32 @!p0 $0x88, s6;
	s7 =	simm.s32 @p2 $0x1082  }
0x22: {  	[simem:s7], [sflag:s8] =	dma.local @!p0 [hbm:s6], $0xF7A  }
0x23: {  	s9 =	sor.u32 $0xD0000000, s2;
	s6 =	simm.s32 $0x108;
	_ =	swait.ge @!p0 [sflag:s8], $0x0  }
0x24: {  	s3 =	sadd.s32 $0x88, s3;
	s6 =	simm.s32 @!p1 $0x1082;
	[sflag:s4] =	ssyncset.s32 $0xFFFFF086  }
0x25: {  	[simem:s6], [sflag:s4] =	dma.local [hbm:s3], $0xF7A  }
0x26: {  	[smem:$0x3F99] =	sst s1;
	(tag) =	ssettag s2;
	_ =	strace s9  }
0x27: {  	s1 =	sld [smem:$0x3FA9]  }
0x28: {  	s2 =	sld [smem:$0x3FAA]  }
0x29: {  	s4 =	sld [smem:$0x3FAC]  }
0x2a: {  	p0 =	seq.s32 s5, $0x0;
	s5 =	sld [smem:$0x3FAD]  }
0x2b: {  	s6 =	sld [smem:$0x3FAE]  }
0x2c: {  	s7 =	sld [smem:$0x3FAF]  }
0x2d: {  	s3 =	simm.s32 $0x108;
	s8 =	sld [smem:$0x3FB0]  }
0x2e: {  	s3 =	simm.s32 @!p0 $0x1082;
	s9 =	sld [smem:$0x3FB1]  }
0x2f: {  	lr =	sadd.s32 s0, s3;
	s0 =	sld [smem:$0x3FA8]  }
0x30: {  	s3 =	sld [smem:$0x3FAB]  }
0x31: {  	[smem:$0x3FB4] =	sst s10  }
0x32: {  	s10 =	sld [smem:$0x3FB2];
	_ =	sdelay $0x3  }
0x33: {  	p0 =	seq.s32 s10, $0x1;
	s10 =	sld [smem:$0x3FB4];
	_ =	sdelay $0x3  }
0x34: {  	[smem:$0x3FB4] =	sst s10  }
0x35: {  	s10 =	sld [smem:$0x3FB3];
	_ =	sdelay $0x3  }
0x36: {  	p1 =	seq.s32 s10, $0x1;
	s10 =	sld [smem:$0x3FB4];
	_ =	sdelay $0x3  }
0x37: {  	[smem:$0x3FB4] =	sst s10  }
0x38: {  	s10 =	sld [smem:$0x3FB5]  }
0x39: {  	_ = 	snop;
	(pc) =	sbr.ind lr, $3  }
0x3a: {  	_ = 	snop  }
0x3b: {  	_ = 	snop  }
0x3c: {  	p2 =	seq.s32 s10, $0x1;
	s10 =	sld [smem:$0x3FB4]  }
0x3d: {  	_ =	shalt  }
0x3e: {  	_ =	shalt  }
0x3f: {  	_ =	shalt  }
0x40: {  	_ =	shalt  }
0x41: {  	_ =	shalt  }
0x42: {  	_ =	shalt  }
0x43: {  	_ =	shalt  }
0x44: {  	_ =	shalt  }
0x45: {  	_ =	shalt  }
0x46: {  	_ =	shalt  }
0x47: {  	_ =	shalt  }
0x48: {  	_ =	shalt  }
0x49: {  	_ =	shalt  }
0x4a: {  	_ =	shalt  }
0x4b: {  	_ =	shalt  }
0x4c: {  	_ =	shalt  }
0x4d: {  	_ =	shalt  }
0x4e: {  	_ =	shalt  }
0x4f: {  	_ =	shalt  }
0x50: {  	_ =	shalt  }
0x51: {  	_ =	shalt  }
0x52: {  	_ =	shalt  }
0x53: {  	_ =	shalt  }
0x54: {  	_ =	shalt  }
0x55: {  	_ =	shalt  }
0x56: {  	_ =	shalt  }
0x57: {  	_ =	shalt  }
0x58: {  	_ =	shalt  }
0x59: {  	_ =	shalt  }
0x5a: {  	_ =	shalt  }
0x5b: {  	_ =	shalt  }
0x5c: {  	_ =	shalt  }
0x5d: {  	_ =	shalt  }
0x5e: {  	_ =	shalt  }
0x5f: {  	_ =	shalt  }
0x60: {  	_ =	shalt  }
0x61: {  	_ =	shalt  }
0x62: {  	_ =	shalt  }
0x63: {  	_ =	shalt  }
0x64: {  	_ =	shalt  }
0x65: {  	_ =	shalt  }
0x66: {  	_ =	shalt  }
0x67: {  	_ =	shalt  }
0x68: {  	_ =	shalt  }
0x69: {  	_ =	shalt  }
0x6a: {  	_ =	shalt  }
0x6b: {  	_ =	shalt  }
0x6c: {  	_ =	shalt  }
0x6d: {  	_ =	shalt  }
0x6e: {  	_ =	shalt  }
0x6f: {  	_ =	shalt  }
0x70: {  	_ =	shalt  }
0x71: {  	_ =	shalt  }
0x72: {  	_ =	shalt  }
0x73: {  	_ =	shalt  }
0x74: {  	_ =	shalt  }
0x75: {  	_ =	shalt  }
0x76: {  	_ =	shalt  }
0x77: {  	_ =	shalt  }
0x78: {  	_ =	shalt  }
0x79: {  	_ =	shalt  }
0x7a: {  	_ =	shalt  }
0x7b: {  	_ =	shalt  }
0x7c: {  	_ =	shalt  }
0x7d: {  	_ =	shalt  }
0x7e: {  	_ =	shalt  }
0x7f: {  	_ =	shalt  }
0x80: {  	_ =	shalt  }
0x81: {  	_ =	shalt  }
0x82: {  	_ =	shalt  }
0x83: {  	_ =	shalt  }
0x84: {  	_ =	shalt  }
0x85: {  	_ =	shalt  }
0x86: {  	_ =	shalt  }
0x87: {  	_ =	shalt  }
.Lfunc_end0:
.L_simem_size_0:
called_computation.1_lowered:
.L_overlay_start_0:
0x88: {  	s2 =	sld [smem:$0x3FD9]  }
0x89: {  	s3 =	sld [smem:$0x3FFE];
	_ =	sdelay $0x1  }
0x8a: {  	s1 =	srdreg.scid  }
0x8b: {  	s0 =	sand.u32 $0x1, s1  }
0x8c: {  	s16 =	sshll.u32 s0, $0xA;
	s2 =	sadd.s32 s3, s2  }
0x8d: {  	s2 =	sadd.s32 s2, s16  }
0x8e: {  	[smem:$0x3FC0] =	sst s2  }
0x8f: {  	_ = 	snop  }
0x90: {  	(tm) =	ssettm $0x1  }
0x91: {  	s17 =	sld [smem:$0x3FFB];
	_ =	sdelay $0x3  }
0x92: {  	_ =	strace s17  }
0x93: {  	s2 =	sld [smem:$0x3FFC];
	_ =	sdelay $0x3  }
0x94: {  	_ =	strace s2  }
0x95: {  	s2 =	sld [smem:$0x3FFD];
	_ =	sdelay $0x3  }
0x96: {  	_ =	strace s2  }
0x97: {  	_ =	strace $0x8FFFFFFF  }
0x98: {  	s18 =	sld [smem:$0x3FDB];
	_ =	sdelay $0x1  }
0x99: {  	s19 =	simm.s32 $_scs_section_size  }
0x9a: {  	s4 =	simm.s32 $_size__tile_overlayer_lowered;
	s5 =	simm.s32 $_tile_overlayer_lowered  }
0x9b: {  	s22 =	simm.s32 $0x1BFF;
	s21 =	sshll.u32 s5, $0x1;
	s2 =	sadd.s32 s19, s18  }
0x9c: {  	s6 =	simm.s32 $0x0;
	s20 =	sshll.u32 s4, $0x1;
	s4 =	sadd.s32 s21, s2  }
0x9d: {  	[timem:s6], [sflag:s22] =	dma.local [hbm:s4], s20  }
0x9e: {  	_ =	swait.ge [sflag:s22], s20  }
0x9f: {  	s3 =	ssub.s32 $0x0, s20;
	[sflag:s22] =	ssyncset.done $0x0  }
0xa0: {  	[sflag:s22] =	ssyncadd.s32 s3;
	_ =	sdelay $0x1  }
0xa1: {  	s23 =	simm.s32 $0x1B8B  }
0xa2: {  	_ =	swait.ge [sflag:s23], $0x1  }
0xa3: {  	[sflag:s23] =	ssyncset.done $0x0  }
0xa4: {  	s25 =	simm.s32 $0x1B8E;
	s24 =	sld [smem:$0x3FFE];
	[sflag:s23] =	ssyncadd.s32 $0xFFFFFFFF  }
0xa5: {  	s26 =	simm.s32 $execute0_lowered;
	[smem:$0x3FD2] =	sst s25  }
0xa6: {  	s4 =	sshll.u32 s26, $0x1;
	_ =	strace $0x80000049;
	[dreg:$0x1] =	wrdreg $0xFFFFFFFF  }
0xa7: {  	s28 =	simm.s32 $_size_execute0_lowered;
	s2 =	sadd.s32 s2, s4;
	[dreg:$0x0] =	wrdreg $0x0  }
0xa8: {  	s4 =	sshll.u32 s28, $0x1;
	[dreg:$0x2] =	wrdreg s2  }
0xa9: {  	[dreg:$0x3] =	wrdreg s4  }
0xaa: {  	[dreg:$0x4] =	wrdreg $0xC0  }
0xab: {  	_ =	task [dreg:s6], $0x5FFFF  }
0xac: {  	[dreg:$0x1] =	wrdreg $0xFFFFFFFF  }
0xad: {  	[dreg:$0x0] =	wrdreg $0x60  }
0xae: {  	[dreg:$0x2] =	wrdreg s24  }
0xaf: {  	[dreg:$0x3] =	wrdreg $0xA2800  }
0xb0: {  	[dreg:$0x4] =	wrdreg $0x9  }
0xb1: {  	_ =	task.clear_ibuf [dreg:s6], $0x5FFFF;
	_ =	strace $0x90000049  }
0xb2: {  	s29 =	simm.s32 $0x9;
	_ =	strace $0x8000004B  }
0xb3: {  	_ =	swait.ge [sflag:s29], $0x1  }
0xb4: {  	[sflag:s29] =	ssyncadd.s32 $0xFFFFFFFF  }
0xb5: {  	_ =	strace $0x9000004B  }
0xb6: {  	_ =	sfence  }
0xb7: {  	s30 =	sld [smem:$0x0];
	_ =	sdelay $0x2  }
0xb8: {  	s31 =	sshll.u32 s1, $0xD;
	s1 =	sshrl.u32 s1, $0x2  }
0xb9: {  	s3 =	sand.u32 $0x4000, s31;
	s1 =	sadd.s32 s1, s30  }
0xba: {  	s0 =	sor.u32 s3, s0;
	s1 =	sshll.u32 s1, $0x11  }
0xbb: {  	s0 =	sor.u32 s1, s0  }
0xbc: {  	s0 =	sadd.s32 $0x8F2B, s0  }
0xbd: {  	[sflag:s0] =	ssyncadd.remote.s32 $0x1  }
0xbe: {  	_ =	sfence.sel $0xFFFF  }
0xbf: {  	[dreg:$0x0] =	wrdreg $0xFFFFFFFF;
	(pc) =	sbr.abs _section_cstart, $3  }
0xc0: {  	[dreg:$0x1] =	wrdreg $0xFFFFFFFF  }
0xc1: {  	_ =	task.clear_ibuf [dreg:s6], $0x2FFFF;
	_ =	strace $0x9FFFFFFF  }
0xc2: {  	(tm) =	ssettm $0x7FFFFFFF  }
0xc3: {  	_ =	shalt  }
tec
execute0_lowered:
.L_overlay_start_1:
0x0: {  	(tag) =	ssettag $0x1  }
0x1: {  	s0 =	rddreg [dreg:$0x0]  }
0x2: {  	s2 =	rddreg [dreg:$0x1];
	s3 =	simm.s32 $0x0  }
0x3: {  	s12 =	stileid.u32;
	s1 =	srdreg.scid;
	s28 =	simm.s32 $0x50  }
0x4: {  	s29 =	simm.s32 $0x280;
	s31 =	simm.s32 $0x5280;
	[smem:$0x7FF] =	sst s3  }
0x5: {  	s6 =	smul.u32 $0x13C00, s12;
	s1 =	sand.u32 $0x1, s1;
	s4 =	sadd.s32 $0x3D200, s0  }
0x6: {  	s5 =	sadd.s32 $0x2000, s0;
	s25 =	sshll.u32 s12, $0x6;
	s30 =	smul.u32 $0x2710, s12  }
0x7: {  	_ =	strace $0x8000004A;
	s7 =	smul.u32 $0x13C000, s1;
	s9 =	sshll.u32 s1, $0x4  }
0x8: {  	s10 =	ssub.s32 $0x2, s1;
	s1 =	smul.u32 $0x27100, s1;
	s8 =	sshrl.u32 s6, $0x3  }
0x9: {  	s9 =	sor.u32 s12, s9;
	s11 =	sshrl.u32 s10, $0x1;
	s7 =	sadd.s32 s6, s7  }
0xa: {  	s9 =	smul.u32 $0x2710, s9;
	s8 =	sadd.s32 s8, s0;
	s24 =	ssub.s32 s10, s11  }
0xb: {  	s6 =	sadd.s32 s6, s2;
	s1 =	sadd.s32 s30, s1;
	s10 =	simm.s32 $0x0  }
0xc: {  	s7 =	sshrl.u32 s7, $0x3;
	s8 =	sadd.s32 $0x15A00, s8;
	s17 =	sadd.s32 $0x1E0, s1  }
0xd: {  	s18 =	smax.u32 s24, $0x1;
	s20 =	sadd.s32 $0x4E3E0, s1;
	s21 =	sadd.s32 $0x190, s1  }
0xe: {  	s22 =	sadd.s32 $0x4E390, s1;
	s24 =	sadd.s32 $0x140, s1;
	[dreg:$0x4] =	wrdreg s8  }
0xf: {  	s6 =	sshrl.u32 s6, $0x3;
	s0 =	sadd.s32 s7, s0;
	[dreg:$0xc] =	wrdreg s18  }
0x10: {  	s9 =	sshrl.u32 s9, $0x3;
	s8 =	sor.u32 $0x1C09, s25;
	[dreg:$0xd] =	wrdreg s24  }
0x11: {  	s19 =	sshrl.u32 s17, $0x3;
	s7 =	sshrl.u32 s21, $0x3;
	[dreg:$0xe] =	wrdreg s6  }
0x12: {  	s23 =	sshrl.u32 s22, $0x3;
	s26 =	sadd.s32 s5, s9;
	[dreg:$0x5] =	wrdreg s8  }
0x13: {  	s25 =	sadd.s32 $0x4E340, s1;
	s0 =	sadd.s32 $0x64A00, s0;
	[dreg:$0x3] =	wrdreg s26  }
0x14: {  	s18 =	sadd.s32 s7, s5;
	s12 =	sadd.s32 $0x9C40, s26;
	[dreg:$0xb] =	wrdreg s0  }
0x15: {  	s7 =	simm.s32 $0x5;
	s13 =	sadd.s32 $0xA, s26;
	[dreg:$0x6] =	wrdreg s12  }
0x16: {  	s9 =	simm.s32 $0x3;
	s14 =	sadd.s32 $0x9C4A, s26;
	[dreg:$0x7] =	wrdreg s13  }
0x17: {  	s15 =	sadd.s32 $0x14, s26;
	s16 =	sadd.s32 $0x9C54, s26;
	[dreg:$0x8] =	wrdreg s14  }
0x18: {  	s0 =	sshrl.u32 s20, $0x3;
	s26 =	sadd.s32 $0xF0, s1;
	[dreg:$0x9] =	wrdreg s15  }
.Ltmp0:
0x19: {  	s1 =	sadd.s32 $0x4E2F0, s1;
	[dreg:$0xa] =	wrdreg s16;
	(pc) =	sbr.rel .LBB2_1-.Ltmp0, $4  }
0x1a: {  	s16 =	sadd.s32 s19, s5;
	s17 =	sadd.s32 s0, s5;
	s19 =	sadd.s32 s23, s5  }
0x1b: {  	s0 =	sshrl.u32 s25, $0x3;
	s30 =	sshrl.u32 s26, $0x3;
	s1 =	sshrl.u32 s1, $0x3  }
0x1c: {  	s25 =	simm.s32 $0x9;
	s26 =	simm.s32 $0x140;
	s21 =	sadd.s32 s0, s5  }
0x1d: {  	s22 =	sadd.s32 s30, s5;
	s23 =	sadd.s32 s1, s5;
	s1 =	simm.s32 $0x1E0  }
.LBB2_8:
0x1e: {  	[bflag:$0x0] =	sbarrier.arrive $0xFFFF  }
0x1f: {  	s8 =	rddreg [dreg:$0x5]  }
0x20: {  	s0 =	rddreg [dreg:$0xb]  }
0x21: {  	s6 =	rddreg [dreg:$0xe]  }
0x22: {  	[hbm:s0], [sflag:s8] =	dma.local [spmem:s6], $0x2780  }
0x23: {  	_ =	swait.ge [sflag:s25], $0x2780  }
0x24: {  	s10 =	sadd.s32 $0x1, s10;
	s30 =	rddreg [dreg:$0xc]  }
0x25: {  	p0 =	sne.s32 s10, s30  }
.Ltmp1:
0x26: {  	_ = 	snop;
	(pc) =	sbr.rel @!p0 .LBB2_9-.Ltmp1, $3  }
0x27: {  	_ =	sdelay $0x1  }
0x28: {  	[sflag:s25] =	ssyncset.done $0x0  }
0x29: {  	[sflag:s25] =	ssyncadd.s32 $0xFFFFD880  }
.LBB2_1:
0x2a: {  	s0 =	rddreg [dreg:$0x4]  }
0x2b: {  	[spmem:s6], [sflag:s8] =	dma.local [hbm:s0], $0x2780  }
0x2c: {  	_ =	swait.ge [sflag:s25], $0x2780  }
0x2d: {  	[sflag:s25] =	ssyncset.done $0x0  }
0x2e: {  	[sflag:s25] =	ssyncadd.s32 $0xFFFFD880  }
0x2f: {  	[bflag:$0x0] =	sbarrier.arrive $0xFFFF  }
0x30: {  	s8 =	rddreg [dreg:$0x3]  }
0x31: {  	[tilespmem:s3], [sflag:$0x9] =	stream.linear.gather [hbm4b:s8+s3], $0x50, $0x38;
	[tilespmem:$0x1DE80] =	vst v63  }
0x32: {  	_ =	swait.ge [sflag:s25], $0x50  }
0x33: {  	[sflag:s25] =	ssyncset.done $0x0  }
0x34: {  	s11 =	rddreg [dreg:$0x6];
	[sflag:s25] =	ssyncadd.s32 $0xFFFFFFB0  }
0x35: {  	[tilespmem:s26], [sflag:$0x9] =	stream.linear.gather [hbm4b:s11+s3], $0x50, $0x38;
	[tilespmem:$0x1DE80] =	vst v63  }
0x36: {  	_ =	swait.ge [sflag:s25], $0x50  }
0x37: {  	[sflag:s25] =	ssyncset.done $0x0  }
0x38: {  	[sflag:s25] =	ssyncadd.s32 $0xFFFFFFB0  }
0x39: {  	[tilespmem:s29], [sflag:$0x1] =	stream.indirect.gather [hbm4b:s4+s28], $0x80, s3, s28, $0xb8;
	[tilespmem:$0x1DE80] =	vst v63  }
0x3a: {  	s12 =	rddreg [dreg:$0x7]  }
0x3b: {  	[tilespmem:s28], [sflag:$0x9] =	stream.linear.gather [hbm4b:s12+s3], $0x50, $0x38;
	[tilespmem:$0x1DE80] =	vst v63  }
0x3c: {  	_ =	swait.ge [sflag:s25], $0x50  }
0x3d: {  	[sflag:s25] =	ssyncset.done $0x0  }
0x3e: {  	s14 =	simm.s32 $0x190;
	s13 =	rddreg [dreg:$0x8];
	[sflag:s25] =	ssyncadd.s32 $0xFFFFFFB0  }
0x3f: {  	[tilespmem:s14], [sflag:$0x9] =	stream.linear.gather [hbm4b:s13+s3], $0x50, $0x38;
	[tilespmem:$0x1DE80] =	vst v63  }
0x40: {  	_ =	swait.ge [sflag:s25], $0x50  }
0x41: {  	[sflag:s25] =	ssyncset.done $0x0  }
0x42: {  	s15 =	simm.s32 $0x2A80;
	[sflag:s25] =	ssyncadd.s32 $0xFFFFFFB0  }
0x43: {  	[tilespmem:s15], [sflag:$0x2] =	stream.indirect.gather [hbm4b:s4+s28], $0x80, s28, s28, $0xb8;
	[tilespmem:$0x1DE80] =	vst v63  }
0x44: {  	s24 =	simm.s32 $0xA0;
	s20 =	rddreg [dreg:$0x9]  }
0x45: {  	[tilespmem:s24], [sflag:$0x9] =	stream.linear.gather [hbm4b:s20+s3], $0x50, $0x38;
	[tilespmem:$0x1DE80] =	vst v63  }
0x46: {  	_ =	swait.ge [sflag:s25], $0x50  }
0x47: {  	[sflag:s25] =	ssyncset.done $0x0  }
0x48: {  	s30 =	rddreg [dreg:$0xa];
	[sflag:s25] =	ssyncadd.s32 $0xFFFFFFB0  }
0x49: {  	[tilespmem:s1], [sflag:$0x9] =	stream.linear.gather [hbm4b:s30+s3], $0x50, $0x38;
	[tilespmem:$0x1DE80] =	vst v63  }
.Ltmp2:
0x4a: {  	_ = 	snop;
	(pc) =	sbr.rel .LBB2_2-.Ltmp2, $4  }
0x4b: {  	_ =	swait.ge [sflag:s25], $0x50  }
0x4c: {  	s11 =	simm.s32 $0x3;
	s13 =	simm.s32 $0x0;
	[sflag:s25] =	ssyncset.done $0x0  }
0x4d: {  	s14 =	simm.s32 $0x0;
	s20 =	rddreg [dreg:$0xd];
	[sflag:s25] =	ssyncadd.s32 $0xFFFFFFB0  }
0x4e: {  	[tilespmem:s31], [sflag:$0x3] =	stream.indirect.gather [hbm4b:s4+s28], $0x80, s24, s28, $0xb8;
	[tilespmem:$0x1DE80] =	vst v63  }
.LBB2_4:
0x4f: {  	s8 =	sadd.s32 s13, s18  }
0x50: {  	[tilespmem:s28], [sflag:$0x6] =	stream.linear.gather [hbm4b:s8+s3], $0x50, $0x38;
	[tilespmem:$0x1DE80] =	vst v63  }
0x51: {  	s30 =	sadd.s32 s13, s19;
	s24 =	simm.s32 $0x190  }
0x52: {  	[tilespmem:s24], [sflag:$0x6] =	stream.linear.gather [hbm4b:s30+s3], $0x50, $0x38;
	[tilespmem:$0x1DE80] =	vst v63  }
.LBB2_6:
0x53: {  	_ =	swait.ge [sflag:s9], $0x2800  }
0x54: {  	[sflag:s9] =	ssyncset.done $0x0  }
0x55: {  	[sflag:s9] =	ssyncadd.s32 $0xFFFFD800  }
0x56: {  	[spmem:s2] =	stream.indirect.scatter.add.f32 [tilespmem:s31], [sflag:$0x9], $0x80, s1, s28, $0xb8;
	[tilespmem:$0x1DE80] =	vst v63  }
0x57: {  	_ =	swait.ge [sflag:s25], $0x2800  }
0x58: {  	[sflag:s25] =	ssyncset.done $0x0  }
0x59: {  	s8 =	simm.s32 @!p2 $0x6;
	[sflag:s25] =	ssyncadd.s32 $0xFFFFD800  }
0x5a: {  	_ =	swait.ge @!p2 [sflag:s8], $0x50  }
0x5b: {  	[sflag:s8] =	ssyncset.done @!p2 $0x0  }
0x5c: {  	[sflag:s8] =	ssyncadd.s32 @!p2 $0xFFFFFFB0  }
0x5d: {  	_ =	swait.ge @!p2 [sflag:s8], $0x50  }
0x5e: {  	s24 =	simm.s32 @!p2 $0x2A80;
	s30 =	simm.s32 @!p2 $0xA0;
	[sflag:s8] =	ssyncset.done @!p2 $0x0  }
0x5f: {  	p3 =	por @!p2 $0x1, $0x1;
	[sflag:s8] =	ssyncadd.s32 @!p2 $0xFFFFFFB0;
	s8 =	simm.s32 @!p2 $0x50  }
0x60: {  	[tilespmem:s24], [sflag:$0x2] =	stream.indirect.gather @!p2 [hbm4b:s4+s8], $0x80, s8, s8, $0xb8;
	[tilespmem:$0x1DE80] =	vst v63  }
0x61: {  	p1 =	por $0x0, $0x0;
	s8 =	sadd.s32 @!p2 s13, s16;
	s24 =	simm.s32 @!p2 $0x0  }
0x62: {  	[tilespmem:s30], [sflag:$0x7] =	stream.linear.gather @!p2 [hbm4b:s8+s24], $0x50, $0x38;
	[tilespmem:$0x1DE80] =	vst v63  }
0x63: {  	p1 =	por @!p2 p3, p3;
	s8 =	sadd.s32 @!p2 s13, s17;
	s30 =	simm.s32 @!p2 $0x1E0  }
0x64: {  	[tilespmem:s30], [sflag:$0x7] =	stream.linear.gather @!p2 [hbm4b:s8+s24], $0x50, $0x38;
	[tilespmem:$0x1DE80] =	vst v63  }
.LBB2_7:
0x65: {  	s8 =	simm.s32 @!p0 $0x4  }
0x66: {  	_ =	swait.ge @!p0 [sflag:s8], $0x2800  }
0x67: {  	[sflag:s8] =	ssyncset.done @!p0 $0x0  }
0x68: {  	[sflag:s8] =	ssyncadd.s32 @!p0 $0xFFFFD800  }
0x69: {  	[spmem:s2] =	stream.indirect.scatter.add.f32 @!p0 [tilespmem:s0], [sflag:$0x9], $0x80, s15, s12, $0xb8;
	[tilespmem:$0x1DE80] =	vst v63  }
0x6a: {  	_ =	swait.ge @!p0 [sflag:s6], $0x2800  }
0x6b: {  	[sflag:s6] =	ssyncset.done @!p0 $0x0  }
0x6c: {  	s0 =	simm.s32 @p1 $0x7;
	[sflag:s6] =	ssyncadd.s32 @!p0 $0xFFFFD800  }
0x6d: {  	s13 =	sadd.s32 $0x28, s13;
	_ =	swait.ge @p1 [sflag:s0], $0x50  }
0x6e: {  	p0 =	sne.s32 s13, $0x500;
	[sflag:s0] =	ssyncset.done @p1 $0x0  }
.Ltmp3:
0x6f: {  	[sflag:s0] =	ssyncadd.s32 @p1 $0xFFFFFFB0;
	(pc) =	sbr.rel @!p0 .LBB2_8-.Ltmp3, $4  }
0x70: {  	s14 =	sadd.s32 $0x1, s14;
	s20 =	sadd.s32 $0x140, s20;
	_ =	swait.ge @p1 [sflag:s0], $0x50  }
0x71: {  	s11 =	sadd.s32 $0x4, s11;
	s8 =	simm.s32 @p1 $0x5280;
	[sflag:s0] =	ssyncset.done @p1 $0x0  }
0x72: {  	s6 =	simm.s32 @p1 $0xA0;
	[sflag:s0] =	ssyncadd.s32 @p1 $0xFFFFFFB0;
	s0 =	simm.s32 @p1 $0x50  }
0x73: {  	[tilespmem:s8], [sflag:$0x3] =	stream.indirect.gather @p1 [hbm4b:s4+s0], $0x80, s6, s0, $0xb8;
	[tilespmem:$0x1DE80] =	vst v63  }
.LBB2_2:
0x74: {  	p0 =	sgt.u32 s11, $0x7C  }
0x75: {  	s0 =	simm.s32 @p0 $0x1  }
0x76: {  	_ =	swait.ge @p0 [sflag:s0], $0x2800  }
0x77: {  	s6 =	simm.s32 @p0 $0x140;
	[sflag:s0] =	ssyncset.done @p0 $0x0  }
0x78: {  	s12 =	simm.s32 @p0 $0x280;
	[sflag:s0] =	ssyncadd.s32 @p0 $0xFFFFD800;
	s0 =	simm.s32 @p0 $0x50  }
0x79: {  	[spmem:s2] =	stream.indirect.scatter.add.f32 @p0 [tilespmem:s12], [sflag:$0x9], $0x80, s6, s0, $0xb8;
	[tilespmem:$0x1DE80] =	vst v63  }
0x7a: {  	s0 =	simm.s32 @p0 $0x9  }
0x7b: {  	_ =	swait.ge @p0 [sflag:s0], $0x2800  }
0x7c: {  	s8 =	simm.s32 @!p0 $0xF0;
	[sflag:s0] =	ssyncset.done @p0 $0x0  }
0x7d: {  	s6 =	simm.s32 @!p0 $0x0;
	[sflag:s0] =	ssyncadd.s32 @p0 $0xFFFFD800;
	s0 =	sadd.s32 @!p0 s13, s22  }
0x7e: {  	[tilespmem:s8], [sflag:$0x8] =	stream.linear.gather @!p0 [hbm4b:s0+s6], $0x50, $0x38;
	[tilespmem:$0x1DE80] =	vst v63  }
0x7f: {  	s15 =	simm.s32 @!p0 $0x230;
	s0 =	sadd.s32 @!p0 s13, s23  }
0x80: {  	[tilespmem:s15], [sflag:$0x8] =	stream.linear.gather @!p0 [hbm4b:s0+s6], $0x50, $0x38;
	[tilespmem:$0x1DE80] =	vst v63  }
0x81: {  	s0 =	simm.s32 @!p0 $0x1  }
0x82: {  	_ =	swait.ge @!p0 [sflag:s0], $0x2800  }
0x83: {  	s12 =	simm.s32 @!p0 $0x50;
	[sflag:s0] =	ssyncset.done @!p0 $0x0  }
0x84: {  	s6 =	simm.s32 @!p0 $0x280;
	[sflag:s0] =	ssyncadd.s32 @!p0 $0xFFFFD800;
	s0 =	simm.s32 @!p0 $0x140  }
0x85: {  	[spmem:s2] =	stream.indirect.scatter.add.f32 @!p0 [tilespmem:s6], [sflag:$0x9], $0x80, s0, s12, $0xb8;
	[tilespmem:$0x1DE80] =	vst v63  }
0x86: {  	s6 =	simm.s32 @!p0 $0x9  }
0x87: {  	_ =	swait.ge @!p0 [sflag:s6], $0x2800  }
0x88: {  	[sflag:s6] =	ssyncset.done @!p0 $0x0  }
0x89: {  	s0 =	simm.s32 @!p0 $0x8;
	[sflag:s6] =	ssyncadd.s32 @!p0 $0xFFFFD800  }
0x8a: {  	_ =	swait.ge @!p0 [sflag:s0], $0x50  }
0x8b: {  	p2 =	seq.s32 s13, $0x4D8;
	[sflag:s0] =	ssyncset.done @!p0 $0x0  }
.Ltmp4:
0x8c: {  	[sflag:s0] =	ssyncadd.s32 @!p0 $0xFFFFFFB0;
	(pc) =	sbr.rel @p2 .LBB2_7-.Ltmp4, $4  }
0x8d: {  	_ =	swait.ge @!p0 [sflag:s0], $0x50  }
0x8e: {  	[sflag:s0] =	ssyncset.done @!p0 $0x0  }
0x8f: {  	p1 =	por $0x0, $0x0;
	[sflag:s0] =	ssyncadd.s32 @!p0 $0xFFFFFFB0;
	s0 =	simm.s32 @!p0 $0x7A80  }
0x90: {  	[tilespmem:s0], [sflag:$0x4] =	stream.indirect.gather @!p0 [hbm4b:s4+s12], $0x80, s8, s12, $0xb8;
	[tilespmem:$0x1DE80] =	vst v63  }
0x91: {  	s8 =	sshrl.u32 s20, $0x3  }
0x92: {  	p3 =	sgt.u32 s14, $0x1E;
	s8 =	sadd.s32 s5, s8  }
0x93: {  	[tilespmem:s3], [sflag:$0x5] =	stream.linear.gather [hbm4b:s8+s3], $0x50, $0x38;
	[tilespmem:$0x1DE80] =	vst v63  }
0x94: {  	s30 =	sadd.s32 s13, s21;
	s8 =	simm.s32 @!p3 $0x2  }
0x95: {  	[tilespmem:s26], [sflag:$0x5] =	stream.linear.gather [hbm4b:s30+s3], $0x50, $0x38;
	[tilespmem:$0x1DE80] =	vst v63  }
0x96: {  	_ =	swait.ge @!p3 [sflag:s8], $0x2800  }
0x97: {  	s24 =	simm.s32 @!p3 $0x190;
	[sflag:s8] =	ssyncset.done @!p3 $0x0  }
0x98: {  	s30 =	simm.s32 @!p3 $0x2A80;
	[sflag:s8] =	ssyncadd.s32 @!p3 $0xFFFFD800;
	s8 =	simm.s32 @!p3 $0x50  }
0x99: {  	[spmem:s2] =	stream.indirect.scatter.add.f32 @!p3 [tilespmem:s30], [sflag:$0x9], $0x80, s24, s8, $0xb8;
	[tilespmem:$0x1DE80] =	vst v63  }
0x9a: {  	s8 =	simm.s32 @!p3 $0x9  }
0x9b: {  	_ =	swait.ge @!p3 [sflag:s8], $0x2800  }
0x9c: {  	[sflag:s8] =	ssyncset.done @!p3 $0x0  }
0x9d: {  	[sflag:s8] =	ssyncadd.s32 @!p3 $0xFFFFD800  }
0x9e: {  	_ =	swait.ge [sflag:s7], $0x50  }
0x9f: {  	p2 =	sgt.u32 s14, $0x1D;
	[sflag:s7] =	ssyncset.done $0x0  }
.Ltmp5:
0xa0: {  	[sflag:s7] =	ssyncadd.s32 $0xFFFFFFB0;
	(pc) =	sbr.rel @!p2 .LBB2_4-.Ltmp5, $4  }
0xa1: {  	_ =	swait.ge [sflag:s7], $0x50  }
0xa2: {  	[sflag:s7] =	ssyncset.done $0x0  }
0xa3: {  	[sflag:s7] =	ssyncadd.s32 $0xFFFFFFB0  }
0xa4: {  	[tilespmem:s29], [sflag:$0x1] =	stream.indirect.gather [hbm4b:s4+s28], $0x80, s3, s28, $0xb8;
	[tilespmem:$0x1DE80] =	vst v63  }
.Ltmp6:
0xa5: {  	(pc) =	sbr.rel @p3 .LBB2_7-.Ltmp6, $4  }
.Ltmp7:
0xa6: {  	(pc) =	sbr.rel @!p3 .LBB2_6-.Ltmp7, $4  }
0xa7: {  	_ = 	snop  }
0xa8: {  	_ = 	snop  }
0xa9: {  	_ = 	snop  }
0xaa: {  	_ = 	snop  }
.LBB2_9:
0xab: {  	_ =	sfence.sel $0x180000  }
0xac: {  	[bflag:$0x0] =	sbarrier.arrive $0xFFFF  }
0xad: {  	_ =	strace $0x9000004A  }
0xae: {  	s0 =	stileid.u32;
	[bflag:$0x2] =	sbarrier.arrive $0xFFFF  }
0xaf: {  	p0 =	sne.s32 s0, $0x0;
	s0 =	rddreg [dreg:$0x2]  }
0xb0: {  	s0 =	sadd.s32 @!p0 $0x100000, s0  }
0xb1: {  	[sflag:s0] =	ssyncadd.tile.s32 @!p0 $0x1;
	_ =	shalt  }
.Lfunc_end2:
_tile_overlayer_lowered:
.L_overlay_start_2:
0xb2: {  	(tag) =	ssettag $0x2  }
0xb3: {  	s0 =	rddreg [dreg:$0x0];
	s2 =	stileid.u32  }
0xb4: {  	s1 =	rddreg [dreg:$0x1];
	p0 =	sne.s32 s2, $0x0  }
0xb5: {  	s3 =	rddreg [dreg:$0x2];
	[bflag:$0x3] =	sbarrier.arrive $0xFFFF;
	s2 =	simm.s32 @!p0 $0x1C09  }
0xb6: {  	[timem:s3], [sflag:s2] =	dma.local @!p0 [hbm:s0], s1  }
0xb7: {  	s0 =	simm.s32 @!p0 $0x9  }
0xb8: {  	_ =	swait.ge @!p0 [sflag:s0], s1  }
0xb9: {  	s1 =	ssub.s32 @!p0 $0x0, s1;
	[sflag:s0] =	ssyncset.done @!p0 $0x0  }
0xba: {  	[sflag:s0] =	ssyncadd.s32 @!p0 s1  }
0xbb: {  	[bflag:$0x3] =	sbarrier.arrive $0xFFFF  }
0xbc: {  	_ =	shalt  }

// kernel: kernel.14.cloned.1.call-start
scs
__scs_entry_jumppad:
0x0: {  	(pc) =	sbr.rel $0x88, $3  }
0x1: {  	(tag) =	ssettag $0x0;
	lr =	simm.s32 $0x1  }
0x2: {  	[smem:$0x3F99] =	sst lr;
	_ =	strace $0xD0000000  }
0x3: {  	_ = 	snop  }
0x4: {  	_ = 	snop  }
0x5: {  	_ = 	snop  }
0x6: {  	_ = 	snop  }
0x7: {  	_ = 	snop  }
__scs_overlays_trampoline_lowered:
0x8: {  	[smem:$0x3FA8] =	sst s0  }
0x9: {  	[smem:$0x3FA9] =	sst s1  }
0xa: {  	[smem:$0x3FAA] =	sst s2  }
0xb: {  	[smem:$0x3FAB] =	sst s3  }
0xc: {  	[smem:$0x3FAC] =	sst s4  }
0xd: {  	[smem:$0x3FAD] =	sst s5  }
0xe: {  	[smem:$0x3FAE] =	sst s6  }
0xf: {  	[smem:$0x3FAF] =	sst s7  }
0x10: {  	[smem:$0x3FB0] =	sst s8  }
0x11: {  	[smem:$0x3FB1] =	sst s9;
	s0 =	simm.s32 @!p0 $0x0  }
0x12: {  	s1 =	sld [smem:$0x3F97];
	s0 =	simm.s32 @p0 $0x1  }
0x13: {  	[smem:$0x3FB2] =	sst s0;
	s0 =	simm.s32 @!p1 $0x0  }
0x14: {  	s2 =	sld [smem:$0x3F96];
	s0 =	simm.s32 @p1 $0x1  }
0x15: {  	[smem:$0x3FB3] =	sst s0;
	s0 =	simm.s32 @!p2 $0x0  }
0x16: {  	s3 =	sld [smem:$0x3FDB];
	s0 =	simm.s32 @p2 $0x1  }
0x17: {  	s4 =	simm.s32 $0x1BF5;
	[smem:$0x3FB5] =	sst s0  }
0x18: {  	s0 =	sld [smem:$0x3F98];
	_ =	swait.ge [sflag:s4], $0x0  }
0x19: {  	s7 =	sld [smem:$0x3F99]  }
0x1a: {  	s8 =	sadd.s32 $0xFFFFE003, lr  }
0x1b: {  	s9 =	sadd.s32 $0xFFFFFEF7, lr;
	s5 =	simm.s32 $0xFFFFFFFF;
	p2 =	slt.u32 s8, $0xFFFFF086  }
0x1c: {  	p1 =	slt.u32 s9, $0xF7A;
	s5 =	simm.s32 @!p2 $0x0  }
0x1d: {  	s5 =	simm.s32 @p1 $0x1;
	p0 =	seq.s32 s7, s2  }
0x1e: {  	s7 =	smul.u32 @!p0 $0xF7A, s2;
	p2 =	seq.s32 @!p0 s5, $0x0  }
0x1f: {  	s9 =	smul.u32 $0xF7A, s1;
	s8 =	simm.s32 @!p0 $0x1BF5;
	p2 =	por !p2, p0  }
0x20: {  	[sflag:s8] =	ssyncset.s32 @!p0 $0xFFFFF086;
	s6 =	sadd.s32 @!p0 s3, s7;
	s7 =	simm.s32 @!p0 $0x108  }
0x21: {  	s3 =	sadd.s32 s3, s9;
	s6 =	sadd.s32 @!p0 $0x88, s6;
	s7 =	simm.s32 @p2 $0x1082  }
0x22: {  	[simem:s7], [sflag:s8] =	dma.local @!p0 [hbm:s6], $0xF7A  }
0x23: {  	s9 =	sor.u32 $0xD0000000, s2;
	s6 =	simm.s32 $0x108;
	_ =	swait.ge @!p0 [sflag:s8], $0x0  }
0x24: {  	s3 =	sadd.s32 $0x88, s3;
	s6 =	simm.s32 @!p1 $0x1082;
	[sflag:s4] =	ssyncset.s32 $0xFFFFF086  }
0x25: {  	[simem:s6], [sflag:s4] =	dma.local [hbm:s3], $0xF7A  }
0x26: {  	[smem:$0x3F99] =	sst s1;
	(tag) =	ssettag s2;
	_ =	strace s9  }
0x27: {  	s1 =	sld [smem:$0x3FA9]  }
0x28: {  	s2 =	sld [smem:$0x3FAA]  }
0x29: {  	s4 =	sld [smem:$0x3FAC]  }
0x2a: {  	p0 =	seq.s32 s5, $0x0;
	s5 =	sld [smem:$0x3FAD]  }
0x2b: {  	s6 =	sld [smem:$0x3FAE]  }
0x2c: {  	s7 =	sld [smem:$0x3FAF]  }
0x2d: {  	s3 =	simm.s32 $0x108;
	s8 =	sld [smem:$0x3FB0]  }
0x2e: {  	s3 =	simm.s32 @!p0 $0x1082;
	s9 =	sld [smem:$0x3FB1]  }
0x2f: {  	lr =	sadd.s32 s0, s3;
	s0 =	sld [smem:$0x3FA8]  }
0x30: {  	s3 =	sld [smem:$0x3FAB]  }
0x31: {  	[smem:$0x3FB4] =	sst s10  }
0x32: {  	s10 =	sld [smem:$0x3FB2];
	_ =	sdelay $0x3  }
0x33: {  	p0 =	seq.s32 s10, $0x1;
	s10 =	sld [smem:$0x3FB4];
	_ =	sdelay $0x3  }
0x34: {  	[smem:$0x3FB4] =	sst s10  }
0x35: {  	s10 =	sld [smem:$0x3FB3];
	_ =	sdelay $0x3  }
0x36: {  	p1 =	seq.s32 s10, $0x1;
	s10 =	sld [smem:$0x3FB4];
	_ =	sdelay $0x3  }
0x37: {  	[smem:$0x3FB4] =	sst s10  }
0x38: {  	s10 =	sld [smem:$0x3FB5]  }
0x39: {  	_ = 	snop;
	(pc) =	sbr.ind lr, $3  }
0x3a: {  	_ = 	snop  }
0x3b: {  	_ = 	snop  }
0x3c: {  	p2 =	seq.s32 s10, $0x1;
	s10 =	sld [smem:$0x3FB4]  }
0x3d: {  	_ =	shalt  }
0x3e: {  	_ =	shalt  }
0x3f: {  	_ =	shalt  }
0x40: {  	_ =	shalt  }
0x41: {  	_ =	shalt  }
0x42: {  	_ =	shalt  }
0x43: {  	_ =	shalt  }
0x44: {  	_ =	shalt  }
0x45: {  	_ =	shalt  }
0x46: {  	_ =	shalt  }
0x47: {  	_ =	shalt  }
0x48: {  	_ =	shalt  }
0x49: {  	_ =	shalt  }
0x4a: {  	_ =	shalt  }
0x4b: {  	_ =	shalt  }
0x4c: {  	_ =	shalt  }
0x4d: {  	_ =	shalt  }
0x4e: {  	_ =	shalt  }
0x4f: {  	_ =	shalt  }
0x50: {  	_ =	shalt  }
0x51: {  	_ =	shalt  }
0x52: {  	_ =	shalt  }
0x53: {  	_ =	shalt  }
0x54: {  	_ =	shalt  }
0x55: {  	_ =	shalt  }
0x56: {  	_ =	shalt  }
0x57: {  	_ =	shalt  }
0x58: {  	_ =	shalt  }
0x59: {  	_ =	shalt  }
0x5a: {  	_ =	shalt  }
0x5b: {  	_ =	shalt  }
0x5c: {  	_ =	shalt  }
0x5d: {  	_ =	shalt  }
0x5e: {  	_ =	shalt  }
0x5f: {  	_ =	shalt  }
0x60: {  	_ =	shalt  }
0x61: {  	_ =	shalt  }
0x62: {  	_ =	shalt  }
0x63: {  	_ =	shalt  }
0x64: {  	_ =	shalt  }
0x65: {  	_ =	shalt  }
0x66: {  	_ =	shalt  }
0x67: {  	_ =	shalt  }
0x68: {  	_ =	shalt  }
0x69: {  	_ =	shalt  }
0x6a: {  	_ =	shalt  }
0x6b: {  	_ =	shalt  }
0x6c: {  	_ =	shalt  }
0x6d: {  	_ =	shalt  }
0x6e: {  	_ =	shalt  }
0x6f: {  	_ =	shalt  }
0x70: {  	_ =	shalt  }
0x71: {  	_ =	shalt  }
0x72: {  	_ =	shalt  }
0x73: {  	_ =	shalt  }
0x74: {  	_ =	shalt  }
0x75: {  	_ =	shalt  }
0x76: {  	_ =	shalt  }
0x77: {  	_ =	shalt  }
0x78: {  	_ =	shalt  }
0x79: {  	_ =	shalt  }
0x7a: {  	_ =	shalt  }
0x7b: {  	_ =	shalt  }
0x7c: {  	_ =	shalt  }
0x7d: {  	_ =	shalt  }
0x7e: {  	_ =	shalt  }
0x7f: {  	_ =	shalt  }
0x80: {  	_ =	shalt  }
0x81: {  	_ =	shalt  }
0x82: {  	_ =	shalt  }
0x83: {  	_ =	shalt  }
0x84: {  	_ =	shalt  }
0x85: {  	_ =	shalt  }
0x86: {  	_ =	shalt  }
0x87: {  	_ =	shalt  }
.Lfunc_end0:
.L_simem_size_0:
called_computation.2_lowered:
.L_overlay_start_0:
0x88: {  	s2 =	sld [smem:$0x3FD9]  }
0x89: {  	s3 =	sld [smem:$0x3FFE];
	_ =	sdelay $0x1  }
0x8a: {  	s1 =	srdreg.scid  }
0x8b: {  	s0 =	sand.u32 $0x1, s1  }
0x8c: {  	s17 =	sshll.u32 s0, $0xA;
	s2 =	sadd.s32 s3, s2  }
0x8d: {  	s2 =	sadd.s32 s2, s17  }
0x8e: {  	[smem:$0x3FC0] =	sst s2  }
0x8f: {  	_ = 	snop  }
0x90: {  	s2 =	sld [smem:$0x3FD0];
	(tm) =	ssettm $0x1  }
0x91: {  	s18 =	sld [smem:$0x3FFB];
	_ =	sdelay $0x3  }
0x92: {  	_ =	strace s18  }
0x93: {  	s3 =	sld [smem:$0x3FFC];
	_ =	sdelay $0x3  }
0x94: {  	_ =	strace s3  }
0x95: {  	s3 =	sld [smem:$0x3FFD];
	_ =	sdelay $0x3  }
0x96: {  	_ =	strace s3  }
0x97: {  	_ =	strace $0x8FFFFFFF  }
0x98: {  	s19 =	sld [smem:$0x3FDB];
	_ =	sdelay $0x1  }
0x99: {  	s4 =	simm.s32 $_scs_section_size  }
0x9a: {  	s5 =	simm.s32 $_size__tile_overlayer_lowered;
	s6 =	simm.s32 $_tile_overlayer_lowered  }
0x9b: {  	s22 =	simm.s32 $0x1BFF;
	s21 =	sshll.u32 s6, $0x1;
	s3 =	sadd.s32 s4, s19  }
0x9c: {  	s7 =	simm.s32 $0x0;
	s20 =	sshll.u32 s5, $0x1;
	s5 =	sadd.s32 s21, s3  }
0x9d: {  	[timem:s7], [sflag:s22] =	dma.local [hbm:s5], s20  }
0x9e: {  	_ =	swait.ge [sflag:s22], s20  }
0x9f: {  	s4 =	ssub.s32 $0x0, s20;
	[sflag:s22] =	ssyncset.done $0x0  }
0xa0: {  	[sflag:s22] =	ssyncadd.s32 s4;
	_ =	sdelay $0x1  }
0xa1: {  	s23 =	simm.s32 $0x1B8B  }
0xa2: {  	_ =	swait.ge [sflag:s23], $0x1  }
0xa3: {  	[sflag:s23] =	ssyncset.done $0x0  }
0xa4: {  	s25 =	simm.s32 $0x1B8E;
	s24 =	sld [smem:$0x3FFE];
	[sflag:s23] =	ssyncadd.s32 $0xFFFFFFFF  }
0xa5: {  	s26 =	simm.s32 $execute0_lowered;
	[smem:$0x3FD2] =	sst s25  }
0xa6: {  	s5 =	sshll.u32 s26, $0x1;
	_ =	strace $0x8000004C;
	[dreg:$0x1] =	wrdreg $0xFFFFFFFF  }
0xa7: {  	s28 =	simm.s32 $_size_execute0_lowered;
	s3 =	sadd.s32 s3, s5;
	[dreg:$0x0] =	wrdreg $0x0  }
0xa8: {  	s5 =	sshll.u32 s28, $0x1;
	[dreg:$0x2] =	wrdreg s3  }
0xa9: {  	[dreg:$0x3] =	wrdreg s5  }
0xaa: {  	[dreg:$0x4] =	wrdreg $0xC0  }
0xab: {  	_ =	task [dreg:s7], $0x5FFFF  }
0xac: {  	[dreg:$0x1] =	wrdreg $0xFFFFFFFF  }
0xad: {  	[dreg:$0x0] =	wrdreg $0x60  }
0xae: {  	[dreg:$0x2] =	wrdreg s2  }
0xaf: {  	[dreg:$0x3] =	wrdreg s24  }
0xb0: {  	[dreg:$0x4] =	wrdreg $0x52800  }
0xb1: {  	[dreg:$0x5] =	wrdreg $0x9  }
0xb2: {  	_ =	task.clear_ibuf [dreg:s7], $0x6FFFF;
	_ =	strace $0x9000004C  }
0xb3: {  	s29 =	simm.s32 $0x9;
	_ =	strace $0x8000004E  }
0xb4: {  	_ =	swait.ge [sflag:s29], $0x1  }
0xb5: {  	[sflag:s29] =	ssyncadd.s32 $0xFFFFFFFF  }
0xb6: {  	_ =	strace $0x9000004E  }
0xb7: {  	_ =	sfence  }
0xb8: {  	s30 =	sld [smem:$0x0];
	_ =	sdelay $0x2  }
0xb9: {  	s31 =	sshll.u32 s1, $0xD;
	s1 =	sshrl.u32 s1, $0x2  }
0xba: {  	s3 =	sand.u32 $0x4000, s31;
	s1 =	sadd.s32 s1, s30  }
0xbb: {  	s0 =	sor.u32 s3, s0;
	s1 =	sshll.u32 s1, $0x11  }
0xbc: {  	s0 =	sor.u32 s1, s0  }
0xbd: {  	s0 =	sadd.s32 $0x8F2B, s0  }
0xbe: {  	[sflag:s0] =	ssyncadd.remote.s32 $0x1  }
0xbf: {  	_ =	sfence.sel $0xFFFF  }
0xc0: {  	[dreg:$0x0] =	wrdreg $0xFFFFFFFF;
	(pc) =	sbr.abs _section_cstart, $3  }
0xc1: {  	[dreg:$0x1] =	wrdreg $0xFFFFFFFF  }
0xc2: {  	_ =	task.clear_ibuf [dreg:s7], $0x2FFFF;
	_ =	strace $0x9FFFFFFF  }
0xc3: {  	(tm) =	ssettm $0x7FFFFFFF  }
tec
execute0_lowered:
.L_overlay_start_1:
0x0: {  	(tag) =	ssettag $0x1  }
0x1: {  	s1 =	rddreg [dreg:$0x0]  }
0x2: {  	s0 =	rddreg [dreg:$0x1]  }
0x3: {  	s3 =	rddreg [dreg:$0x2]  }
0x4: {  	s4 =	simm.s32 $0x0;
	s12 =	stileid.u32;
	s2 =	srdreg.scid  }
0x5: {  	s28 =	simm.s32 $0x50;
	s29 =	simm.s32 $0x280;
	s31 =	simm.s32 $0x2A80  }
0x6: {  	[smem:$0x7FF] =	sst s4;
	s6 =	smul.u32 $0x9E00, s12;
	s2 =	sand.u32 $0x1, s2  }
0x7: {  	s5 =	sadd.s32 $0x2000, s0;
	s25 =	sshll.u32 s12, $0x6;
	s30 =	smul.u32 $0x2710, s12  }
0x8: {  	_ =	strace $0x8000004D;
	s7 =	smul.u32 $0x9E000, s2;
	s9 =	sshll.u32 s2, $0x4  }
0x9: {  	s10 =	ssub.s32 $0x2, s2;
	s2 =	smul.u32 $0x27100, s2;
	s8 =	sshrl.u32 s6, $0x3  }
0xa: {  	s9 =	sor.u32 s12, s9;
	s11 =	sshrl.u32 s10, $0x1;
	s7 =	sadd.s32 s6, s7  }
0xb: {  	s9 =	smul.u32 $0x2710, s9;
	s8 =	sadd.s32 s8, s0;
	s24 =	ssub.s32 s10, s11  }
0xc: {  	s6 =	sadd.s32 s6, s3;
	s2 =	sadd.s32 s30, s2;
	s10 =	simm.s32 $0x0  }
0xd: {  	s7 =	sshrl.u32 s7, $0x3;
	s8 =	sadd.s32 $0x15A00, s8;
	s17 =	sadd.s32 $0x1E0, s2  }
0xe: {  	s18 =	smax.u32 s24, $0x1;
	s20 =	sadd.s32 $0x4E3E0, s2;
	s21 =	sadd.s32 $0x190, s2  }
0xf: {  	s22 =	sadd.s32 $0x4E390, s2;
	s24 =	sadd.s32 $0x140, s2;
	[dreg:$0x5] =	wrdreg s8  }
0x10: {  	s6 =	sshrl.u32 s6, $0x3;
	s0 =	sadd.s32 s7, s0;
	[dreg:$0xd] =	wrdreg s18  }
0x11: {  	s9 =	sshrl.u32 s9, $0x3;
	s8 =	sor.u32 $0x1C09, s25;
	[dreg:$0xe] =	wrdreg s24  }
0x12: {  	s19 =	sshrl.u32 s17, $0x3;
	s7 =	sshrl.u32 s21, $0x3;
	[dreg:$0xf] =	wrdreg s6  }
0x13: {  	s23 =	sshrl.u32 s22, $0x3;
	s26 =	sadd.s32 s5, s9;
	[dreg:$0x6] =	wrdreg s8  }
0x14: {  	s25 =	sadd.s32 $0x4E340, s2;
	s0 =	sadd.s32 $0x29600, s0;
	[dreg:$0x4] =	wrdreg s26  }
0x15: {  	s18 =	sadd.s32 s7, s5;
	s12 =	sadd.s32 $0x9C40, s26;
	[dreg:$0xc] =	wrdreg s0  }
0x16: {  	s7 =	simm.s32 $0x5;
	s13 =	sadd.s32 $0xA, s26;
	[dreg:$0x7] =	wrdreg s12  }
0x17: {  	s9 =	simm.s32 $0x3;
	s14 =	sadd.s32 $0x9C4A, s26;
	[dreg:$0x8] =	wrdreg s13  }
0x18: {  	s15 =	sadd.s32 $0x14, s26;
	s16 =	sadd.s32 $0x9C54, s26;
	[dreg:$0x9] =	wrdreg s14  }
0x19: {  	s0 =	sshrl.u32 s20, $0x3;
	s26 =	sadd.s32 $0xF0, s2;
	[dreg:$0xa] =	wrdreg s15  }
.Ltmp0:
0x1a: {  	s2 =	sadd.s32 $0x4E2F0, s2;
	[dreg:$0xb] =	wrdreg s16;
	(pc) =	sbr.rel .LBB2_1-.Ltmp0, $4  }
0x1b: {  	s16 =	sadd.s32 s19, s5;
	s17 =	sadd.s32 s0, s5;
	s19 =	sadd.s32 s23, s5  }
0x1c: {  	s0 =	sshrl.u32 s25, $0x3;
	s30 =	sshrl.u32 s26, $0x3;
	s2 =	sshrl.u32 s2, $0x3  }
0x1d: {  	s25 =	simm.s32 $0x9;
	s26 =	simm.s32 $0x140;
	s21 =	sadd.s32 s0, s5  }
0x1e: {  	s22 =	sadd.s32 s30, s5;
	s23 =	sadd.s32 s2, s5;
	s2 =	simm.s32 $0x1E0  }
.LBB2_8:
0x1f: {  	[bflag:$0x0] =	sbarrier.arrive $0xFFFF  }
0x20: {  	s8 =	rddreg [dreg:$0x6]  }
0x21: {  	s0 =	rddreg [dreg:$0xc]  }
0x22: {  	s6 =	rddreg [dreg:$0xf]  }
0x23: {  	[hbm:s0], [sflag:s8] =	dma.local [spmem:s6], $0x13C0  }
0x24: {  	_ =	swait.ge [sflag:s25], $0x13C0  }
0x25: {  	s10 =	sadd.s32 $0x1, s10;
	s30 =	rddreg [dreg:$0xd]  }
0x26: {  	p0 =	sne.s32 s10, s30  }
.Ltmp1:
0x27: {  	_ = 	snop;
	(pc) =	sbr.rel @!p0 .LBB2_9-.Ltmp1, $3  }
0x28: {  	_ =	sdelay $0x1  }
0x29: {  	[sflag:s25] =	ssyncset.done $0x0  }
0x2a: {  	[sflag:s25] =	ssyncadd.s32 $0xFFFFEC40  }
.LBB2_1:
0x2b: {  	s0 =	rddreg [dreg:$0x5]  }
0x2c: {  	[spmem:s6], [sflag:s8] =	dma.local [hbm:s0], $0x13C0  }
0x2d: {  	_ =	swait.ge [sflag:s25], $0x13C0  }
0x2e: {  	[sflag:s25] =	ssyncset.done $0x0  }
0x2f: {  	[sflag:s25] =	ssyncadd.s32 $0xFFFFEC40  }
0x30: {  	[bflag:$0x0] =	sbarrier.arrive $0xFFFF  }
0x31: {  	s8 =	rddreg [dreg:$0x4]  }
0x32: {  	[tilespmem:s4], [sflag:$0x9] =	stream.linear.gather [hbm4b:s8+s4], $0x50, $0x38;
	[tilespmem:$0xF080] =	vst v63  }
0x33: {  	_ =	swait.ge [sflag:s25], $0x50  }
0x34: {  	[sflag:s25] =	ssyncset.done $0x0  }
0x35: {  	s11 =	rddreg [dreg:$0x7];
	[sflag:s25] =	ssyncadd.s32 $0xFFFFFFB0  }
0x36: {  	[tilespmem:s26], [sflag:$0x9] =	stream.linear.gather [hbm4b:s11+s4], $0x50, $0x38;
	[tilespmem:$0xF080] =	vst v63  }
0x37: {  	_ =	swait.ge [sflag:s25], $0x50  }
0x38: {  	[sflag:s25] =	ssyncset.done $0x0  }
0x39: {  	[sflag:s25] =	ssyncadd.s32 $0xFFFFFFB0  }
0x3a: {  	[tilespmem:s29], [sflag:$0x1] =	stream.indirect.gather [hbm4b:s1+s28], $0x40, s4, s28, $0xb8;
	[tilespmem:$0xF080] =	vst v63  }
0x3b: {  	s12 =	rddreg [dreg:$0x8]  }
0x3c: {  	[tilespmem:s28], [sflag:$0x9] =	stream.linear.gather [hbm4b:s12+s4], $0x50, $0x38;
	[tilespmem:$0xF080] =	vst v63  }
0x3d: {  	_ =	swait.ge [sflag:s25], $0x50  }
0x3e: {  	[sflag:s25] =	ssyncset.done $0x0  }
0x3f: {  	s14 =	simm.s32 $0x190;
	s13 =	rddreg [dreg:$0x9];
	[sflag:s25] =	ssyncadd.s32 $0xFFFFFFB0  }
0x40: {  	[tilespmem:s14], [sflag:$0x9] =	stream.linear.gather [hbm4b:s13+s4], $0x50, $0x38;
	[tilespmem:$0xF080] =	vst v63  }
0x41: {  	_ =	swait.ge [sflag:s25], $0x50  }
0x42: {  	[sflag:s25] =	ssyncset.done $0x0  }
0x43: {  	s15 =	simm.s32 $0x1680;
	[sflag:s25] =	ssyncadd.s32 $0xFFFFFFB0  }
0x44: {  	[tilespmem:s15], [sflag:$0x2] =	stream.indirect.gather [hbm4b:s1+s28], $0x40, s28, s28, $0xb8;
	[tilespmem:$0xF080] =	vst v63  }
0x45: {  	s24 =	simm.s32 $0xA0;
	s20 =	rddreg [dreg:$0xa]  }
0x46: {  	[tilespmem:s24], [sflag:$0x9] =	stream.linear.gather [hbm4b:s20+s4], $0x50, $0x38;
	[tilespmem:$0xF080] =	vst v63  }
0x47: {  	_ =	swait.ge [sflag:s25], $0x50  }
0x48: {  	[sflag:s25] =	ssyncset.done $0x0  }
0x49: {  	s30 =	rddreg [dreg:$0xb];
	[sflag:s25] =	ssyncadd.s32 $0xFFFFFFB0  }
0x4a: {  	[tilespmem:s2], [sflag:$0x9] =	stream.linear.gather [hbm4b:s30+s4], $0x50, $0x38;
	[tilespmem:$0xF080] =	vst v63  }
.Ltmp2:
0x4b: {  	_ = 	snop;
	(pc) =	sbr.rel .LBB2_2-.Ltmp2, $4  }
0x4c: {  	_ =	swait.ge [sflag:s25], $0x50  }
0x4d: {  	s11 =	simm.s32 $0x3;
	s13 =	simm.s32 $0x0;
	[sflag:s25] =	ssyncset.done $0x0  }
0x4e: {  	s14 =	simm.s32 $0x0;
	s20 =	rddreg [dreg:$0xe];
	[sflag:s25] =	ssyncadd.s32 $0xFFFFFFB0  }
0x4f: {  	[tilespmem:s31], [sflag:$0x3] =	stream.indirect.gather [hbm4b:s1+s28], $0x40, s24, s28, $0xb8;
	[tilespmem:$0xF080] =	vst v63  }
.LBB2_4:
0x50: {  	s8 =	sadd.s32 s13, s18  }
0x51: {  	[tilespmem:s28], [sflag:$0x6] =	stream.linear.gather [hbm4b:s8+s4], $0x50, $0x38;
	[tilespmem:$0xF080] =	vst v63  }
0x52: {  	s30 =	sadd.s32 s13, s19;
	s24 =	simm.s32 $0x190  }
0x53: {  	[tilespmem:s24], [sflag:$0x6] =	stream.linear.gather [hbm4b:s30+s4], $0x50, $0x38;
	[tilespmem:$0xF080] =	vst v63  }
.LBB2_6:
0x54: {  	_ =	swait.ge [sflag:s9], $0x1400  }
0x55: {  	[sflag:s9] =	ssyncset.done $0x0  }
0x56: {  	[sflag:s9] =	ssyncadd.s32 $0xFFFFEC00  }
0x57: {  	[spmem:s3] =	stream.indirect.scatter.add.f32 [tilespmem:s31], [sflag:$0x9], $0x40, s2, s28, $0xb8;
	[tilespmem:$0xF080] =	vst v63  }
0x58: {  	_ =	swait.ge [sflag:s25], $0x1400  }
0x59: {  	[sflag:s25] =	ssyncset.done $0x0  }
0x5a: {  	s8 =	simm.s32 @!p2 $0x6;
	[sflag:s25] =	ssyncadd.s32 $0xFFFFEC00  }
0x5b: {  	_ =	swait.ge @!p2 [sflag:s8], $0x50  }
0x5c: {  	[sflag:s8] =	ssyncset.done @!p2 $0x0  }
0x5d: {  	[sflag:s8] =	ssyncadd.s32 @!p2 $0xFFFFFFB0  }
0x5e: {  	_ =	swait.ge @!p2 [sflag:s8], $0x50  }
0x5f: {  	s24 =	simm.s32 @!p2 $0x1680;
	s30 =	simm.s32 @!p2 $0xA0;
	[sflag:s8] =	ssyncset.done @!p2 $0x0  }
0x60: {  	p3 =	por @!p2 $0x1, $0x1;
	[sflag:s8] =	ssyncadd.s32 @!p2 $0xFFFFFFB0;
	s8 =	simm.s32 @!p2 $0x50  }
0x61: {  	[tilespmem:s24], [sflag:$0x2] =	stream.indirect.gather @!p2 [hbm4b:s1+s8], $0x40, s8, s8, $0xb8;
	[tilespmem:$0xF080] =	vst v63  }
0x62: {  	p1 =	por $0x0, $0x0;
	s8 =	sadd.s32 @!p2 s13, s16;
	s24 =	simm.s32 @!p2 $0x0  }
0x63: {  	[tilespmem:s30], [sflag:$0x7] =	stream.linear.gather @!p2 [hbm4b:s8+s24], $0x50, $0x38;
	[tilespmem:$0xF080] =	vst v63  }
0x64: {  	p1 =	por @!p2 p3, p3;
	s8 =	sadd.s32 @!p2 s13, s17;
	s30 =	simm.s32 @!p2 $0x1E0  }
0x65: {  	[tilespmem:s30], [sflag:$0x7] =	stream.linear.gather @!p2 [hbm4b:s8+s24], $0x50, $0x38;
	[tilespmem:$0xF080] =	vst v63  }
.LBB2_7:
0x66: {  	s8 =	simm.s32 @!p0 $0x4  }
0x67: {  	_ =	swait.ge @!p0 [sflag:s8], $0x1400  }
0x68: {  	[sflag:s8] =	ssyncset.done @!p0 $0x0  }
0x69: {  	[sflag:s8] =	ssyncadd.s32 @!p0 $0xFFFFEC00  }
0x6a: {  	[spmem:s3] =	stream.indirect.scatter.add.f32 @!p0 [tilespmem:s0], [sflag:$0x9], $0x40, s15, s12, $0xb8;
	[tilespmem:$0xF080] =	vst v63  }
0x6b: {  	_ =	swait.ge @!p0 [sflag:s6], $0x1400  }
0x6c: {  	[sflag:s6] =	ssyncset.done @!p0 $0x0  }
0x6d: {  	s0 =	simm.s32 @p1 $0x7;
	[sflag:s6] =	ssyncadd.s32 @!p0 $0xFFFFEC00  }
0x6e: {  	s13 =	sadd.s32 $0x28, s13;
	_ =	swait.ge @p1 [sflag:s0], $0x50  }
0x6f: {  	p0 =	sne.s32 s13, $0x500;
	[sflag:s0] =	ssyncset.done @p1 $0x0  }
.Ltmp3:
0x70: {  	[sflag:s0] =	ssyncadd.s32 @p1 $0xFFFFFFB0;
	(pc) =	sbr.rel @!p0 .LBB2_8-.Ltmp3, $4  }
0x71: {  	s14 =	sadd.s32 $0x1, s14;
	s20 =	sadd.s32 $0x140, s20;
	_ =	swait.ge @p1 [sflag:s0], $0x50  }
0x72: {  	s11 =	sadd.s32 $0x4, s11;
	s8 =	simm.s32 @p1 $0x2A80;
	[sflag:s0] =	ssyncset.done @p1 $0x0  }
0x73: {  	s6 =	simm.s32 @p1 $0xA0;
	[sflag:s0] =	ssyncadd.s32 @p1 $0xFFFFFFB0;
	s0 =	simm.s32 @p1 $0x50  }
0x74: {  	[tilespmem:s8], [sflag:$0x3] =	stream.indirect.gather @p1 [hbm4b:s1+s0], $0x40, s6, s0, $0xb8;
	[tilespmem:$0xF080] =	vst v63  }
.LBB2_2:
0x75: {  	p0 =	sgt.u32 s11, $0x7C  }
0x76: {  	s0 =	simm.s32 @p0 $0x1  }
0x77: {  	_ =	swait.ge @p0 [sflag:s0], $0x1400  }
0x78: {  	s6 =	simm.s32 @p0 $0x140;
	[sflag:s0] =	ssyncset.done @p0 $0x0  }
0x79: {  	s12 =	simm.s32 @p0 $0x280;
	[sflag:s0] =	ssyncadd.s32 @p0 $0xFFFFEC00;
	s0 =	simm.s32 @p0 $0x50  }
0x7a: {  	[spmem:s3] =	stream.indirect.scatter.add.f32 @p0 [tilespmem:s12], [sflag:$0x9], $0x40, s6, s0, $0xb8;
	[tilespmem:$0xF080] =	vst v63  }
0x7b: {  	s0 =	simm.s32 @p0 $0x9  }
0x7c: {  	_ =	swait.ge @p0 [sflag:s0], $0x1400  }
0x7d: {  	s8 =	simm.s32 @!p0 $0xF0;
	[sflag:s0] =	ssyncset.done @p0 $0x0  }
0x7e: {  	s6 =	simm.s32 @!p0 $0x0;
	[sflag:s0] =	ssyncadd.s32 @p0 $0xFFFFEC00;
	s0 =	sadd.s32 @!p0 s13, s22  }
0x7f: {  	[tilespmem:s8], [sflag:$0x8] =	stream.linear.gather @!p0 [hbm4b:s0+s6], $0x50, $0x38;
	[tilespmem:$0xF080] =	vst v63  }
0x80: {  	s15 =	simm.s32 @!p0 $0x230;
	s0 =	sadd.s32 @!p0 s13, s23  }
0x81: {  	[tilespmem:s15], [sflag:$0x8] =	stream.linear.gather @!p0 [hbm4b:s0+s6], $0x50, $0x38;
	[tilespmem:$0xF080] =	vst v63  }
0x82: {  	s0 =	simm.s32 @!p0 $0x1  }
0x83: {  	_ =	swait.ge @!p0 [sflag:s0], $0x1400  }
0x84: {  	s12 =	simm.s32 @!p0 $0x50;
	[sflag:s0] =	ssyncset.done @!p0 $0x0  }
0x85: {  	s6 =	simm.s32 @!p0 $0x280;
	[sflag:s0] =	ssyncadd.s32 @!p0 $0xFFFFEC00;
	s0 =	simm.s32 @!p0 $0x140  }
0x86: {  	[spmem:s3] =	stream.indirect.scatter.add.f32 @!p0 [tilespmem:s6], [sflag:$0x9], $0x40, s0, s12, $0xb8;
	[tilespmem:$0xF080] =	vst v63  }
0x87: {  	s6 =	simm.s32 @!p0 $0x9  }
0x88: {  	_ =	swait.ge @!p0 [sflag:s6], $0x1400  }
0x89: {  	[sflag:s6] =	ssyncset.done @!p0 $0x0  }
0x8a: {  	s0 =	simm.s32 @!p0 $0x8;
	[sflag:s6] =	ssyncadd.s32 @!p0 $0xFFFFEC00  }
0x8b: {  	_ =	swait.ge @!p0 [sflag:s0], $0x50  }
0x8c: {  	p2 =	seq.s32 s13, $0x4D8;
	[sflag:s0] =	ssyncset.done @!p0 $0x0  }
.Ltmp4:
0x8d: {  	[sflag:s0] =	ssyncadd.s32 @!p0 $0xFFFFFFB0;
	(pc) =	sbr.rel @p2 .LBB2_7-.Ltmp4, $4  }
0x8e: {  	_ =	swait.ge @!p0 [sflag:s0], $0x50  }
0x8f: {  	[sflag:s0] =	ssyncset.done @!p0 $0x0  }
0x90: {  	p1 =	por $0x0, $0x0;
	[sflag:s0] =	ssyncadd.s32 @!p0 $0xFFFFFFB0;
	s0 =	simm.s32 @!p0 $0x3E80  }
0x91: {  	[tilespmem:s0], [sflag:$0x4] =	stream.indirect.gather @!p0 [hbm4b:s1+s12], $0x40, s8, s12, $0xb8;
	[tilespmem:$0xF080] =	vst v63  }
0x92: {  	s8 =	sshrl.u32 s20, $0x3  }
0x93: {  	p3 =	sgt.u32 s14, $0x1E;
	s8 =	sadd.s32 s5, s8  }
0x94: {  	[tilespmem:s4], [sflag:$0x5] =	stream.linear.gather [hbm4b:s8+s4], $0x50, $0x38;
	[tilespmem:$0xF080] =	vst v63  }
0x95: {  	s30 =	sadd.s32 s13, s21;
	s8 =	simm.s32 @!p3 $0x2  }
0x96: {  	[tilespmem:s26], [sflag:$0x5] =	stream.linear.gather [hbm4b:s30+s4], $0x50, $0x38;
	[tilespmem:$0xF080] =	vst v63  }
0x97: {  	_ =	swait.ge @!p3 [sflag:s8], $0x1400  }
0x98: {  	s24 =	simm.s32 @!p3 $0x190;
	[sflag:s8] =	ssyncset.done @!p3 $0x0  }
0x99: {  	s30 =	simm.s32 @!p3 $0x1680;
	[sflag:s8] =	ssyncadd.s32 @!p3 $0xFFFFEC00;
	s8 =	simm.s32 @!p3 $0x50  }
0x9a: {  	[spmem:s3] =	stream.indirect.scatter.add.f32 @!p3 [tilespmem:s30], [sflag:$0x9], $0x40, s24, s8, $0xb8;
	[tilespmem:$0xF080] =	vst v63  }
0x9b: {  	s8 =	simm.s32 @!p3 $0x9  }
0x9c: {  	_ =	swait.ge @!p3 [sflag:s8], $0x1400  }
0x9d: {  	[sflag:s8] =	ssyncset.done @!p3 $0x0  }
0x9e: {  	[sflag:s8] =	ssyncadd.s32 @!p3 $0xFFFFEC00  }
0x9f: {  	_ =	swait.ge [sflag:s7], $0x50  }
0xa0: {  	p2 =	sgt.u32 s14, $0x1D;
	[sflag:s7] =	ssyncset.done $0x0  }
.Ltmp5:
0xa1: {  	[sflag:s7] =	ssyncadd.s32 $0xFFFFFFB0;
	(pc) =	sbr.rel @!p2 .LBB2_4-.Ltmp5, $4  }
0xa2: {  	_ =	swait.ge [sflag:s7], $0x50  }
0xa3: {  	[sflag:s7] =	ssyncset.done $0x0  }
0xa4: {  	[sflag:s7] =	ssyncadd.s32 $0xFFFFFFB0  }
0xa5: {  	[tilespmem:s29], [sflag:$0x1] =	stream.indirect.gather [hbm4b:s1+s28], $0x40, s4, s28, $0xb8;
	[tilespmem:$0xF080] =	vst v63  }
.Ltmp6:
0xa6: {  	(pc) =	sbr.rel @p3 .LBB2_7-.Ltmp6, $4  }
.Ltmp7:
0xa7: {  	(pc) =	sbr.rel @!p3 .LBB2_6-.Ltmp7, $4  }
0xa8: {  	_ = 	snop  }
0xa9: {  	_ = 	snop  }
0xaa: {  	_ = 	snop  }
0xab: {  	_ = 	snop  }
.LBB2_9:
0xac: {  	_ =	sfence.sel $0x180000  }
0xad: {  	[bflag:$0x0] =	sbarrier.arrive $0xFFFF  }
0xae: {  	_ =	strace $0x9000004D  }
0xaf: {  	s0 =	stileid.u32;
	[bflag:$0x2] =	sbarrier.arrive $0xFFFF  }
0xb0: {  	p0 =	sne.s32 s0, $0x0;
	s0 =	rddreg [dreg:$0x3]  }
0xb1: {  	s0 =	sadd.s32 @!p0 $0x100000, s0  }
0xb2: {  	[sflag:s0] =	ssyncadd.tile.s32 @!p0 $0x1;
	_ =	shalt  }
.Lfunc_end2:
_tile_overlayer_lowered:
.L_overlay_start_2:
0xb3: {  	(tag) =	ssettag $0x2  }
0xb4: {  	s0 =	rddreg [dreg:$0x0];
	s2 =	stileid.u32  }
0xb5: {  	s1 =	rddreg [dreg:$0x1];
	p0 =	sne.s32 s2, $0x0  }
0xb6: {  	s3 =	rddreg [dreg:$0x2];
	[bflag:$0x3] =	sbarrier.arrive $0xFFFF;
	s2 =	simm.s32 @!p0 $0x1C09  }
0xb7: {  	[timem:s3], [sflag:s2] =	dma.local @!p0 [hbm:s0], s1  }
0xb8: {  	s0 =	simm.s32 @!p0 $0x9  }
0xb9: {  	_ =	swait.ge @!p0 [sflag:s0], s1  }
0xba: {  	s1 =	ssub.s32 @!p0 $0x0, s1;
	[sflag:s0] =	ssyncset.done @!p0 $0x0  }
0xbb: {  	[sflag:s0] =	ssyncadd.s32 @!p0 s1  }
0xbc: {  	[bflag:$0x3] =	sbarrier.arrive $0xFFFF  }
0xbd: {  	_ =	shalt  }

// kernel: kernel.8.cloned.1.call-start
scs
__scs_entry_jumppad:
0x0: {  	(pc) =	sbr.rel $0x88, $3  }
0x1: {  	(tag) =	ssettag $0x0;
	lr =	simm.s32 $0x1  }
0x2: {  	[smem:$0x3F99] =	sst lr;
	_ =	strace $0xD0000000  }
0x3: {  	_ = 	snop  }
0x4: {  	_ = 	snop  }
0x5: {  	_ = 	snop  }
0x6: {  	_ = 	snop  }
0x7: {  	_ = 	snop  }
__scs_overlays_trampoline_lowered:
0x8: {  	[smem:$0x3FA8] =	sst s0  }
0x9: {  	[smem:$0x3FA9] =	sst s1  }
0xa: {  	[smem:$0x3FAA] =	sst s2  }
0xb: {  	[smem:$0x3FAB] =	sst s3  }
0xc: {  	[smem:$0x3FAC] =	sst s4  }
0xd: {  	[smem:$0x3FAD] =	sst s5  }
0xe: {  	[smem:$0x3FAE] =	sst s6  }
0xf: {  	[smem:$0x3FAF] =	sst s7  }
0x10: {  	[smem:$0x3FB0] =	sst s8  }
0x11: {  	[smem:$0x3FB1] =	sst s9;
	s0 =	simm.s32 @!p0 $0x0  }
0x12: {  	s1 =	sld [smem:$0x3F97];
	s0 =	simm.s32 @p0 $0x1  }
0x13: {  	[smem:$0x3FB2] =	sst s0;
	s0 =	simm.s32 @!p1 $0x0  }
0x14: {  	s2 =	sld [smem:$0x3F96];
	s0 =	simm.s32 @p1 $0x1  }
0x15: {  	[smem:$0x3FB3] =	sst s0;
	s0 =	simm.s32 @!p2 $0x0  }
0x16: {  	s3 =	sld [smem:$0x3FDB];
	s0 =	simm.s32 @p2 $0x1  }
0x17: {  	s4 =	simm.s32 $0x1BF5;
	[smem:$0x3FB5] =	sst s0  }
0x18: {  	s0 =	sld [smem:$0x3F98];
	_ =	swait.ge [sflag:s4], $0x0  }
0x19: {  	s7 =	sld [smem:$0x3F99]  }
0x1a: {  	s8 =	sadd.s32 $0xFFFFE003, lr  }
0x1b: {  	s9 =	sadd.s32 $0xFFFFFEF7, lr;
	s5 =	simm.s32 $0xFFFFFFFF;
	p2 =	slt.u32 s8, $0xFFFFF086  }
0x1c: {  	p1 =	slt.u32 s9, $0xF7A;
	s5 =	simm.s32 @!p2 $0x0  }
0x1d: {  	s5 =	simm.s32 @p1 $0x1;
	p0 =	seq.s32 s7, s2  }
0x1e: {  	s7 =	smul.u32 @!p0 $0xF7A, s2;
	p2 =	seq.s32 @!p0 s5, $0x0  }
0x1f: {  	s9 =	smul.u32 $0xF7A, s1;
	s8 =	simm.s32 @!p0 $0x1BF5;
	p2 =	por !p2, p0  }
0x20: {  	[sflag:s8] =	ssyncset.s32 @!p0 $0xFFFFF086;
	s6 =	sadd.s32 @!p0 s3, s7;
	s7 =	simm.s32 @!p0 $0x108  }
0x21: {  	s3 =	sadd.s32 s3, s9;
	s6 =	sadd.s32 @!p0 $0x88, s6;
	s7 =	simm.s32 @p2 $0x1082  }
0x22: {  	[simem:s7], [sflag:s8] =	dma.local @!p0 [hbm:s6], $0xF7A  }
0x23: {  	s9 =	sor.u32 $0xD0000000, s2;
	s6 =	simm.s32 $0x108;
	_ =	swait.ge @!p0 [sflag:s8], $0x0  }
0x24: {  	s3 =	sadd.s32 $0x88, s3;
	s6 =	simm.s32 @!p1 $0x1082;
	[sflag:s4] =	ssyncset.s32 $0xFFFFF086  }
0x25: {  	[simem:s6], [sflag:s4] =	dma.local [hbm:s3], $0xF7A  }
0x26: {  	[smem:$0x3F99] =	sst s1;
	(tag) =	ssettag s2;
	_ =	strace s9  }
0x27: {  	s1 =	sld [smem:$0x3FA9]  }
0x28: {  	s2 =	sld [smem:$0x3FAA]  }
0x29: {  	s4 =	sld [smem:$0x3FAC]  }
0x2a: {  	p0 =	seq.s32 s5, $0x0;
	s5 =	sld [smem:$0x3FAD]  }
0x2b: {  	s6 =	sld [smem:$0x3FAE]  }
0x2c: {  	s7 =	sld [smem:$0x3FAF]  }
0x2d: {  	s3 =	simm.s32 $0x108;
	s8 =	sld [smem:$0x3FB0]  }
0x2e: {  	s3 =	simm.s32 @!p0 $0x1082;
	s9 =	sld [smem:$0x3FB1]  }
0x2f: {  	lr =	sadd.s32 s0, s3;
	s0 =	sld [smem:$0x3FA8]  }
0x30: {  	s3 =	sld [smem:$0x3FAB]  }
0x31: {  	[smem:$0x3FB4] =	sst s10  }
0x32: {  	s10 =	sld [smem:$0x3FB2];
	_ =	sdelay $0x3  }
0x33: {  	p0 =	seq.s32 s10, $0x1;
	s10 =	sld [smem:$0x3FB4];
	_ =	sdelay $0x3  }
0x34: {  	[smem:$0x3FB4] =	sst s10  }
0x35: {  	s10 =	sld [smem:$0x3FB3];
	_ =	sdelay $0x3  }
0x36: {  	p1 =	seq.s32 s10, $0x1;
	s10 =	sld [smem:$0x3FB4];
	_ =	sdelay $0x3  }
0x37: {  	[smem:$0x3FB4] =	sst s10  }
0x38: {  	s10 =	sld [smem:$0x3FB5]  }
0x39: {  	_ = 	snop;
	(pc) =	sbr.ind lr, $3  }
0x3a: {  	_ = 	snop  }
0x3b: {  	_ = 	snop  }
0x3c: {  	p2 =	seq.s32 s10, $0x1;
	s10 =	sld [smem:$0x3FB4]  }
0x3d: {  	_ =	shalt  }
0x3e: {  	_ =	shalt  }
0x3f: {  	_ =	shalt  }
0x40: {  	_ =	shalt  }
0x41: {  	_ =	shalt  }
0x42: {  	_ =	shalt  }
0x43: {  	_ =	shalt  }
0x44: {  	_ =	shalt  }
0x45: {  	_ =	shalt  }
0x46: {  	_ =	shalt  }
0x47: {  	_ =	shalt  }
0x48: {  	_ =	shalt  }
0x49: {  	_ =	shalt  }
0x4a: {  	_ =	shalt  }
0x4b: {  	_ =	shalt  }
0x4c: {  	_ =	shalt  }
0x4d: {  	_ =	shalt  }
0x4e: {  	_ =	shalt  }
0x4f: {  	_ =	shalt  }
0x50: {  	_ =	shalt  }
0x51: {  	_ =	shalt  }
0x52: {  	_ =	shalt  }
0x53: {  	_ =	shalt  }
0x54: {  	_ =	shalt  }
0x55: {  	_ =	shalt  }
0x56: {  	_ =	shalt  }
0x57: {  	_ =	shalt  }
0x58: {  	_ =	shalt  }
0x59: {  	_ =	shalt  }
0x5a: {  	_ =	shalt  }
0x5b: {  	_ =	shalt  }
0x5c: {  	_ =	shalt  }
0x5d: {  	_ =	shalt  }
0x5e: {  	_ =	shalt  }
0x5f: {  	_ =	shalt  }
0x60: {  	_ =	shalt  }
0x61: {  	_ =	shalt  }
0x62: {  	_ =	shalt  }
0x63: {  	_ =	shalt  }
0x64: {  	_ =	shalt  }
0x65: {  	_ =	shalt  }
0x66: {  	_ =	shalt  }
0x67: {  	_ =	shalt  }
0x68: {  	_ =	shalt  }
0x69: {  	_ =	shalt  }
0x6a: {  	_ =	shalt  }
0x6b: {  	_ =	shalt  }
0x6c: {  	_ =	shalt  }
0x6d: {  	_ =	shalt  }
0x6e: {  	_ =	shalt  }
0x6f: {  	_ =	shalt  }
0x70: {  	_ =	shalt  }
0x71: {  	_ =	shalt  }
0x72: {  	_ =	shalt  }
0x73: {  	_ =	shalt  }
0x74: {  	_ =	shalt  }
0x75: {  	_ =	shalt  }
0x76: {  	_ =	shalt  }
0x77: {  	_ =	shalt  }
0x78: {  	_ =	shalt  }
0x79: {  	_ =	shalt  }
0x7a: {  	_ =	shalt  }
0x7b: {  	_ =	shalt  }
0x7c: {  	_ =	shalt  }
0x7d: {  	_ =	shalt  }
0x7e: {  	_ =	shalt  }
0x7f: {  	_ =	shalt  }
0x80: {  	_ =	shalt  }
0x81: {  	_ =	shalt  }
0x82: {  	_ =	shalt  }
0x83: {  	_ =	shalt  }
0x84: {  	_ =	shalt  }
0x85: {  	_ =	shalt  }
0x86: {  	_ =	shalt  }
0x87: {  	_ =	shalt  }
.Lfunc_end0:
.L_simem_size_0:
called_computation_lowered:
.L_overlay_start_0:
0x88: {  	s2 =	sld [smem:$0x3FD9]  }
0x89: {  	s3 =	sld [smem:$0x3FFE];
	_ =	sdelay $0x1  }
0x8a: {  	s1 =	srdreg.scid  }
0x8b: {  	s0 =	sand.u32 $0x1, s1  }
0x8c: {  	s17 =	sshll.u32 s0, $0xA;
	s2 =	sadd.s32 s3, s2  }
0x8d: {  	s2 =	sadd.s32 s2, s17  }
0x8e: {  	[smem:$0x3FC0] =	sst s2  }
0x8f: {  	_ = 	snop  }
0x90: {  	s2 =	sld [smem:$0x3FC9];
	(tm) =	ssettm $0x1  }
0x91: {  	s18 =	sld [smem:$0x3FFB];
	_ =	sdelay $0x3  }
0x92: {  	_ =	strace s18  }
0x93: {  	s3 =	sld [smem:$0x3FFC];
	_ =	sdelay $0x3  }
0x94: {  	_ =	strace s3  }
0x95: {  	s3 =	sld [smem:$0x3FFD];
	_ =	sdelay $0x3  }
0x96: {  	_ =	strace s3  }
0x97: {  	_ =	strace $0x8FFFFFFF  }
0x98: {  	s19 =	sld [smem:$0x3FDB];
	_ =	sdelay $0x1  }
0x99: {  	s4 =	simm.s32 $_scs_section_size  }
0x9a: {  	s5 =	simm.s32 $_size__tile_overlayer_lowered;
	s6 =	simm.s32 $_tile_overlayer_lowered  }
0x9b: {  	s22 =	simm.s32 $0x1BFF;
	s21 =	sshll.u32 s6, $0x1;
	s3 =	sadd.s32 s4, s19  }
0x9c: {  	s7 =	simm.s32 $0x0;
	s20 =	sshll.u32 s5, $0x1;
	s5 =	sadd.s32 s21, s3  }
0x9d: {  	[timem:s7], [sflag:s22] =	dma.local [hbm:s5], s20  }
0x9e: {  	_ =	swait.ge [sflag:s22], s20  }
0x9f: {  	s4 =	ssub.s32 $0x0, s20;
	[sflag:s22] =	ssyncset.done $0x0  }
0xa0: {  	[sflag:s22] =	ssyncadd.s32 s4;
	_ =	sdelay $0x1  }
0xa1: {  	s23 =	simm.s32 $0x1B8B  }
0xa2: {  	_ =	swait.ge [sflag:s23], $0x1  }
0xa3: {  	[sflag:s23] =	ssyncset.done $0x0  }
0xa4: {  	s25 =	simm.s32 $0x1B8E;
	s24 =	sld [smem:$0x3FFE];
	[sflag:s23] =	ssyncadd.s32 $0xFFFFFFFF  }
0xa5: {  	s26 =	simm.s32 $execute0_lowered;
	[smem:$0x3FD2] =	sst s25  }
0xa6: {  	s5 =	sshll.u32 s26, $0x1;
	_ =	strace $0x80000046;
	[dreg:$0x1] =	wrdreg $0xFFFFFFFF  }
0xa7: {  	s28 =	simm.s32 $_size_execute0_lowered;
	s3 =	sadd.s32 s3, s5;
	[dreg:$0x0] =	wrdreg $0x0  }
0xa8: {  	s5 =	sshll.u32 s28, $0x1;
	[dreg:$0x2] =	wrdreg s3  }
0xa9: {  	[dreg:$0x3] =	wrdreg s5  }
0xaa: {  	[dreg:$0x4] =	wrdreg $0xC0  }
0xab: {  	_ =	task [dreg:s7], $0x5FFFF  }
0xac: {  	[dreg:$0x1] =	wrdreg $0xFFFFFFFF  }
0xad: {  	[dreg:$0x0] =	wrdreg $0x60  }
0xae: {  	[dreg:$0x2] =	wrdreg s2  }
0xaf: {  	[dreg:$0x3] =	wrdreg s24  }
0xb0: {  	[dreg:$0x4] =	wrdreg $0xA2800  }
0xb1: {  	[dreg:$0x5] =	wrdreg $0x9  }
0xb2: {  	_ =	task.clear_ibuf [dreg:s7], $0x6FFFF;
	_ =	strace $0x90000046  }
0xb3: {  	s29 =	simm.s32 $0x9;
	_ =	strace $0x80000048  }
0xb4: {  	_ =	swait.ge [sflag:s29], $0x1  }
0xb5: {  	[sflag:s29] =	ssyncadd.s32 $0xFFFFFFFF  }
0xb6: {  	_ =	strace $0x90000048  }
0xb7: {  	_ =	sfence  }
0xb8: {  	s30 =	sld [smem:$0x0];
	_ =	sdelay $0x2  }
0xb9: {  	s31 =	sshll.u32 s1, $0xD;
	s1 =	sshrl.u32 s1, $0x2  }
0xba: {  	s3 =	sand.u32 $0x4000, s31;
	s1 =	sadd.s32 s1, s30  }
0xbb: {  	s0 =	sor.u32 s3, s0;
	s1 =	sshll.u32 s1, $0x11  }
0xbc: {  	s0 =	sor.u32 s1, s0  }
0xbd: {  	s0 =	sadd.s32 $0x8F2B, s0  }
0xbe: {  	[sflag:s0] =	ssyncadd.remote.s32 $0x1  }
0xbf: {  	_ =	sfence.sel $0xFFFF  }
0xc0: {  	[dreg:$0x0] =	wrdreg $0xFFFFFFFF;
	(pc) =	sbr.abs _section_cstart, $3  }
0xc1: {  	[dreg:$0x1] =	wrdreg $0xFFFFFFFF  }
0xc2: {  	_ =	task.clear_ibuf [dreg:s7], $0x2FFFF;
	_ =	strace $0x9FFFFFFF  }
0xc3: {  	(tm) =	ssettm $0x7FFFFFFF  }
tec
execute0_lowered:
.L_overlay_start_1:
0x0: {  	(tag) =	ssettag $0x1  }
0x1: {  	s1 =	rddreg [dreg:$0x0]  }
0x2: {  	s0 =	rddreg [dreg:$0x1]  }
0x3: {  	s3 =	rddreg [dreg:$0x2]  }
0x4: {  	s4 =	simm.s32 $0x0;
	s12 =	stileid.u32;
	s2 =	srdreg.scid  }
0x5: {  	s28 =	simm.s32 $0x50;
	s29 =	simm.s32 $0x280;
	s31 =	simm.s32 $0x5280  }
0x6: {  	[smem:$0x7FF] =	sst s4;
	s6 =	smul.u32 $0x13C00, s12;
	s2 =	sand.u32 $0x1, s2  }
0x7: {  	s5 =	sadd.s32 $0x2000, s0;
	s25 =	sshll.u32 s12, $0x6;
	s30 =	smul.u32 $0x2710, s12  }
0x8: {  	_ =	strace $0x80000047;
	s7 =	smul.u32 $0x13C000, s2;
	s9 =	sshll.u32 s2, $0x4  }
0x9: {  	s10 =	ssub.s32 $0x2, s2;
	s2 =	smul.u32 $0x27100, s2;
	s8 =	sshrl.u32 s6, $0x3  }
0xa: {  	s9 =	sor.u32 s12, s9;
	s11 =	sshrl.u32 s10, $0x1;
	s7 =	sadd.s32 s6, s7  }
0xb: {  	s9 =	smul.u32 $0x2710, s9;
	s8 =	sadd.s32 s8, s0;
	s24 =	ssub.s32 s10, s11  }
0xc: {  	s6 =	sadd.s32 s6, s3;
	s2 =	sadd.s32 s30, s2;
	s10 =	simm.s32 $0x0  }
0xd: {  	s7 =	sshrl.u32 s7, $0x3;
	s8 =	sadd.s32 $0x15A00, s8;
	s17 =	sadd.s32 $0x1E0, s2  }
0xe: {  	s18 =	smax.u32 s24, $0x1;
	s20 =	sadd.s32 $0x4E3E0, s2;
	s21 =	sadd.s32 $0x190, s2  }
0xf: {  	s22 =	sadd.s32 $0x4E390, s2;
	s24 =	sadd.s32 $0x140, s2;
	[dreg:$0x5] =	wrdreg s8  }
0x10: {  	s6 =	sshrl.u32 s6, $0x3;
	s0 =	sadd.s32 s7, s0;
	[dreg:$0xd] =	wrdreg s18  }
0x11: {  	s9 =	sshrl.u32 s9, $0x3;
	s8 =	sor.u32 $0x1C09, s25;
	[dreg:$0xe] =	wrdreg s24  }
0x12: {  	s19 =	sshrl.u32 s17, $0x3;
	s7 =	sshrl.u32 s21, $0x3;
	[dreg:$0xf] =	wrdreg s6  }
0x13: {  	s23 =	sshrl.u32 s22, $0x3;
	s26 =	sadd.s32 s5, s9;
	[dreg:$0x6] =	wrdreg s8  }
0x14: {  	s25 =	sadd.s32 $0x4E340, s2;
	s0 =	sadd.s32 $0x3D200, s0;
	[dreg:$0x4] =	wrdreg s26  }
0x15: {  	s18 =	sadd.s32 s7, s5;
	s12 =	sadd.s32 $0x9C40, s26;
	[dreg:$0xc] =	wrdreg s0  }
0x16: {  	s7 =	simm.s32 $0x5;
	s13 =	sadd.s32 $0xA, s26;
	[dreg:$0x7] =	wrdreg s12  }
0x17: {  	s9 =	simm.s32 $0x3;
	s14 =	sadd.s32 $0x9C4A, s26;
	[dreg:$0x8] =	wrdreg s13  }
0x18: {  	s15 =	sadd.s32 $0x14, s26;
	s16 =	sadd.s32 $0x9C54, s26;
	[dreg:$0x9] =	wrdreg s14  }
0x19: {  	s0 =	sshrl.u32 s20, $0x3;
	s26 =	sadd.s32 $0xF0, s2;
	[dreg:$0xa] =	wrdreg s15  }
.Ltmp0:
0x1a: {  	s2 =	sadd.s32 $0x4E2F0, s2;
	[dreg:$0xb] =	wrdreg s16;
	(pc) =	sbr.rel .LBB2_1-.Ltmp0, $4  }
0x1b: {  	s16 =	sadd.s32 s19, s5;
	s17 =	sadd.s32 s0, s5;
	s19 =	sadd.s32 s23, s5  }
0x1c: {  	s0 =	sshrl.u32 s25, $0x3;
	s30 =	sshrl.u32 s26, $0x3;
	s2 =	sshrl.u32 s2, $0x3  }
0x1d: {  	s25 =	simm.s32 $0x9;
	s26 =	simm.s32 $0x140;
	s21 =	sadd.s32 s0, s5  }
0x1e: {  	s22 =	sadd.s32 s30, s5;
	s23 =	sadd.s32 s2, s5;
	s2 =	simm.s32 $0x1E0  }
.LBB2_8:
0x1f: {  	[bflag:$0x0] =	sbarrier.arrive $0xFFFF  }
0x20: {  	s8 =	rddreg [dreg:$0x6]  }
0x21: {  	s0 =	rddreg [dreg:$0xc]  }
0x22: {  	s6 =	rddreg [dreg:$0xf]  }
0x23: {  	[hbm:s0], [sflag:s8] =	dma.local [spmem:s6], $0x2780  }
0x24: {  	_ =	swait.ge [sflag:s25], $0x2780  }
0x25: {  	s10 =	sadd.s32 $0x1, s10;
	s30 =	rddreg [dreg:$0xd]  }
0x26: {  	p0 =	sne.s32 s10, s30  }
.Ltmp1:
0x27: {  	_ = 	snop;
	(pc) =	sbr.rel @!p0 .LBB2_9-.Ltmp1, $3  }
0x28: {  	_ =	sdelay $0x1  }
0x29: {  	[sflag:s25] =	ssyncset.done $0x0  }
0x2a: {  	[sflag:s25] =	ssyncadd.s32 $0xFFFFD880  }
.LBB2_1:
0x2b: {  	s0 =	rddreg [dreg:$0x5]  }
0x2c: {  	[spmem:s6], [sflag:s8] =	dma.local [hbm:s0], $0x2780  }
0x2d: {  	_ =	swait.ge [sflag:s25], $0x2780  }
0x2e: {  	[sflag:s25] =	ssyncset.done $0x0  }
0x2f: {  	[sflag:s25] =	ssyncadd.s32 $0xFFFFD880  }
0x30: {  	[bflag:$0x0] =	sbarrier.arrive $0xFFFF  }
0x31: {  	s8 =	rddreg [dreg:$0x4]  }
0x32: {  	[tilespmem:s4], [sflag:$0x9] =	stream.linear.gather [hbm4b:s8+s4], $0x50, $0x38;
	[tilespmem:$0x1DE80] =	vst v63  }
0x33: {  	_ =	swait.ge [sflag:s25], $0x50  }
0x34: {  	[sflag:s25] =	ssyncset.done $0x0  }
0x35: {  	s11 =	rddreg [dreg:$0x7];
	[sflag:s25] =	ssyncadd.s32 $0xFFFFFFB0  }
0x36: {  	[tilespmem:s26], [sflag:$0x9] =	stream.linear.gather [hbm4b:s11+s4], $0x50, $0x38;
	[tilespmem:$0x1DE80] =	vst v63  }
0x37: {  	_ =	swait.ge [sflag:s25], $0x50  }
0x38: {  	[sflag:s25] =	ssyncset.done $0x0  }
0x39: {  	[sflag:s25] =	ssyncadd.s32 $0xFFFFFFB0  }
0x3a: {  	[tilespmem:s29], [sflag:$0x1] =	stream.indirect.gather [hbm4b:s1+s28], $0x80, s4, s28, $0xb8;
	[tilespmem:$0x1DE80] =	vst v63  }
0x3b: {  	s12 =	rddreg [dreg:$0x8]  }
0x3c: {  	[tilespmem:s28], [sflag:$0x9] =	stream.linear.gather [hbm4b:s12+s4], $0x50, $0x38;
	[tilespmem:$0x1DE80] =	vst v63  }
0x3d: {  	_ =	swait.ge [sflag:s25], $0x50  }
0x3e: {  	[sflag:s25] =	ssyncset.done $0x0  }
0x3f: {  	s14 =	simm.s32 $0x190;
	s13 =	rddreg [dreg:$0x9];
	[sflag:s25] =	ssyncadd.s32 $0xFFFFFFB0  }
0x40: {  	[tilespmem:s14], [sflag:$0x9] =	stream.linear.gather [hbm4b:s13+s4], $0x50, $0x38;
	[tilespmem:$0x1DE80] =	vst v63  }
0x41: {  	_ =	swait.ge [sflag:s25], $0x50  }
0x42: {  	[sflag:s25] =	ssyncset.done $0x0  }
0x43: {  	s15 =	simm.s32 $0x2A80;
	[sflag:s25] =	ssyncadd.s32 $0xFFFFFFB0  }
0x44: {  	[tilespmem:s15], [sflag:$0x2] =	stream.indirect.gather [hbm4b:s1+s28], $0x80, s28, s28, $0xb8;
	[tilespmem:$0x1DE80] =	vst v63  }
0x45: {  	s24 =	simm.s32 $0xA0;
	s20 =	rddreg [dreg:$0xa]  }
0x46: {  	[tilespmem:s24], [sflag:$0x9] =	stream.linear.gather [hbm4b:s20+s4], $0x50, $0x38;
	[tilespmem:$0x1DE80] =	vst v63  }
0x47: {  	_ =	swait.ge [sflag:s25], $0x50  }
0x48: {  	[sflag:s25] =	ssyncset.done $0x0  }
0x49: {  	s30 =	rddreg [dreg:$0xb];
	[sflag:s25] =	ssyncadd.s32 $0xFFFFFFB0  }
0x4a: {  	[tilespmem:s2], [sflag:$0x9] =	stream.linear.gather [hbm4b:s30+s4], $0x50, $0x38;
	[tilespmem:$0x1DE80] =	vst v63  }
.Ltmp2:
0x4b: {  	_ = 	snop;
	(pc) =	sbr.rel .LBB2_2-.Ltmp2, $4  }
0x4c: {  	_ =	swait.ge [sflag:s25], $0x50  }
0x4d: {  	s11 =	simm.s32 $0x3;
	s13 =	simm.s32 $0x0;
	[sflag:s25] =	ssyncset.done $0x0  }
0x4e: {  	s14 =	simm.s32 $0x0;
	s20 =	rddreg [dreg:$0xe];
	[sflag:s25] =	ssyncadd.s32 $0xFFFFFFB0  }
0x4f: {  	[tilespmem:s31], [sflag:$0x3] =	stream.indirect.gather [hbm4b:s1+s28], $0x80, s24, s28, $0xb8;
	[tilespmem:$0x1DE80] =	vst v63  }
.LBB2_4:
0x50: {  	s8 =	sadd.s32 s13, s18  }
0x51: {  	[tilespmem:s28], [sflag:$0x6] =	stream.linear.gather [hbm4b:s8+s4], $0x50, $0x38;
	[tilespmem:$0x1DE80] =	vst v63  }
0x52: {  	s30 =	sadd.s32 s13, s19;
	s24 =	simm.s32 $0x190  }
0x53: {  	[tilespmem:s24], [sflag:$0x6] =	stream.linear.gather [hbm4b:s30+s4], $0x50, $0x38;
	[tilespmem:$0x1DE80] =	vst v63  }
.LBB2_6:
0x54: {  	_ =	swait.ge [sflag:s9], $0x2800  }
0x55: {  	[sflag:s9] =	ssyncset.done $0x0  }
0x56: {  	[sflag:s9] =	ssyncadd.s32 $0xFFFFD800  }
0x57: {  	[spmem:s3] =	stream.indirect.scatter.add.f32 [tilespmem:s31], [sflag:$0x9], $0x80, s2, s28, $0xb8;
	[tilespmem:$0x1DE80] =	vst v63  }
0x58: {  	_ =	swait.ge [sflag:s25], $0x2800  }
0x59: {  	[sflag:s25] =	ssyncset.done $0x0  }
0x5a: {  	s8 =	simm.s32 @!p2 $0x6;
	[sflag:s25] =	ssyncadd.s32 $0xFFFFD800  }
0x5b: {  	_ =	swait.ge @!p2 [sflag:s8], $0x50  }
0x5c: {  	[sflag:s8] =	ssyncset.done @!p2 $0x0  }
0x5d: {  	[sflag:s8] =	ssyncadd.s32 @!p2 $0xFFFFFFB0  }
0x5e: {  	_ =	swait.ge @!p2 [sflag:s8], $0x50  }
0x5f: {  	s24 =	simm.s32 @!p2 $0x2A80;
	s30 =	simm.s32 @!p2 $0xA0;
	[sflag:s8] =	ssyncset.done @!p2 $0x0  }
0x60: {  	p3 =	por @!p2 $0x1, $0x1;
	[sflag:s8] =	ssyncadd.s32 @!p2 $0xFFFFFFB0;
	s8 =	simm.s32 @!p2 $0x50  }
0x61: {  	[tilespmem:s24], [sflag:$0x2] =	stream.indirect.gather @!p2 [hbm4b:s1+s8], $0x80, s8, s8, $0xb8;
	[tilespmem:$0x1DE80] =	vst v63  }
0x62: {  	p1 =	por $0x0, $0x0;
	s8 =	sadd.s32 @!p2 s13, s16;
	s24 =	simm.s32 @!p2 $0x0  }
0x63: {  	[tilespmem:s30], [sflag:$0x7] =	stream.linear.gather @!p2 [hbm4b:s8+s24], $0x50, $0x38;
	[tilespmem:$0x1DE80] =	vst v63  }
0x64: {  	p1 =	por @!p2 p3, p3;
	s8 =	sadd.s32 @!p2 s13, s17;
	s30 =	simm.s32 @!p2 $0x1E0  }
0x65: {  	[tilespmem:s30], [sflag:$0x7] =	stream.linear.gather @!p2 [hbm4b:s8+s24], $0x50, $0x38;
	[tilespmem:$0x1DE80] =	vst v63  }
.LBB2_7:
0x66: {  	s8 =	simm.s32 @!p0 $0x4  }
0x67: {  	_ =	swait.ge @!p0 [sflag:s8], $0x2800  }
0x68: {  	[sflag:s8] =	ssyncset.done @!p0 $0x0  }
0x69: {  	[sflag:s8] =	ssyncadd.s32 @!p0 $0xFFFFD800  }
0x6a: {  	[spmem:s3] =	stream.indirect.scatter.add.f32 @!p0 [tilespmem:s0], [sflag:$0x9], $0x80, s15, s12, $0xb8;
	[tilespmem:$0x1DE80] =	vst v63  }
0x6b: {  	_ =	swait.ge @!p0 [sflag:s6], $0x2800  }
0x6c: {  	[sflag:s6] =	ssyncset.done @!p0 $0x0  }
0x6d: {  	s0 =	simm.s32 @p1 $0x7;
	[sflag:s6] =	ssyncadd.s32 @!p0 $0xFFFFD800  }
0x6e: {  	s13 =	sadd.s32 $0x28, s13;
	_ =	swait.ge @p1 [sflag:s0], $0x50  }
0x6f: {  	p0 =	sne.s32 s13, $0x500;
	[sflag:s0] =	ssyncset.done @p1 $0x0  }
.Ltmp3:
0x70: {  	[sflag:s0] =	ssyncadd.s32 @p1 $0xFFFFFFB0;
	(pc) =	sbr.rel @!p0 .LBB2_8-.Ltmp3, $4  }
0x71: {  	s14 =	sadd.s32 $0x1, s14;
	s20 =	sadd.s32 $0x140, s20;
	_ =	swait.ge @p1 [sflag:s0], $0x50  }
0x72: {  	s11 =	sadd.s32 $0x4, s11;
	s8 =	simm.s32 @p1 $0x5280;
	[sflag:s0] =	ssyncset.done @p1 $0x0  }
0x73: {  	s6 =	simm.s32 @p1 $0xA0;
	[sflag:s0] =	ssyncadd.s32 @p1 $0xFFFFFFB0;
	s0 =	simm.s32 @p1 $0x50  }
0x74: {  	[tilespmem:s8], [sflag:$0x3] =	stream.indirect.gather @p1 [hbm4b:s1+s0], $0x80, s6, s0, $0xb8;
	[tilespmem:$0x1DE80] =	vst v63  }
.LBB2_2:
0x75: {  	p0 =	sgt.u32 s11, $0x7C  }
0x76: {  	s0 =	simm.s32 @p0 $0x1  }
0x77: {  	_ =	swait.ge @p0 [sflag:s0], $0x2800  }
0x78: {  	s6 =	simm.s32 @p0 $0x140;
	[sflag:s0] =	ssyncset.done @p0 $0x0  }
0x79: {  	s12 =	simm.s32 @p0 $0x280;
	[sflag:s0] =	ssyncadd.s32 @p0 $0xFFFFD800;
	s0 =	simm.s32 @p0 $0x50  }
0x7a: {  	[spmem:s3] =	stream.indirect.scatter.add.f32 @p0 [tilespmem:s12], [sflag:$0x9], $0x80, s6, s0, $0xb8;
	[tilespmem:$0x1DE80] =	vst v63  }
0x7b: {  	s0 =	simm.s32 @p0 $0x9  }
0x7c: {  	_ =	swait.ge @p0 [sflag:s0], $0x2800  }
0x7d: {  	s8 =	simm.s32 @!p0 $0xF0;
	[sflag:s0] =	ssyncset.done @p0 $0x0  }
0x7e: {  	s6 =	simm.s32 @!p0 $0x0;
	[sflag:s0] =	ssyncadd.s32 @p0 $0xFFFFD800;
	s0 =	sadd.s32 @!p0 s13, s22  }
0x7f: {  	[tilespmem:s8], [sflag:$0x8] =	stream.linear.gather @!p0 [hbm4b:s0+s6], $0x50, $0x38;
	[tilespmem:$0x1DE80] =	vst v63  }
0x80: {  	s15 =	simm.s32 @!p0 $0x230;
	s0 =	sadd.s32 @!p0 s13, s23  }
0x81: {  	[tilespmem:s15], [sflag:$0x8] =	stream.linear.gather @!p0 [hbm4b:s0+s6], $0x50, $0x38;
	[tilespmem:$0x1DE80] =	vst v63  }
0x82: {  	s0 =	simm.s32 @!p0 $0x1  }
0x83: {  	_ =	swait.ge @!p0 [sflag:s0], $0x2800  }
0x84: {  	s12 =	simm.s32 @!p0 $0x50;
	[sflag:s0] =	ssyncset.done @!p0 $0x0  }
0x85: {  	s6 =	simm.s32 @!p0 $0x280;
	[sflag:s0] =	ssyncadd.s32 @!p0 $0xFFFFD800;
	s0 =	simm.s32 @!p0 $0x140  }
0x86: {  	[spmem:s3] =	stream.indirect.scatter.add.f32 @!p0 [tilespmem:s6], [sflag:$0x9], $0x80, s0, s12, $0xb8;
	[tilespmem:$0x1DE80] =	vst v63  }
0x87: {  	s6 =	simm.s32 @!p0 $0x9  }
0x88: {  	_ =	swait.ge @!p0 [sflag:s6], $0x2800  }
0x89: {  	[sflag:s6] =	ssyncset.done @!p0 $0x0  }
0x8a: {  	s0 =	simm.s32 @!p0 $0x8;
	[sflag:s6] =	ssyncadd.s32 @!p0 $0xFFFFD800  }
0x8b: {  	_ =	swait.ge @!p0 [sflag:s0], $0x50  }
0x8c: {  	p2 =	seq.s32 s13, $0x4D8;
	[sflag:s0] =	ssyncset.done @!p0 $0x0  }
.Ltmp4:
0x8d: {  	[sflag:s0] =	ssyncadd.s32 @!p0 $0xFFFFFFB0;
	(pc) =	sbr.rel @p2 .LBB2_7-.Ltmp4, $4  }
0x8e: {  	_ =	swait.ge @!p0 [sflag:s0], $0x50  }
0x8f: {  	[sflag:s0] =	ssyncset.done @!p0 $0x0  }
0x90: {  	p1 =	por $0x0, $0x0;
	[sflag:s0] =	ssyncadd.s32 @!p0 $0xFFFFFFB0;
	s0 =	simm.s32 @!p0 $0x7A80  }
0x91: {  	[tilespmem:s0], [sflag:$0x4] =	stream.indirect.gather @!p0 [hbm4b:s1+s12], $0x80, s8, s12, $0xb8;
	[tilespmem:$0x1DE80] =	vst v63  }
0x92: {  	s8 =	sshrl.u32 s20, $0x3  }
0x93: {  	p3 =	sgt.u32 s14, $0x1E;
	s8 =	sadd.s32 s5, s8  }
0x94: {  	[tilespmem:s4], [sflag:$0x5] =	stream.linear.gather [hbm4b:s8+s4], $0x50, $0x38;
	[tilespmem:$0x1DE80] =	vst v63  }
0x95: {  	s30 =	sadd.s32 s13, s21;
	s8 =	simm.s32 @!p3 $0x2  }
0x96: {  	[tilespmem:s26], [sflag:$0x5] =	stream.linear.gather [hbm4b:s30+s4], $0x50, $0x38;
	[tilespmem:$0x1DE80] =	vst v63  }
0x97: {  	_ =	swait.ge @!p3 [sflag:s8], $0x2800  }
0x98: {  	s24 =	simm.s32 @!p3 $0x190;
	[sflag:s8] =	ssyncset.done @!p3 $0x0  }
0x99: {  	s30 =	simm.s32 @!p3 $0x2A80;
	[sflag:s8] =	ssyncadd.s32 @!p3 $0xFFFFD800;
	s8 =	simm.s32 @!p3 $0x50  }
0x9a: {  	[spmem:s3] =	stream.indirect.scatter.add.f32 @!p3 [tilespmem:s30], [sflag:$0x9], $0x80, s24, s8, $0xb8;
	[tilespmem:$0x1DE80] =	vst v63  }
0x9b: {  	s8 =	simm.s32 @!p3 $0x9  }
0x9c: {  	_ =	swait.ge @!p3 [sflag:s8], $0x2800  }
0x9d: {  	[sflag:s8] =	ssyncset.done @!p3 $0x0  }
0x9e: {  	[sflag:s8] =	ssyncadd.s32 @!p3 $0xFFFFD800  }
0x9f: {  	_ =	swait.ge [sflag:s7], $0x50  }
0xa0: {  	p2 =	sgt.u32 s14, $0x1D;
	[sflag:s7] =	ssyncset.done $0x0  }
.Ltmp5:
0xa1: {  	[sflag:s7] =	ssyncadd.s32 $0xFFFFFFB0;
	(pc) =	sbr.rel @!p2 .LBB2_4-.Ltmp5, $4  }
0xa2: {  	_ =	swait.ge [sflag:s7], $0x50  }
0xa3: {  	[sflag:s7] =	ssyncset.done $0x0  }
0xa4: {  	[sflag:s7] =	ssyncadd.s32 $0xFFFFFFB0  }
0xa5: {  	[tilespmem:s29], [sflag:$0x1] =	stream.indirect.gather [hbm4b:s1+s28], $0x80, s4, s28, $0xb8;
	[tilespmem:$0x1DE80] =	vst v63  }
.Ltmp6:
0xa6: {  	(pc) =	sbr.rel @p3 .LBB2_7-.Ltmp6, $4  }
.Ltmp7:
0xa7: {  	(pc) =	sbr.rel @!p3 .LBB2_6-.Ltmp7, $4  }
0xa8: {  	_ = 	snop  }
0xa9: {  	_ = 	snop  }
0xaa: {  	_ = 	snop  }
0xab: {  	_ = 	snop  }
.LBB2_9:
0xac: {  	_ =	sfence.sel $0x180000  }
0xad: {  	[bflag:$0x0] =	sbarrier.arrive $0xFFFF  }
0xae: {  	_ =	strace $0x90000047  }
0xaf: {  	s0 =	stileid.u32;
	[bflag:$0x2] =	sbarrier.arrive $0xFFFF  }
0xb0: {  	p0 =	sne.s32 s0, $0x0;
	s0 =	rddreg [dreg:$0x3]  }
0xb1: {  	s0 =	sadd.s32 @!p0 $0x100000, s0  }
0xb2: {  	[sflag:s0] =	ssyncadd.tile.s32 @!p0 $0x1;
	_ =	shalt  }
.Lfunc_end2:
_tile_overlayer_lowered:
.L_overlay_start_2:
0xb3: {  	(tag) =	ssettag $0x2  }
0xb4: {  	s0 =	rddreg [dreg:$0x0];
	s2 =	stileid.u32  }
0xb5: {  	s1 =	rddreg [dreg:$0x1];
	p0 =	sne.s32 s2, $0x0  }
0xb6: {  	s3 =	rddreg [dreg:$0x2];
	[bflag:$0x3] =	sbarrier.arrive $0xFFFF;
	s2 =	simm.s32 @!p0 $0x1C09  }
0xb7: {  	[timem:s3], [sflag:s2] =	dma.local @!p0 [hbm:s0], s1  }
0xb8: {  	s0 =	simm.s32 @!p0 $0x9  }
0xb9: {  	_ =	swait.ge @!p0 [sflag:s0], s1  }
0xba: {  	s1 =	ssub.s32 @!p0 $0x0, s1;
	[sflag:s0] =	ssyncset.done @!p0 $0x0  }
0xbb: {  	[sflag:s0] =	ssyncadd.s32 @!p0 s1  }
0xbc: {  	[bflag:$0x3] =	sbarrier.arrive $0xFFFF  }
0xbd: {  	_ =	shalt  }

</sc_bundles>
